<compile_context>
chip_gen: v7x
topology: tpu7x:2x2x1
jax: 0.10.2.dev20260603
libtpu: 0.0.44.dev20260713+nightly
codegen_flags: <defaults>
</compile_context>

<pallas_src>
import functools

import jax
import jax.numpy as jnp
from jax import lax
from jax.experimental import pallas as pl
from jax.experimental.pallas import tpu as pltpu
from jax.experimental.pallas import tpu_sc as plsc

N_NODES = 10000
D = 128
N_CLASSES = 40

NC = 2
NS = 16
NW = NC * NS
K = 80
N_EDGES = 320000
EPW = N_EDGES // NW
NCH = EPW // K
ACC_ROWS = N_NODES
DEG_ROWS = 10240
RPT = 624


def _sc_agg_body(with_deg, table, src1d, dst1d, z2d, z1d, *rest):
    if with_deg:
        (out, degout, acc, deg_s, sring, dring, rows, degb,
         gsem, isem, vsem, ssem, dsem) = rest
    else:
        out, acc, sring, dring, rows, gsem, isem, vsem, ssem, dsem = rest
    c = lax.axis_index("c")
    s = lax.axis_index("s")
    w = c * NS + s
    ib = w * EPW

    tail = N_NODES - NS * RPT
    pltpu.sync_copy(z2d, acc.at[pl.ds(s * RPT, RPT)])
    for j in range(4):
        pltpu.sync_copy(src1d.at[pl.ds(ib + j * K, K)], sring.at[j])
    for j in range(3):
        pltpu.sync_copy(dst1d.at[pl.ds(ib + j * K, K)], dring.at[j])
    if with_deg:
        pltpu.sync_copy(z1d, deg_s.at[pl.ds(s * (DEG_ROWS // NS),
                                            DEG_ROWS // NS)])
        for j in range(K // 16):
            degb[pl.ds(j * 16, 16)] = jnp.ones((16,), jnp.float32)

    @pl.when(s == 0)
    def _():
        pltpu.sync_copy(z2d.at[pl.ds(0, tail)], acc.at[pl.ds(NS * RPT, tail)])
    plsc.subcore_barrier()

    for j in range(3):
        pltpu.async_copy(table.at[sring.at[j]], rows.at[j], gsem)

    def step(i, carry):
        b = lax.rem(i, 4)
        pltpu.make_async_copy(table.at[sring.at[0]], rows.at[b], gsem).wait()

        @pl.when(i >= 1)
        def _():
            pltpu.make_async_copy(rows.at[0], acc.at[dring.at[0]],
                                  ssem).wait()
            if with_deg:
                pltpu.make_async_copy(degb, deg_s.at[dring.at[0]],
                                      dsem).wait()

        @pl.when((i >= 1) & (i + 3 < NCH))
        def _():
            pltpu.make_async_copy(src1d.at[pl.ds(ib, K)], sring.at[0],
                                  isem).wait()

        @pl.when((i >= 1) & (i + 2 < NCH))
        def _():
            pltpu.make_async_copy(dst1d.at[pl.ds(ib, K)], dring.at[0],
                                  vsem).wait()

        @pl.when(i + 3 < NCH)
        def _():
            pltpu.async_copy(table.at[sring.at[lax.rem(i + 3, 4)]],
                             rows.at[lax.rem(i + 3, 4)], gsem)
            pltpu.async_copy(dst1d.at[pl.ds(ib + (i + 3) * K, K)],
                             dring.at[lax.rem(i + 3, 4)], vsem)

        @pl.when(i + 4 < NCH)
        def _():
            pltpu.async_copy(src1d.at[pl.ds(ib + (i + 4) * K, K)],
                             sring.at[lax.rem(i, 4)], isem)

        pltpu.async_copy(rows.at[b], acc.at[dring.at[lax.rem(i, 4)]],
                         ssem, add=True)
        if with_deg:
            pltpu.async_copy(degb, deg_s.at[dring.at[lax.rem(i, 4)]],
                             dsem, add=True)
        return carry

    lax.fori_loop(0, NCH, step, 0)
    pltpu.make_async_copy(rows.at[0], acc.at[dring.at[0]], ssem).wait()
    if with_deg:
        pltpu.make_async_copy(degb, deg_s.at[dring.at[0]], dsem).wait()
    plsc.subcore_barrier()

    pltpu.sync_copy(acc.at[pl.ds(s * RPT, RPT)], out.at[c, pl.ds(s * RPT, RPT)])
    if with_deg:
        for j, sz in tuple((j, K) for j in range(7)) + ((7, RPT - 7 * K),):
            pltpu.sync_copy(deg_s.at[pl.ds(s * RPT + j * K, sz)],
                            degb.at[pl.ds(0, sz)])
            pltpu.sync_copy(degb.at[pl.ds(0, sz)],
                            degout.at[pl.ds(c * N_NODES + s * RPT + j * K,
                                            sz)])

    @pl.when(s == 0)
    def _():
        pltpu.sync_copy(acc.at[pl.ds(NS * RPT, tail)],
                        out.at[c, pl.ds(NS * RPT, tail)])
        if with_deg:
            pltpu.sync_copy(deg_s.at[pl.ds(NS * RPT, tail)],
                            degb.at[pl.ds(0, tail)])
            pltpu.sync_copy(degb.at[pl.ds(0, tail)],
                            degout.at[pl.ds(c * N_NODES + NS * RPT, tail)])


def _make_sc_agg(with_deg):
    mesh = plsc.VectorSubcoreMesh(core_axis_name="c", subcore_axis_name="s")
    common = [
        pltpu.VMEM_SHARED((ACC_ROWS, D), jnp.float32),
    ]
    bufs = [
        pltpu.VMEM((4, K), jnp.int32),
        pltpu.VMEM((4, K), jnp.int32),
        pltpu.VMEM((4, K, D), jnp.float32),
    ]
    sems = [pltpu.SemaphoreType.DMA] * 5
    if with_deg:
        out_type = (
            jax.ShapeDtypeStruct((NC, N_NODES, D), jnp.float32),
            jax.ShapeDtypeStruct((NC * N_NODES,), jnp.float32),
        )
        scratch = common + [pltpu.VMEM_SHARED((DEG_ROWS,), jnp.float32)] \
            + bufs + [pltpu.VMEM((K,), jnp.float32)] + sems
    else:
        out_type = jax.ShapeDtypeStruct((NC, N_NODES, D), jnp.float32)
        scratch = common + bufs + sems
    return pl.kernel(
        functools.partial(_sc_agg_body, with_deg),
        out_type=out_type,
        mesh=mesh,
        scratch_types=scratch,
    )


BR = 1000


def _mean_agg(sp_ref, degT_ref):
    ssum = sp_ref[0] + sp_ref[1]
    deg = jnp.sum(degT_ref[...], axis=1, keepdims=True)
    invd = 1.0 / jnp.clip(deg, 1.0, None)
    return ssum * invd


def _dense1_body(x_ref, sp_ref, degT_ref, Ws_ref, Wn_ref, b_ref, o_ref):
    agg = _mean_agg(sp_ref, degT_ref)
    h = jnp.dot(x_ref[...], Ws_ref[...], preferred_element_type=jnp.float32)
    h = h + jnp.dot(agg, Wn_ref[...], preferred_element_type=jnp.float32)
    h = h + b_ref[...][None, :]
    o_ref[...] = jnp.maximum(h, 0.0)


def _dense2_body(x_ref, sp_ref, degT_ref, Ws_ref, Wn_ref, b_ref, Wo_ref,
                 bo_ref, o_ref):
    agg = _mean_agg(sp_ref, degT_ref)
    h = jnp.dot(x_ref[...], Ws_ref[...], preferred_element_type=jnp.float32)
    h = h + jnp.dot(agg, Wn_ref[...], preferred_element_type=jnp.float32)
    h = jnp.maximum(h + b_ref[...][None, :], 0.0)
    o_ref[...] = (
        jnp.dot(h, Wo_ref[...], preferred_element_type=jnp.float32)
        + bo_ref[...][None, :]
    )


_W_SPEC = pl.BlockSpec((D, D), lambda i: (0, 0))
_B_SPEC = pl.BlockSpec((D,), lambda i: (0,))
_X_SPEC = pl.BlockSpec((BR, D), lambda i: (i, 0))
_SP_SPEC = pl.BlockSpec((NC, BR, D), lambda i: (0, i, 0))
_DEG_SPEC = pl.BlockSpec((BR, NC), lambda i: (i, 0))

_dense1 = pl.pallas_call(
    _dense1_body,
    grid=(N_NODES // BR,),
    in_specs=[_X_SPEC, _SP_SPEC, _DEG_SPEC, _W_SPEC, _W_SPEC, _B_SPEC],
    out_specs=_X_SPEC,
    out_shape=jax.ShapeDtypeStruct((N_NODES, D), jnp.float32),
)

_dense2 = pl.pallas_call(
    _dense2_body,
    grid=(N_NODES // BR,),
    in_specs=[_X_SPEC, _SP_SPEC, _DEG_SPEC, _W_SPEC, _W_SPEC, _B_SPEC,
              pl.BlockSpec((D, N_CLASSES), lambda i: (0, 0)),
              pl.BlockSpec((N_CLASSES,), lambda i: (0,))],
    out_specs=pl.BlockSpec((BR, N_CLASSES), lambda i: (i, 0)),
    out_shape=jax.ShapeDtypeStruct((N_NODES, N_CLASSES), jnp.float32),
)

_sc_agg_deg = _make_sc_agg(True)
_sc_agg = _make_sc_agg(False)


def kernel(features, edge_index, W_self1, W_neigh1, b1, W_self2, W_neigh2,
           b2, W_out, b_out):
    src1d = edge_index[0]
    dst1d = edge_index[1]
    z2d = jnp.zeros((RPT, D), jnp.float32)
    z1d = jnp.zeros((DEG_ROWS // NS,), jnp.float32)

    sp1, deg_flat = _sc_agg_deg(features, src1d, dst1d, z2d, z1d)
    degT = deg_flat.reshape(NC, N_NODES).T
    h1 = _dense1(features, sp1, degT, W_self1, W_neigh1, b1)
    sp2 = _sc_agg(h1, src1d, dst1d, z2d, z1d)
    return _dense2(h1, sp2, degT, W_self2, W_neigh2, b2, W_out, b_out)

# --- scband reference (transcript-rebuilt; emitter-appended) ---
"""Pipeline reference for scband-graph-sage-73383811219521 (READ-ONLY COPY).

The authoritative reference and input builder live on the scoring server;
editing this copy changes nothing except your own understanding.
"""

import jax, jax.numpy as jnp
import numpy as np

N_NODES = 10000
N_EDGES = 320000
D_IN = 128
D_HID = 128
N_CLASSES = 40


def setup_inputs(seed: int = 0) -> dict:
    key = jax.random.key(seed)
    ks = jax.random.split(key, 12)
    features = jax.random.normal(ks[0], (N_NODES, D_IN), dtype=jnp.float32)
    edge_index = jax.random.randint(ks[1], (2, N_EDGES), 0, N_NODES, dtype=jnp.int64 if jax.config.jax_enable_x64 else jnp.int32).astype(jnp.int32)
    s = 0.05
    W_self1 = jax.random.normal(ks[2], (D_IN, D_HID), dtype=jnp.float32) * s
    W_neigh1 = jax.random.normal(ks[3], (D_IN, D_HID), dtype=jnp.float32) * s
    b1 = jnp.zeros((D_HID,), dtype=jnp.float32)
    W_self2 = jax.random.normal(ks[4], (D_HID, D_HID), dtype=jnp.float32) * s
    W_neigh2 = jax.random.normal(ks[5], (D_HID, D_HID), dtype=jnp.float32) * s
    b2 = jnp.zeros((D_HID,), dtype=jnp.float32)
    W_out = jax.random.normal(ks[6], (D_HID, N_CLASSES), dtype=jnp.float32) * s
    b_out = jnp.zeros((N_CLASSES,), dtype=jnp.float32)
    return {
        "features": features,
        "edge_index": edge_index,
        "W_self1": W_self1, "W_neigh1": W_neigh1, "b1": b1,
        "W_self2": W_self2, "W_neigh2": W_neigh2, "b2": b2,
        "W_out": W_out, "b_out": b_out,
    }


def _sage_layer(x, src, dst, W_self, W_neigh, b, apply_act):
    # mean aggregation over incoming neighbors (DGL SAGEConv 'mean')
    msgs = x[src]
    summed = jax.ops.segment_sum(msgs, dst, num_segments=N_NODES)
    deg = jax.ops.segment_sum(jnp.ones((src.shape[0],), dtype=x.dtype), dst, num_segments=N_NODES)
    agg = summed / jnp.clip(deg, 1.0, None)[:, None]
    h = x @ W_self + agg @ W_neigh + b
    if apply_act:
        h = jax.nn.relu(h)
    return h


def reference(features, edge_index, W_self1, W_neigh1, b1, W_self2, W_neigh2, b2, W_out, b_out):
    src = edge_index[0]
    dst = edge_index[1]
    h = _sage_layer(features, src, dst, W_self1, W_neigh1, b1, True)
    h = _sage_layer(h, src, dst, W_self2, W_neigh2, b2, True)
    out = h @ W_out + b_out
    return out

if __name__ == "__main__":
    import jax
    _d = setup_inputs()
    print(jax.jit(kernel)(*tuple(_d.values())))

</pallas_src>

<mosaic_0001>
#map = affine_map<(d0, d1) -> (0, 0)>
#map1 = affine_map<(d0, d1) -> (0)>
#map2 = affine_map<(d0, d1) -> (0, 0, 0)>
module attributes {stable_mosaic.version = 14 : i64} {
  func.func @_sc_agg_body(%arg0: i32, %arg1: i32, %arg2: memref<10000x128xf32, #tpu.memory_space<hbm>>, %arg3: memref<320000xi32, #tpu.memory_space<hbm>>, %arg4: memref<320000xi32, #tpu.memory_space<hbm>>, %arg5: memref<624x128xf32, #tpu.memory_space<hbm>>, %arg6: memref<640xf32, #tpu.memory_space<hbm>>, %arg7: memref<2x10000x128xf32, #tpu.memory_space<hbm>>, %arg8: memref<20000xf32, #tpu.memory_space<hbm>>, %arg9: memref<10000x128xf32, #tpu.memory_space<vmem_shared>>, %arg10: memref<10240xf32, #tpu.memory_space<vmem_shared>>, %arg11: memref<4x80xi32, #tpu.memory_space<vmem>>, %arg12: memref<4x80xi32, #tpu.memory_space<vmem>>, %arg13: memref<4x80x128xf32, #tpu.memory_space<vmem>>, %arg14: memref<80xf32, #tpu.memory_space<vmem>>, %arg15: memref<!tpu.dma_semaphore, #tpu.memory_space<semaphore_mem>>, %arg16: memref<!tpu.dma_semaphore, #tpu.memory_space<semaphore_mem>>, %arg17: memref<!tpu.dma_semaphore, #tpu.memory_space<semaphore_mem>>, %arg18: memref<!tpu.dma_semaphore, #tpu.memory_space<semaphore_mem>>, %arg19: memref<!tpu.dma_semaphore, #tpu.memory_space<semaphore_mem>>) attributes {dimension_semantics = [#tpu.dimension_semantics<core_parallel>, #tpu.dimension_semantics<subcore_parallel>], iteration_bounds = array<i64: 2, 16>, scalar_prefetch = 0 : i64, scratch_operands = 11 : i64, tpu.core_type = #tpu.core_type<sc_vector_subcore>, window_params = [{transform_indices = #map}, {transform_indices = #map1}, {transform_indices = #map1}, {transform_indices = #map}, {transform_indices = #map1}, {transform_indices = #map2}, {transform_indices = #map1}]} {
    %mul3A = arith.constant 16 : i32
    %mul3A_0 = arith.muli %arg0, %mul3A : i32
    %add3A = arith.addi %mul3A_0, %arg1 : i32
    %mul3A_1 = arith.constant 10000 : i32
    %mul3A_2 = arith.muli %add3A, %mul3A_1 : i32
    %mul3A_3 = arith.constant 624 : i32
    %mul3A_4 = arith.muli %arg1, %mul3A_3 : i32
    "tpu.region"() ({
      %run_scoped3A_212 = tpu.sem_alloc : memref<!tpu.dma_semaphore, #tpu.memory_space<semaphore_mem>>
      %dma_start3A_213 = arith.constant 0 : i32
      %dma_start3A_214 = tpu.memref_slice %arg9[%mul3A_4, %dma_start3A_213] : memref<10000x128xf32, #tpu.memory_space<vmem_shared>> -> memref<624x128xf32, #tpu.memory_space<vmem_shared>>
      tpu.enqueue_dma source(%arg5 : memref<624x128xf32, #tpu.memory_space<hbm>>) target(%dma_start3A_214 : memref<624x128xf32, #tpu.memory_space<vmem_shared>>) target_semaphore(%run_scoped3A_212 : memref<!tpu.dma_semaphore, #tpu.memory_space<semaphore_mem>>)
      %dma_wait3A_215 = arith.constant 0 : i32
      %dma_wait3A_216 = tpu.memref_slice %arg9[%mul3A_4, %dma_wait3A_215] : memref<10000x128xf32, #tpu.memory_space<vmem_shared>> -> memref<624x128xf32, #tpu.memory_space<vmem_shared>>
      tpu.wait_dma2 semaphore(%run_scoped3A_212 : memref<!tpu.dma_semaphore, #tpu.memory_space<semaphore_mem>>) src(%arg5 : memref<624x128xf32, #tpu.memory_space<hbm>>) dst(%dma_wait3A_216 : memref<624x128xf32, #tpu.memory_space<vmem_shared>>)
      tpu.yield
    }) : () -> ()
    %add3A_5 = arith.constant 0 : i32
    %add3A_6 = arith.addi %mul3A_2, %add3A_5 : i32
    %run_scoped3A = arith.constant 0 : i32
    "tpu.region"() ({
      %run_scoped3A_212 = tpu.sem_alloc : memref<!tpu.dma_semaphore, #tpu.memory_space<semaphore_mem>>
      %dma_start3A_213 = arith.constant 0 : i32
      %dma_start3A_214 = tpu.memref_slice %arg11[%run_scoped3A, %dma_start3A_213] : memref<4x80xi32, #tpu.memory_space<vmem>> -> memref<1x80xi32, #tpu.memory_space<vmem>>
      %dma_start3A_215 = tpu.memref_squeeze %dma_start3A_214 : memref<1x80xi32, #tpu.memory_space<vmem>> -> memref<80xi32, #tpu.memory_space<vmem>>
      %dma_start3A_216 = tpu.memref_slice %arg3[%add3A_6] : memref<320000xi32, #tpu.memory_space<hbm>> -> memref<80xi32, #tpu.memory_space<hbm>>
      %dma_start3A_217 = arith.constant 0 : i32
      %dma_start3A_218 = tpu.memref_slice %arg11[%run_scoped3A, %dma_start3A_217] : memref<4x80xi32, #tpu.memory_space<vmem>> -> memref<1x80xi32, #tpu.memory_space<vmem>>
      %dma_start3A_219 = tpu.memref_squeeze %dma_start3A_218 : memref<1x80xi32, #tpu.memory_space<vmem>> -> memref<80xi32, #tpu.memory_space<vmem>>
      %dma_start3A_220 = tpu.memref_slice %arg3[%add3A_6] : memref<320000xi32, #tpu.memory_space<hbm>> -> memref<80xi32, #tpu.memory_space<hbm>>
      tpu.enqueue_dma source(%dma_start3A_220 : memref<80xi32, #tpu.memory_space<hbm>>) target(%dma_start3A_219 : memref<80xi32, #tpu.memory_space<vmem>>) target_semaphore(%run_scoped3A_212 : memref<!tpu.dma_semaphore, #tpu.memory_space<semaphore_mem>>)
      %dma_wait3A_221 = arith.constant 0 : i32
      %dma_wait3A_222 = tpu.memref_slice %arg11[%run_scoped3A, %dma_wait3A_221] : memref<4x80xi32, #tpu.memory_space<vmem>> -> memref<1x80xi32, #tpu.memory_space<vmem>>
      %dma_wait3A_223 = tpu.memref_squeeze %dma_wait3A_222 : memref<1x80xi32, #tpu.memory_space<vmem>> -> memref<80xi32, #tpu.memory_space<vmem>>
      %dma_wait3A_224 = tpu.memref_slice %arg3[%add3A_6] : memref<320000xi32, #tpu.memory_space<hbm>> -> memref<80xi32, #tpu.memory_space<hbm>>
      %dma_wait3A_225 = arith.constant 0 : i32
      %dma_wait3A_226 = tpu.memref_slice %arg11[%run_scoped3A, %dma_wait3A_225] : memref<4x80xi32, #tpu.memory_space<vmem>> -> memref<1x80xi32, #tpu.memory_space<vmem>>
      %dma_wait3A_227 = tpu.memref_squeeze %dma_wait3A_226 : memref<1x80xi32, #tpu.memory_space<vmem>> -> memref<80xi32, #tpu.memory_space<vmem>>
      %dma_wait3A_228 = tpu.memref_slice %arg3[%add3A_6] : memref<320000xi32, #tpu.memory_space<hbm>> -> memref<80xi32, #tpu.memory_space<hbm>>
      tpu.wait_dma2 semaphore(%run_scoped3A_212 : memref<!tpu.dma_semaphore, #tpu.memory_space<semaphore_mem>>) src(%dma_wait3A_228 : memref<80xi32, #tpu.memory_space<hbm>>) dst(%dma_wait3A_227 : memref<80xi32, #tpu.memory_space<vmem>>)
      tpu.yield
    }) : () -> ()
    %add3A_7 = arith.constant 80 : i32
    %add3A_8 = arith.addi %mul3A_2, %add3A_7 : i32
    %run_scoped3A_9 = arith.constant 1 : i32
    "tpu.region"() ({
      %run_scoped3A_212 = tpu.sem_alloc : memref<!tpu.dma_semaphore, #tpu.memory_space<semaphore_mem>>
      %dma_start3A_213 = arith.constant 0 : i32
      %dma_start3A_214 = tpu.memref_slice %arg11[%run_scoped3A_9, %dma_start3A_213] : memref<4x80xi32, #tpu.memory_space<vmem>> -> memref<1x80xi32, #tpu.memory_space<vmem>>
      %dma_start3A_215 = tpu.memref_squeeze %dma_start3A_214 : memref<1x80xi32, #tpu.memory_space<vmem>> -> memref<80xi32, #tpu.memory_space<vmem>>
      %dma_start3A_216 = tpu.memref_slice %arg3[%add3A_8] : memref<320000xi32, #tpu.memory_space<hbm>> -> memref<80xi32, #tpu.memory_space<hbm>>
      %dma_start3A_217 = arith.constant 0 : i32
      %dma_start3A_218 = tpu.memref_slice %arg11[%run_scoped3A_9, %dma_start3A_217] : memref<4x80xi32, #tpu.memory_space<vmem>> -> memref<1x80xi32, #tpu.memory_space<vmem>>
      %dma_start3A_219 = tpu.memref_squeeze %dma_start3A_218 : memref<1x80xi32, #tpu.memory_space<vmem>> -> memref<80xi32, #tpu.memory_space<vmem>>
      %dma_start3A_220 = tpu.memref_slice %arg3[%add3A_8] : memref<320000xi32, #tpu.memory_space<hbm>> -> memref<80xi32, #tpu.memory_space<hbm>>
      tpu.enqueue_dma source(%dma_start3A_220 : memref<80xi32, #tpu.memory_space<hbm>>) target(%dma_start3A_219 : memref<80xi32, #tpu.memory_space<vmem>>) target_semaphore(%run_scoped3A_212 : memref<!tpu.dma_semaphore, #tpu.memory_space<semaphore_mem>>)
      %dma_wait3A_221 = arith.constant 0 : i32
      %dma_wait3A_222 = tpu.memref_slice %arg11[%run_scoped3A_9, %dma_wait3A_221] : memref<4x80xi32, #tpu.memory_space<vmem>> -> memref<1x80xi32, #tpu.memory_space<vmem>>
      %dma_wait3A_223 = tpu.memref_squeeze %dma_wait3A_222 : memref<1x80xi32, #tpu.memory_space<vmem>> -> memref<80xi32, #tpu.memory_space<vmem>>
      %dma_wait3A_224 = tpu.memref_slice %arg3[%add3A_8] : memref<320000xi32, #tpu.memory_space<hbm>> -> memref<80xi32, #tpu.memory_space<hbm>>
      %dma_wait3A_225 = arith.constant 0 : i32
      %dma_wait3A_226 = tpu.memref_slice %arg11[%run_scoped3A_9, %dma_wait3A_225] : memref<4x80xi32, #tpu.memory_space<vmem>> -> memref<1x80xi32, #tpu.memory_space<vmem>>
      %dma_wait3A_227 = tpu.memref_squeeze %dma_wait3A_226 : memref<1x80xi32, #tpu.memory_space<vmem>> -> memref<80xi32, #tpu.memory_space<vmem>>
      %dma_wait3A_228 = tpu.memref_slice %arg3[%add3A_8] : memref<320000xi32, #tpu.memory_space<hbm>> -> memref<80xi32, #tpu.memory_space<hbm>>
      tpu.wait_dma2 semaphore(%run_scoped3A_212 : memref<!tpu.dma_semaphore, #tpu.memory_space<semaphore_mem>>) src(%dma_wait3A_228 : memref<80xi32, #tpu.memory_space<hbm>>) dst(%dma_wait3A_227 : memref<80xi32, #tpu.memory_space<vmem>>)
      tpu.yield
    }) : () -> ()
    %add3A_10 = arith.constant 160 : i32
    %add3A_11 = arith.addi %mul3A_2, %add3A_10 : i32
    %run_scoped3A_12 = arith.constant 2 : i32
    "tpu.region"() ({
      %run_scoped3A_212 = tpu.sem_alloc : memref<!tpu.dma_semaphore, #tpu.memory_space<semaphore_mem>>
      %dma_start3A_213 = arith.constant 0 : i32
      %dma_start3A_214 = tpu.memref_slice %arg11[%run_scoped3A_12, %dma_start3A_213] : memref<4x80xi32, #tpu.memory_space<vmem>> -> memref<1x80xi32, #tpu.memory_space<vmem>>
      %dma_start3A_215 = tpu.memref_squeeze %dma_start3A_214 : memref<1x80xi32, #tpu.memory_space<vmem>> -> memref<80xi32, #tpu.memory_space<vmem>>
      %dma_start3A_216 = tpu.memref_slice %arg3[%add3A_11] : memref<320000xi32, #tpu.memory_space<hbm>> -> memref<80xi32, #tpu.memory_space<hbm>>
      %dma_start3A_217 = arith.constant 0 : i32
      %dma_start3A_218 = tpu.memref_slice %arg11[%run_scoped3A_12, %dma_start3A_217] : memref<4x80xi32, #tpu.memory_space<vmem>> -> memref<1x80xi32, #tpu.memory_space<vmem>>
      %dma_start3A_219 = tpu.memref_squeeze %dma_start3A_218 : memref<1x80xi32, #tpu.memory_space<vmem>> -> memref<80xi32, #tpu.memory_space<vmem>>
      %dma_start3A_220 = tpu.memref_slice %arg3[%add3A_11] : memref<320000xi32, #tpu.memory_space<hbm>> -> memref<80xi32, #tpu.memory_space<hbm>>
      tpu.enqueue_dma source(%dma_start3A_220 : memref<80xi32, #tpu.memory_space<hbm>>) target(%dma_start3A_219 : memref<80xi32, #tpu.memory_space<vmem>>) target_semaphore(%run_scoped3A_212 : memref<!tpu.dma_semaphore, #tpu.memory_space<semaphore_mem>>)
      %dma_wait3A_221 = arith.constant 0 : i32
      %dma_wait3A_222 = tpu.memref_slice %arg11[%run_scoped3A_12, %dma_wait3A_221] : memref<4x80xi32, #tpu.memory_space<vmem>> -> memref<1x80xi32, #tpu.memory_space<vmem>>
      %dma_wait3A_223 = tpu.memref_squeeze %dma_wait3A_222 : memref<1x80xi32, #tpu.memory_space<vmem>> -> memref<80xi32, #tpu.memory_space<vmem>>
      %dma_wait3A_224 = tpu.memref_slice %arg3[%add3A_11] : memref<320000xi32, #tpu.memory_space<hbm>> -> memref<80xi32, #tpu.memory_space<hbm>>
      %dma_wait3A_225 = arith.constant 0 : i32
      %dma_wait3A_226 = tpu.memref_slice %arg11[%run_scoped3A_12, %dma_wait3A_225] : memref<4x80xi32, #tpu.memory_space<vmem>> -> memref<1x80xi32, #tpu.memory_space<vmem>>
      %dma_wait3A_227 = tpu.memref_squeeze %dma_wait3A_226 : memref<1x80xi32, #tpu.memory_space<vmem>> -> memref<80xi32, #tpu.memory_space<vmem>>
      %dma_wait3A_228 = tpu.memref_slice %arg3[%add3A_11] : memref<320000xi32, #tpu.memory_space<hbm>> -> memref<80xi32, #tpu.memory_space<hbm>>
      tpu.wait_dma2 semaphore(%run_scoped3A_212 : memref<!tpu.dma_semaphore, #tpu.memory_space<semaphore_mem>>) src(%dma_wait3A_228 : memref<80xi32, #tpu.memory_space<hbm>>) dst(%dma_wait3A_227 : memref<80xi32, #tpu.memory_space<vmem>>)
      tpu.yield
    }) : () -> ()
    %add3A_13 = arith.constant 240 : i32
    %add3A_14 = arith.addi %mul3A_2, %add3A_13 : i32
    %run_scoped3A_15 = arith.constant 3 : i32
    "tpu.region"() ({
      %run_scoped3A_212 = tpu.sem_alloc : memref<!tpu.dma_semaphore, #tpu.memory_space<semaphore_mem>>
      %dma_start3A_213 = arith.constant 0 : i32
      %dma_start3A_214 = tpu.memref_slice %arg11[%run_scoped3A_15, %dma_start3A_213] : memref<4x80xi32, #tpu.memory_space<vmem>> -> memref<1x80xi32, #tpu.memory_space<vmem>>
      %dma_start3A_215 = tpu.memref_squeeze %dma_start3A_214 : memref<1x80xi32, #tpu.memory_space<vmem>> -> memref<80xi32, #tpu.memory_space<vmem>>
      %dma_start3A_216 = tpu.memref_slice %arg3[%add3A_14] : memref<320000xi32, #tpu.memory_space<hbm>> -> memref<80xi32, #tpu.memory_space<hbm>>
      %dma_start3A_217 = arith.constant 0 : i32
      %dma_start3A_218 = tpu.memref_slice %arg11[%run_scoped3A_15, %dma_start3A_217] : memref<4x80xi32, #tpu.memory_space<vmem>> -> memref<1x80xi32, #tpu.memory_space<vmem>>
      %dma_start3A_219 = tpu.memref_squeeze %dma_start3A_218 : memref<1x80xi32, #tpu.memory_space<vmem>> -> memref<80xi32, #tpu.memory_space<vmem>>
      %dma_start3A_220 = tpu.memref_slice %arg3[%add3A_14] : memref<320000xi32, #tpu.memory_space<hbm>> -> memref<80xi32, #tpu.memory_space<hbm>>
      tpu.enqueue_dma source(%dma_start3A_220 : memref<80xi32, #tpu.memory_space<hbm>>) target(%dma_start3A_219 : memref<80xi32, #tpu.memory_space<vmem>>) target_semaphore(%run_scoped3A_212 : memref<!tpu.dma_semaphore, #tpu.memory_space<semaphore_mem>>)
      %dma_wait3A_221 = arith.constant 0 : i32
      %dma_wait3A_222 = tpu.memref_slice %arg11[%run_scoped3A_15, %dma_wait3A_221] : memref<4x80xi32, #tpu.memory_space<vmem>> -> memref<1x80xi32, #tpu.memory_space<vmem>>
      %dma_wait3A_223 = tpu.memref_squeeze %dma_wait3A_222 : memref<1x80xi32, #tpu.memory_space<vmem>> -> memref<80xi32, #tpu.memory_space<vmem>>
      %dma_wait3A_224 = tpu.memref_slice %arg3[%add3A_14] : memref<320000xi32, #tpu.memory_space<hbm>> -> memref<80xi32, #tpu.memory_space<hbm>>
      %dma_wait3A_225 = arith.constant 0 : i32
      %dma_wait3A_226 = tpu.memref_slice %arg11[%run_scoped3A_15, %dma_wait3A_225] : memref<4x80xi32, #tpu.memory_space<vmem>> -> memref<1x80xi32, #tpu.memory_space<vmem>>
      %dma_wait3A_227 = tpu.memref_squeeze %dma_wait3A_226 : memref<1x80xi32, #tpu.memory_space<vmem>> -> memref<80xi32, #tpu.memory_space<vmem>>
      %dma_wait3A_228 = tpu.memref_slice %arg3[%add3A_14] : memref<320000xi32, #tpu.memory_space<hbm>> -> memref<80xi32, #tpu.memory_space<hbm>>
      tpu.wait_dma2 semaphore(%run_scoped3A_212 : memref<!tpu.dma_semaphore, #tpu.memory_space<semaphore_mem>>) src(%dma_wait3A_228 : memref<80xi32, #tpu.memory_space<hbm>>) dst(%dma_wait3A_227 : memref<80xi32, #tpu.memory_space<vmem>>)
      tpu.yield
    }) : () -> ()
    %add3A_16 = arith.constant 0 : i32
    %add3A_17 = arith.addi %mul3A_2, %add3A_16 : i32
    %run_scoped3A_18 = arith.constant 0 : i32
    "tpu.region"() ({
      %run_scoped3A_212 = tpu.sem_alloc : memref<!tpu.dma_semaphore, #tpu.memory_space<semaphore_mem>>
      %dma_start3A_213 = arith.constant 0 : i32
      %dma_start3A_214 = tpu.memref_slice %arg12[%run_scoped3A_18, %dma_start3A_213] : memref<4x80xi32, #tpu.memory_space<vmem>> -> memref<1x80xi32, #tpu.memory_space<vmem>>
      %dma_start3A_215 = tpu.memref_squeeze %dma_start3A_214 : memref<1x80xi32, #tpu.memory_space<vmem>> -> memref<80xi32, #tpu.memory_space<vmem>>
      %dma_start3A_216 = tpu.memref_slice %arg4[%add3A_17] : memref<320000xi32, #tpu.memory_space<hbm>> -> memref<80xi32, #tpu.memory_space<hbm>>
      %dma_start3A_217 = arith.constant 0 : i32
      %dma_start3A_218 = tpu.memref_slice %arg12[%run_scoped3A_18, %dma_start3A_217] : memref<4x80xi32, #tpu.memory_space<vmem>> -> memref<1x80xi32, #tpu.memory_space<vmem>>
      %dma_start3A_219 = tpu.memref_squeeze %dma_start3A_218 : memref<1x80xi32, #tpu.memory_space<vmem>> -> memref<80xi32, #tpu.memory_space<vmem>>
      %dma_start3A_220 = tpu.memref_slice %arg4[%add3A_17] : memref<320000xi32, #tpu.memory_space<hbm>> -> memref<80xi32, #tpu.memory_space<hbm>>
      tpu.enqueue_dma source(%dma_start3A_220 : memref<80xi32, #tpu.memory_space<hbm>>) target(%dma_start3A_219 : memref<80xi32, #tpu.memory_space<vmem>>) target_semaphore(%run_scoped3A_212 : memref<!tpu.dma_semaphore, #tpu.memory_space<semaphore_mem>>)
      %dma_wait3A_221 = arith.constant 0 : i32
      %dma_wait3A_222 = tpu.memref_slice %arg12[%run_scoped3A_18, %dma_wait3A_221] : memref<4x80xi32, #tpu.memory_space<vmem>> -> memref<1x80xi32, #tpu.memory_space<vmem>>
      %dma_wait3A_223 = tpu.memref_squeeze %dma_wait3A_222 : memref<1x80xi32, #tpu.memory_space<vmem>> -> memref<80xi32, #tpu.memory_space<vmem>>
      %dma_wait3A_224 = tpu.memref_slice %arg4[%add3A_17] : memref<320000xi32, #tpu.memory_space<hbm>> -> memref<80xi32, #tpu.memory_space<hbm>>
      %dma_wait3A_225 = arith.constant 0 : i32
      %dma_wait3A_226 = tpu.memref_slice %arg12[%run_scoped3A_18, %dma_wait3A_225] : memref<4x80xi32, #tpu.memory_space<vmem>> -> memref<1x80xi32, #tpu.memory_space<vmem>>
      %dma_wait3A_227 = tpu.memref_squeeze %dma_wait3A_226 : memref<1x80xi32, #tpu.memory_space<vmem>> -> memref<80xi32, #tpu.memory_space<vmem>>
      %dma_wait3A_228 = tpu.memref_slice %arg4[%add3A_17] : memref<320000xi32, #tpu.memory_space<hbm>> -> memref<80xi32, #tpu.memory_space<hbm>>
      tpu.wait_dma2 semaphore(%run_scoped3A_212 : memref<!tpu.dma_semaphore, #tpu.memory_space<semaphore_mem>>) src(%dma_wait3A_228 : memref<80xi32, #tpu.memory_space<hbm>>) dst(%dma_wait3A_227 : memref<80xi32, #tpu.memory_space<vmem>>)
      tpu.yield
    }) : () -> ()
    %add3A_19 = arith.constant 80 : i32
    %add3A_20 = arith.addi %mul3A_2, %add3A_19 : i32
    %run_scoped3A_21 = arith.constant 1 : i32
    "tpu.region"() ({
      %run_scoped3A_212 = tpu.sem_alloc : memref<!tpu.dma_semaphore, #tpu.memory_space<semaphore_mem>>
      %dma_start3A_213 = arith.constant 0 : i32
      %dma_start3A_214 = tpu.memref_slice %arg12[%run_scoped3A_21, %dma_start3A_213] : memref<4x80xi32, #tpu.memory_space<vmem>> -> memref<1x80xi32, #tpu.memory_space<vmem>>
      %dma_start3A_215 = tpu.memref_squeeze %dma_start3A_214 : memref<1x80xi32, #tpu.memory_space<vmem>> -> memref<80xi32, #tpu.memory_space<vmem>>
      %dma_start3A_216 = tpu.memref_slice %arg4[%add3A_20] : memref<320000xi32, #tpu.memory_space<hbm>> -> memref<80xi32, #tpu.memory_space<hbm>>
      %dma_start3A_217 = arith.constant 0 : i32
      %dma_start3A_218 = tpu.memref_slice %arg12[%run_scoped3A_21, %dma_start3A_217] : memref<4x80xi32, #tpu.memory_space<vmem>> -> memref<1x80xi32, #tpu.memory_space<vmem>>
      %dma_start3A_219 = tpu.memref_squeeze %dma_start3A_218 : memref<1x80xi32, #tpu.memory_space<vmem>> -> memref<80xi32, #tpu.memory_space<vmem>>
      %dma_start3A_220 = tpu.memref_slice %arg4[%add3A_20] : memref<320000xi32, #tpu.memory_space<hbm>> -> memref<80xi32, #tpu.memory_space<hbm>>
      tpu.enqueue_dma source(%dma_start3A_220 : memref<80xi32, #tpu.memory_space<hbm>>) target(%dma_start3A_219 : memref<80xi32, #tpu.memory_space<vmem>>) target_semaphore(%run_scoped3A_212 : memref<!tpu.dma_semaphore, #tpu.memory_space<semaphore_mem>>)
      %dma_wait3A_221 = arith.constant 0 : i32
      %dma_wait3A_222 = tpu.memref_slice %arg12[%run_scoped3A_21, %dma_wait3A_221] : memref<4x80xi32, #tpu.memory_space<vmem>> -> memref<1x80xi32, #tpu.memory_space<vmem>>
      %dma_wait3A_223 = tpu.memref_squeeze %dma_wait3A_222 : memref<1x80xi32, #tpu.memory_space<vmem>> -> memref<80xi32, #tpu.memory_space<vmem>>
      %dma_wait3A_224 = tpu.memref_slice %arg4[%add3A_20] : memref<320000xi32, #tpu.memory_space<hbm>> -> memref<80xi32, #tpu.memory_space<hbm>>
      %dma_wait3A_225 = arith.constant 0 : i32
      %dma_wait3A_226 = tpu.memref_slice %arg12[%run_scoped3A_21, %dma_wait3A_225] : memref<4x80xi32, #tpu.memory_space<vmem>> -> memref<1x80xi32, #tpu.memory_space<vmem>>
      %dma_wait3A_227 = tpu.memref_squeeze %dma_wait3A_226 : memref<1x80xi32, #tpu.memory_space<vmem>> -> memref<80xi32, #tpu.memory_space<vmem>>
      %dma_wait3A_228 = tpu.memref_slice %arg4[%add3A_20] : memref<320000xi32, #tpu.memory_space<hbm>> -> memref<80xi32, #tpu.memory_space<hbm>>
      tpu.wait_dma2 semaphore(%run_scoped3A_212 : memref<!tpu.dma_semaphore, #tpu.memory_space<semaphore_mem>>) src(%dma_wait3A_228 : memref<80xi32, #tpu.memory_space<hbm>>) dst(%dma_wait3A_227 : memref<80xi32, #tpu.memory_space<vmem>>)
      tpu.yield
    }) : () -> ()
    %add3A_22 = arith.constant 160 : i32
    %add3A_23 = arith.addi %mul3A_2, %add3A_22 : i32
    %run_scoped3A_24 = arith.constant 2 : i32
    "tpu.region"() ({
      %run_scoped3A_212 = tpu.sem_alloc : memref<!tpu.dma_semaphore, #tpu.memory_space<semaphore_mem>>
      %dma_start3A_213 = arith.constant 0 : i32
      %dma_start3A_214 = tpu.memref_slice %arg12[%run_scoped3A_24, %dma_start3A_213] : memref<4x80xi32, #tpu.memory_space<vmem>> -> memref<1x80xi32, #tpu.memory_space<vmem>>
      %dma_start3A_215 = tpu.memref_squeeze %dma_start3A_214 : memref<1x80xi32, #tpu.memory_space<vmem>> -> memref<80xi32, #tpu.memory_space<vmem>>
      %dma_start3A_216 = tpu.memref_slice %arg4[%add3A_23] : memref<320000xi32, #tpu.memory_space<hbm>> -> memref<80xi32, #tpu.memory_space<hbm>>
      %dma_start3A_217 = arith.constant 0 : i32
      %dma_start3A_218 = tpu.memref_slice %arg12[%run_scoped3A_24, %dma_start3A_217] : memref<4x80xi32, #tpu.memory_space<vmem>> -> memref<1x80xi32, #tpu.memory_space<vmem>>
      %dma_start3A_219 = tpu.memref_squeeze %dma_start3A_218 : memref<1x80xi32, #tpu.memory_space<vmem>> -> memref<80xi32, #tpu.memory_space<vmem>>
      %dma_start3A_220 = tpu.memref_slice %arg4[%add3A_23] : memref<320000xi32, #tpu.memory_space<hbm>> -> memref<80xi32, #tpu.memory_space<hbm>>
      tpu.enqueue_dma source(%dma_start3A_220 : memref<80xi32, #tpu.memory_space<hbm>>) target(%dma_start3A_219 : memref<80xi32, #tpu.memory_space<vmem>>) target_semaphore(%run_scoped3A_212 : memref<!tpu.dma_semaphore, #tpu.memory_space<semaphore_mem>>)
      %dma_wait3A_221 = arith.constant 0 : i32
      %dma_wait3A_222 = tpu.memref_slice %arg12[%run_scoped3A_24, %dma_wait3A_221] : memref<4x80xi32, #tpu.memory_space<vmem>> -> memref<1x80xi32, #tpu.memory_space<vmem>>
      %dma_wait3A_223 = tpu.memref_squeeze %dma_wait3A_222 : memref<1x80xi32, #tpu.memory_space<vmem>> -> memref<80xi32, #tpu.memory_space<vmem>>
      %dma_wait3A_224 = tpu.memref_slice %arg4[%add3A_23] : memref<320000xi32, #tpu.memory_space<hbm>> -> memref<80xi32, #tpu.memory_space<hbm>>
      %dma_wait3A_225 = arith.constant 0 : i32
      %dma_wait3A_226 = tpu.memref_slice %arg12[%run_scoped3A_24, %dma_wait3A_225] : memref<4x80xi32, #tpu.memory_space<vmem>> -> memref<1x80xi32, #tpu.memory_space<vmem>>
      %dma_wait3A_227 = tpu.memref_squeeze %dma_wait3A_226 : memref<1x80xi32, #tpu.memory_space<vmem>> -> memref<80xi32, #tpu.memory_space<vmem>>
      %dma_wait3A_228 = tpu.memref_slice %arg4[%add3A_23] : memref<320000xi32, #tpu.memory_space<hbm>> -> memref<80xi32, #tpu.memory_space<hbm>>
      tpu.wait_dma2 semaphore(%run_scoped3A_212 : memref<!tpu.dma_semaphore, #tpu.memory_space<semaphore_mem>>) src(%dma_wait3A_228 : memref<80xi32, #tpu.memory_space<hbm>>) dst(%dma_wait3A_227 : memref<80xi32, #tpu.memory_space<vmem>>)
      tpu.yield
    }) : () -> ()
    %mul3A_25 = arith.constant 640 : i32
    %mul3A_26 = arith.muli %arg1, %mul3A_25 : i32
    "tpu.region"() ({
      %run_scoped3A_212 = tpu.sem_alloc : memref<!tpu.dma_semaphore, #tpu.memory_space<semaphore_mem>>
      %dma_start3A_213 = tpu.memref_slice %arg10[%mul3A_26] : memref<10240xf32, #tpu.memory_space<vmem_shared>> -> memref<640xf32, #tpu.memory_space<vmem_shared>>
      tpu.enqueue_dma source(%arg6 : memref<640xf32, #tpu.memory_space<hbm>>) target(%dma_start3A_213 : memref<640xf32, #tpu.memory_space<vmem_shared>>) target_semaphore(%run_scoped3A_212 : memref<!tpu.dma_semaphore, #tpu.memory_space<semaphore_mem>>)
      %dma_wait3A_214 = tpu.memref_slice %arg10[%mul3A_26] : memref<10240xf32, #tpu.memory_space<vmem_shared>> -> memref<640xf32, #tpu.memory_space<vmem_shared>>
      tpu.wait_dma2 semaphore(%run_scoped3A_212 : memref<!tpu.dma_semaphore, #tpu.memory_space<semaphore_mem>>) src(%arg6 : memref<640xf32, #tpu.memory_space<hbm>>) dst(%dma_wait3A_214 : memref<640xf32, #tpu.memory_space<vmem_shared>>)
      tpu.yield
    }) : () -> ()
    %broadcast_in_dim3A = arith.constant 1.000000e+00 : f32
    %broadcast_in_dim3A_27 = vector.broadcast %broadcast_in_dim3A : f32 to vector<16xf32>
    %swap3A = arith.constant 0 : index
    %swap3A_28 = tpu.vector_load %arg14[%swap3A] {strides = array<i32>} : memref<80xf32, #tpu.memory_space<vmem>>, vector<16xf32>,
    %swap3A_29 = vector.shape_cast %swap3A_28 : vector<16xf32> to vector<16xf32>
    %swap3A_30 = vector.shape_cast %broadcast_in_dim3A_27 : vector<16xf32> to vector<16xf32>
    tpu.vector_store %arg14[%swap3A], %swap3A_30 {strides = array<i32>} : memref<80xf32, #tpu.memory_space<vmem>>, vector<16xf32>,
    %broadcast_in_dim3A_31 = arith.constant 1.000000e+00 : f32
    %broadcast_in_dim3A_32 = vector.broadcast %broadcast_in_dim3A_31 : f32 to vector<16xf32>
    %swap3A_33 = arith.constant 16 : index
    %swap3A_34 = tpu.vector_load %arg14[%swap3A_33] {strides = array<i32>} : memref<80xf32, #tpu.memory_space<vmem>>, vector<16xf32>,
    %swap3A_35 = vector.shape_cast %swap3A_34 : vector<16xf32> to vector<16xf32>
    %swap3A_36 = vector.shape_cast %broadcast_in_dim3A_32 : vector<16xf32> to vector<16xf32>
    tpu.vector_store %arg14[%swap3A_33], %swap3A_36 {strides = array<i32>} : memref<80xf32, #tpu.memory_space<vmem>>, vector<16xf32>,
    %broadcast_in_dim3A_37 = arith.constant 1.000000e+00 : f32
    %broadcast_in_dim3A_38 = vector.broadcast %broadcast_in_dim3A_37 : f32 to vector<16xf32>
    %swap3A_39 = arith.constant 32 : index
    %swap3A_40 = tpu.vector_load %arg14[%swap3A_39] {strides = array<i32>} : memref<80xf32, #tpu.memory_space<vmem>>, vector<16xf32>,
    %swap3A_41 = vector.shape_cast %swap3A_40 : vector<16xf32> to vector<16xf32>
    %swap3A_42 = vector.shape_cast %broadcast_in_dim3A_38 : vector<16xf32> to vector<16xf32>
    tpu.vector_store %arg14[%swap3A_39], %swap3A_42 {strides = array<i32>} : memref<80xf32, #tpu.memory_space<vmem>>, vector<16xf32>,
    %broadcast_in_dim3A_43 = arith.constant 1.000000e+00 : f32
    %broadcast_in_dim3A_44 = vector.broadcast %broadcast_in_dim3A_43 : f32 to vector<16xf32>
    %swap3A_45 = arith.constant 48 : index
    %swap3A_46 = tpu.vector_load %arg14[%swap3A_45] {strides = array<i32>} : memref<80xf32, #tpu.memory_space<vmem>>, vector<16xf32>,
    %swap3A_47 = vector.shape_cast %swap3A_46 : vector<16xf32> to vector<16xf32>
    %swap3A_48 = vector.shape_cast %broadcast_in_dim3A_44 : vector<16xf32> to vector<16xf32>
    tpu.vector_store %arg14[%swap3A_45], %swap3A_48 {strides = array<i32>} : memref<80xf32, #tpu.memory_space<vmem>>, vector<16xf32>,
    %broadcast_in_dim3A_49 = arith.constant 1.000000e+00 : f32
    %broadcast_in_dim3A_50 = vector.broadcast %broadcast_in_dim3A_49 : f32 to vector<16xf32>
    %swap3A_51 = arith.constant 64 : index
    %swap3A_52 = tpu.vector_load %arg14[%swap3A_51] {strides = array<i32>} : memref<80xf32, #tpu.memory_space<vmem>>, vector<16xf32>,
    %swap3A_53 = vector.shape_cast %swap3A_52 : vector<16xf32> to vector<16xf32>
    %swap3A_54 = vector.shape_cast %broadcast_in_dim3A_50 : vector<16xf32> to vector<16xf32>
    tpu.vector_store %arg14[%swap3A_51], %swap3A_54 {strides = array<i32>} : memref<80xf32, #tpu.memory_space<vmem>>, vector<16xf32>,
    %eq3A = arith.constant 0 : i32
    %eq3A_55 = arith.cmpi eq, %arg1, %eq3A : i32
    %convert_element_type3A = arith.extui %eq3A_55 : i1 to i32
    %cond3A = arith.constant 0 : i32
    %cond3A_56 = arith.cmpi ne, %convert_element_type3A, %cond3A : i32
    scf.if %cond3A_56 {
      "tpu.region"() ({
        %run_scoped3A_212 = tpu.sem_alloc : memref<!tpu.dma_semaphore, #tpu.memory_space<semaphore_mem>>
        %dma_start3A_213 = arith.constant 9984 : i32
        %dma_start3A_214 = arith.constant 0 : i32
        %dma_start3A_215 = tpu.memref_slice %arg9[%dma_start3A_213, %dma_start3A_214] : memref<10000x128xf32, #tpu.memory_space<vmem_shared>> -> memref<16x128xf32, #tpu.memory_space<vmem_shared>>
        %dma_start3A_216 = arith.constant 0 : i32
        %dma_start3A_217 = arith.constant 0 : i32
        %dma_start3A_218 = tpu.memref_slice %arg5[%dma_start3A_216, %dma_start3A_217] : memref<624x128xf32, #tpu.memory_space<hbm>> -> memref<16x128xf32, #tpu.memory_space<hbm>>
        tpu.enqueue_dma source(%dma_start3A_218 : memref<16x128xf32, #tpu.memory_space<hbm>>) target(%dma_start3A_215 : memref<16x128xf32, #tpu.memory_space<vmem_shared>>) target_semaphore(%run_scoped3A_212 : memref<!tpu.dma_semaphore, #tpu.memory_space<semaphore_mem>>)
        %dma_wait3A_219 = arith.constant 9984 : i32
        %dma_wait3A_220 = arith.constant 0 : i32
        %dma_wait3A_221 = tpu.memref_slice %arg9[%dma_wait3A_219, %dma_wait3A_220] : memref<10000x128xf32, #tpu.memory_space<vmem_shared>> -> memref<16x128xf32, #tpu.memory_space<vmem_shared>>
        %dma_wait3A_222 = arith.constant 0 : i32
        %dma_wait3A_223 = arith.constant 0 : i32
        %dma_wait3A_224 = tpu.memref_slice %arg5[%dma_wait3A_222, %dma_wait3A_223] : memref<624x128xf32, #tpu.memory_space<hbm>> -> memref<16x128xf32, #tpu.memory_space<hbm>>
        tpu.wait_dma2 semaphore(%run_scoped3A_212 : memref<!tpu.dma_semaphore, #tpu.memory_space<semaphore_mem>>) src(%dma_wait3A_224 : memref<16x128xf32, #tpu.memory_space<hbm>>) dst(%dma_wait3A_221 : memref<16x128xf32, #tpu.memory_space<vmem_shared>>)
        tpu.yield
      }) : () -> ()
    } else {
    }
    %barrier3A = arith.constant 0 : index
    tpu.barrier barrier_id(%barrier3A)
    %dma_start3A = arith.constant 0 : i32
    %dma_start3A_57 = arith.constant 0 : i32
    %dma_start3A_58 = arith.constant 0 : i32
    %dma_start3A_59 = arith.constant 0 : i32
    %dma_start3A_60 = tpu.memref_slice %arg13[%dma_start3A_57, %dma_start3A_58, %dma_start3A_59] : memref<4x80x128xf32, #tpu.memory_space<vmem>> -> memref<1x80x128xf32, #tpu.memory_space<vmem>>
    %dma_start3A_61 = tpu.memref_squeeze %dma_start3A_60 : memref<1x80x128xf32, #tpu.memory_space<vmem>> -> memref<80x128xf32, #tpu.memory_space<vmem>>
    %dma_start3A_62 = arith.constant 0 : i32
    %dma_start3A_63 = tpu.memref_slice %arg11[%dma_start3A, %dma_start3A_62] : memref<4x80xi32, #tpu.memory_space<vmem>> -> memref<1x80xi32, #tpu.memory_space<vmem>>
    %dma_start3A_64 = tpu.memref_squeeze %dma_start3A_63 : memref<1x80xi32, #tpu.memory_space<vmem>> -> memref<80xi32, #tpu.memory_space<vmem>>
    %dma_start3A_65 = arith.constant 0 : i32
    %dma_start3A_66 = arith.constant 0 : i32
    %dma_start3A_67 = tpu.memref_slice %arg2[%dma_start3A_65, %dma_start3A_66] : memref<10000x128xf32, #tpu.memory_space<hbm>> -> memref<10000x128xf32, #tpu.memory_space<hbm>>
    tpu.enqueue_indirect_dma source(%dma_start3A_67 : memref<10000x128xf32, #tpu.memory_space<hbm>>) target(%dma_start3A_61 : memref<80x128xf32, #tpu.memory_space<vmem>>) offsets(%dma_start3A_64 : memref<80xi32, #tpu.memory_space<vmem>>) semaphore(%arg15 : memref<!tpu.dma_semaphore, #tpu.memory_space<semaphore_mem>>)
    %dma_start3A_68 = arith.constant 1 : i32
    %dma_start3A_69 = arith.constant 1 : i32
    %dma_start3A_70 = arith.constant 0 : i32
    %dma_start3A_71 = arith.constant 0 : i32
    %dma_start3A_72 = tpu.memref_slice %arg13[%dma_start3A_69, %dma_start3A_70, %dma_start3A_71] : memref<4x80x128xf32, #tpu.memory_space<vmem>> -> memref<1x80x128xf32, #tpu.memory_space<vmem>>
    %dma_start3A_73 = tpu.memref_squeeze %dma_start3A_72 : memref<1x80x128xf32, #tpu.memory_space<vmem>> -> memref<80x128xf32, #tpu.memory_space<vmem>>
    %dma_start3A_74 = arith.constant 0 : i32
    %dma_start3A_75 = tpu.memref_slice %arg11[%dma_start3A_68, %dma_start3A_74] : memref<4x80xi32, #tpu.memory_space<vmem>> -> memref<1x80xi32, #tpu.memory_space<vmem>>
    %dma_start3A_76 = tpu.memref_squeeze %dma_start3A_75 : memref<1x80xi32, #tpu.memory_space<vmem>> -> memref<80xi32, #tpu.memory_space<vmem>>
    %dma_start3A_77 = arith.constant 0 : i32
    %dma_start3A_78 = arith.constant 0 : i32
    %dma_start3A_79 = tpu.memref_slice %arg2[%dma_start3A_77, %dma_start3A_78] : memref<10000x128xf32, #tpu.memory_space<hbm>> -> memref<10000x128xf32, #tpu.memory_space<hbm>>
    tpu.enqueue_indirect_dma source(%dma_start3A_79 : memref<10000x128xf32, #tpu.memory_space<hbm>>) target(%dma_start3A_73 : memref<80x128xf32, #tpu.memory_space<vmem>>) offsets(%dma_start3A_76 : memref<80xi32, #tpu.memory_space<vmem>>) semaphore(%arg15 : memref<!tpu.dma_semaphore, #tpu.memory_space<semaphore_mem>>)
    %dma_start3A_80 = arith.constant 2 : i32
    %dma_start3A_81 = arith.constant 2 : i32
    %dma_start3A_82 = arith.constant 0 : i32
    %dma_start3A_83 = arith.constant 0 : i32
    %dma_start3A_84 = tpu.memref_slice %arg13[%dma_start3A_81, %dma_start3A_82, %dma_start3A_83] : memref<4x80x128xf32, #tpu.memory_space<vmem>> -> memref<1x80x128xf32, #tpu.memory_space<vmem>>
    %dma_start3A_85 = tpu.memref_squeeze %dma_start3A_84 : memref<1x80x128xf32, #tpu.memory_space<vmem>> -> memref<80x128xf32, #tpu.memory_space<vmem>>
    %dma_start3A_86 = arith.constant 0 : i32
    %dma_start3A_87 = tpu.memref_slice %arg11[%dma_start3A_80, %dma_start3A_86] : memref<4x80xi32, #tpu.memory_space<vmem>> -> memref<1x80xi32, #tpu.memory_space<vmem>>
    %dma_start3A_88 = tpu.memref_squeeze %dma_start3A_87 : memref<1x80xi32, #tpu.memory_space<vmem>> -> memref<80xi32, #tpu.memory_space<vmem>>
    %dma_start3A_89 = arith.constant 0 : i32
    %dma_start3A_90 = arith.constant 0 : i32
    %dma_start3A_91 = tpu.memref_slice %arg2[%dma_start3A_89, %dma_start3A_90] : memref<10000x128xf32, #tpu.memory_space<hbm>> -> memref<10000x128xf32, #tpu.memory_space<hbm>>
    tpu.enqueue_indirect_dma source(%dma_start3A_91 : memref<10000x128xf32, #tpu.memory_space<hbm>>) target(%dma_start3A_85 : memref<80x128xf32, #tpu.memory_space<vmem>>) offsets(%dma_start3A_88 : memref<80xi32, #tpu.memory_space<vmem>>) semaphore(%arg15 : memref<!tpu.dma_semaphore, #tpu.memory_space<semaphore_mem>>)
    %scan3A = arith.constant 0 : i32
    %scan3A_92 = arith.constant 0 : i32
    %scan3A_93 = arith.constant 125 : i32
    %scan3A_94 = arith.addi %scan3A_92, %scan3A_93 : i32
    %scan3A_95 = arith.constant 1 : i32
    scf.for %scan3A_212 = %scan3A_92 to %scan3A_94 step %scan3A_95  : i32 {
      %rem3A = arith.constant 4 : i32
      %rem3A_213 = arith.remsi %scan3A_212, %rem3A : i32
      %dma_wait3A_214 = arith.constant 0 : i32
      %dma_wait3A_215 = arith.constant 0 : i32
      %dma_wait3A_216 = arith.constant 0 : i32
      %dma_wait3A_217 = tpu.memref_slice %arg13[%rem3A_213, %dma_wait3A_215, %dma_wait3A_216] : memref<4x80x128xf32, #tpu.memory_space<vmem>> -> memref<1x80x128xf32, #tpu.memory_space<vmem>>
      %dma_wait3A_218 = tpu.memref_squeeze %dma_wait3A_217 : memref<1x80x128xf32, #tpu.memory_space<vmem>> -> memref<80x128xf32, #tpu.memory_space<vmem>>
      %dma_wait3A_219 = arith.constant 0 : i32
      %dma_wait3A_220 = tpu.memref_slice %arg11[%dma_wait3A_214, %dma_wait3A_219] : memref<4x80xi32, #tpu.memory_space<vmem>> -> memref<1x80xi32, #tpu.memory_space<vmem>>
      %dma_wait3A_221 = tpu.memref_squeeze %dma_wait3A_220 : memref<1x80xi32, #tpu.memory_space<vmem>> -> memref<80xi32, #tpu.memory_space<vmem>>
      %dma_wait3A_222 = arith.constant 0 : i32
      %dma_wait3A_223 = arith.constant 0 : i32
      %dma_wait3A_224 = tpu.memref_slice %arg2[%dma_wait3A_222, %dma_wait3A_223] : memref<10000x128xf32, #tpu.memory_space<hbm>> -> memref<10000x128xf32, #tpu.memory_space<hbm>>
      tpu.wait_indirect_dma semaphore(%arg15 : memref<!tpu.dma_semaphore, #tpu.memory_space<semaphore_mem>>) src(%dma_wait3A_224 : memref<10000x128xf32, #tpu.memory_space<hbm>>) dst(%dma_wait3A_218 : memref<80x128xf32, #tpu.memory_space<vmem>>)
      %ge3A = arith.constant 1 : i32
      %ge3A_225 = arith.cmpi sge, %scan3A_212, %ge3A : i32
      %convert_element_type3A_226 = arith.extui %ge3A_225 : i1 to i32
      %cond3A_227 = arith.constant 0 : i32
      %cond3A_228 = arith.cmpi ne, %convert_element_type3A_226, %cond3A_227 : i32
      scf.if %cond3A_228 {
        %dma_wait3A_280 = arith.constant 0 : i32
        %dma_wait3A_281 = arith.constant 0 : i32
        %dma_wait3A_282 = arith.constant 0 : i32
        %dma_wait3A_283 = arith.constant 0 : i32
        %dma_wait3A_284 = tpu.memref_slice %arg13[%dma_wait3A_280, %dma_wait3A_282, %dma_wait3A_283] : memref<4x80x128xf32, #tpu.memory_space<vmem>> -> memref<1x80x128xf32, #tpu.memory_space<vmem>>
        %dma_wait3A_285 = tpu.memref_squeeze %dma_wait3A_284 : memref<1x80x128xf32, #tpu.memory_space<vmem>> -> memref<80x128xf32, #tpu.memory_space<vmem>>
        %dma_wait3A_286 = arith.constant 0 : i32
        %dma_wait3A_287 = tpu.memref_slice %arg12[%dma_wait3A_281, %dma_wait3A_286] : memref<4x80xi32, #tpu.memory_space<vmem>> -> memref<1x80xi32, #tpu.memory_space<vmem>>
        %dma_wait3A_288 = tpu.memref_squeeze %dma_wait3A_287 : memref<1x80xi32, #tpu.memory_space<vmem>> -> memref<80xi32, #tpu.memory_space<vmem>>
        %dma_wait3A_289 = arith.constant 0 : i32
        %dma_wait3A_290 = arith.constant 0 : i32
        %dma_wait3A_291 = tpu.memref_slice %arg9[%dma_wait3A_289, %dma_wait3A_290] : memref<10000x128xf32, #tpu.memory_space<vmem_shared>> -> memref<10000x128xf32, #tpu.memory_space<vmem_shared>>
        tpu.wait_indirect_dma semaphore(%arg18 : memref<!tpu.dma_semaphore, #tpu.memory_space<semaphore_mem>>) src(%dma_wait3A_285 : memref<80x128xf32, #tpu.memory_space<vmem>>) dst(%dma_wait3A_291 : memref<10000x128xf32, #tpu.memory_space<vmem_shared>>)
        %dma_wait3A_292 = arith.constant 0 : i32
        %dma_wait3A_293 = arith.constant 0 : i32
        %dma_wait3A_294 = tpu.memref_slice %arg12[%dma_wait3A_292, %dma_wait3A_293] : memref<4x80xi32, #tpu.memory_space<vmem>> -> memref<1x80xi32, #tpu.memory_space<vmem>>
        %dma_wait3A_295 = tpu.memref_squeeze %dma_wait3A_294 : memref<1x80xi32, #tpu.memory_space<vmem>> -> memref<80xi32, #tpu.memory_space<vmem>>
        %dma_wait3A_296 = arith.constant 0 : i32
        %dma_wait3A_297 = tpu.memref_slice %arg10[%dma_wait3A_296] : memref<10240xf32, #tpu.memory_space<vmem_shared>> -> memref<10240xf32, #tpu.memory_space<vmem_shared>>
        tpu.wait_indirect_dma semaphore(%arg19 : memref<!tpu.dma_semaphore, #tpu.memory_space<semaphore_mem>>) src(%arg14 : memref<80xf32, #tpu.memory_space<vmem>>) dst(%dma_wait3A_297 : memref<10240xf32, #tpu.memory_space<vmem_shared>>)
      } else {
      }
      %ge3A_229 = arith.constant 1 : i32
      %ge3A_230 = arith.cmpi sge, %scan3A_212, %ge3A_229 : i32
      %add3A_231 = arith.constant 3 : i32
      %add3A_232 = arith.addi %scan3A_212, %add3A_231 : i32
      %lt3A = arith.constant 125 : i32
      %lt3A_233 = arith.cmpi slt, %add3A_232, %lt3A : i32
      %and3A = arith.andi %ge3A_230, %lt3A_233 : i1
      %convert_element_type3A_234 = arith.extui %and3A : i1 to i32
      %cond3A_235 = arith.constant 0 : i32
      %cond3A_236 = arith.cmpi ne, %convert_element_type3A_234, %cond3A_235 : i32
      scf.if %cond3A_236 {
        %dma_wait3A_280 = arith.constant 0 : i32
        %dma_wait3A_281 = arith.constant 0 : i32
        %dma_wait3A_282 = tpu.memref_slice %arg11[%dma_wait3A_280, %dma_wait3A_281] : memref<4x80xi32, #tpu.memory_space<vmem>> -> memref<1x80xi32, #tpu.memory_space<vmem>>
        %dma_wait3A_283 = tpu.memref_squeeze %dma_wait3A_282 : memref<1x80xi32, #tpu.memory_space<vmem>> -> memref<80xi32, #tpu.memory_space<vmem>>
        %dma_wait3A_284 = tpu.memref_slice %arg3[%mul3A_2] : memref<320000xi32, #tpu.memory_space<hbm>> -> memref<80xi32, #tpu.memory_space<hbm>>
        %dma_wait3A_285 = arith.constant 0 : i32
        %dma_wait3A_286 = tpu.memref_slice %arg11[%dma_wait3A_280, %dma_wait3A_285] : memref<4x80xi32, #tpu.memory_space<vmem>> -> memref<1x80xi32, #tpu.memory_space<vmem>>
        %dma_wait3A_287 = tpu.memref_squeeze %dma_wait3A_286 : memref<1x80xi32, #tpu.memory_space<vmem>> -> memref<80xi32, #tpu.memory_space<vmem>>
        %dma_wait3A_288 = tpu.memref_slice %arg3[%mul3A_2] : memref<320000xi32, #tpu.memory_space<hbm>> -> memref<80xi32, #tpu.memory_space<hbm>>
        tpu.wait_dma2 semaphore(%arg16 : memref<!tpu.dma_semaphore, #tpu.memory_space<semaphore_mem>>) src(%dma_wait3A_288 : memref<80xi32, #tpu.memory_space<hbm>>) dst(%dma_wait3A_287 : memref<80xi32, #tpu.memory_space<vmem>>)
      } else {
      }
      %ge3A_237 = arith.constant 1 : i32
      %ge3A_238 = arith.cmpi sge, %scan3A_212, %ge3A_237 : i32
      %add3A_239 = arith.constant 2 : i32
      %add3A_240 = arith.addi %scan3A_212, %add3A_239 : i32
      %lt3A_241 = arith.constant 125 : i32
      %lt3A_242 = arith.cmpi slt, %add3A_240, %lt3A_241 : i32
      %and3A_243 = arith.andi %ge3A_238, %lt3A_242 : i1
      %convert_element_type3A_244 = arith.extui %and3A_243 : i1 to i32
      %cond3A_245 = arith.constant 0 : i32
      %cond3A_246 = arith.cmpi ne, %convert_element_type3A_244, %cond3A_245 : i32
      scf.if %cond3A_246 {
        %dma_wait3A_280 = arith.constant 0 : i32
        %dma_wait3A_281 = arith.constant 0 : i32
        %dma_wait3A_282 = tpu.memref_slice %arg12[%dma_wait3A_280, %dma_wait3A_281] : memref<4x80xi32, #tpu.memory_space<vmem>> -> memref<1x80xi32, #tpu.memory_space<vmem>>
        %dma_wait3A_283 = tpu.memref_squeeze %dma_wait3A_282 : memref<1x80xi32, #tpu.memory_space<vmem>> -> memref<80xi32, #tpu.memory_space<vmem>>
        %dma_wait3A_284 = tpu.memref_slice %arg4[%mul3A_2] : memref<320000xi32, #tpu.memory_space<hbm>> -> memref<80xi32, #tpu.memory_space<hbm>>
        %dma_wait3A_285 = arith.constant 0 : i32
        %dma_wait3A_286 = tpu.memref_slice %arg12[%dma_wait3A_280, %dma_wait3A_285] : memref<4x80xi32, #tpu.memory_space<vmem>> -> memref<1x80xi32, #tpu.memory_space<vmem>>
        %dma_wait3A_287 = tpu.memref_squeeze %dma_wait3A_286 : memref<1x80xi32, #tpu.memory_space<vmem>> -> memref<80xi32, #tpu.memory_space<vmem>>
        %dma_wait3A_288 = tpu.memref_slice %arg4[%mul3A_2] : memref<320000xi32, #tpu.memory_space<hbm>> -> memref<80xi32, #tpu.memory_space<hbm>>
        tpu.wait_dma2 semaphore(%arg17 : memref<!tpu.dma_semaphore, #tpu.memory_space<semaphore_mem>>) src(%dma_wait3A_288 : memref<80xi32, #tpu.memory_space<hbm>>) dst(%dma_wait3A_287 : memref<80xi32, #tpu.memory_space<vmem>>)
      } else {
      }
      %add3A_247 = arith.constant 3 : i32
      %add3A_248 = arith.addi %scan3A_212, %add3A_247 : i32
      %lt3A_249 = arith.constant 125 : i32
      %lt3A_250 = arith.cmpi slt, %add3A_248, %lt3A_249 : i32
      %convert_element_type3A_251 = arith.extui %lt3A_250 : i1 to i32
      %cond3A_252 = arith.constant 0 : i32
      %cond3A_253 = arith.cmpi ne, %convert_element_type3A_251, %cond3A_252 : i32
      scf.if %cond3A_253 {
        %add3A_280 = arith.constant 3 : i32
        %add3A_281 = arith.addi %scan3A_212, %add3A_280 : i32
        %rem3A_282 = arith.constant 4 : i32
        %rem3A_283 = arith.remsi %add3A_281, %rem3A_282 : i32
        %add3A_284 = arith.constant 3 : i32
        %add3A_285 = arith.addi %scan3A_212, %add3A_284 : i32
        %rem3A_286 = arith.constant 4 : i32
        %rem3A_287 = arith.remsi %add3A_285, %rem3A_286 : i32
        %dma_start3A_288 = arith.constant 0 : i32
        %dma_start3A_289 = arith.constant 0 : i32
        %dma_start3A_290 = tpu.memref_slice %arg13[%rem3A_287, %dma_start3A_288, %dma_start3A_289] : memref<4x80x128xf32, #tpu.memory_space<vmem>> -> memref<1x80x128xf32, #tpu.memory_space<vmem>>
        %dma_start3A_291 = tpu.memref_squeeze %dma_start3A_290 : memref<1x80x128xf32, #tpu.memory_space<vmem>> -> memref<80x128xf32, #tpu.memory_space<vmem>>
        %dma_start3A_292 = arith.constant 0 : i32
        %dma_start3A_293 = tpu.memref_slice %arg11[%rem3A_283, %dma_start3A_292] : memref<4x80xi32, #tpu.memory_space<vmem>> -> memref<1x80xi32, #tpu.memory_space<vmem>>
        %dma_start3A_294 = tpu.memref_squeeze %dma_start3A_293 : memref<1x80xi32, #tpu.memory_space<vmem>> -> memref<80xi32, #tpu.memory_space<vmem>>
        %dma_start3A_295 = arith.constant 0 : i32
        %dma_start3A_296 = arith.constant 0 : i32
        %dma_start3A_297 = tpu.memref_slice %arg2[%dma_start3A_295, %dma_start3A_296] : memref<10000x128xf32, #tpu.memory_space<hbm>> -> memref<10000x128xf32, #tpu.memory_space<hbm>>
        tpu.enqueue_indirect_dma source(%dma_start3A_297 : memref<10000x128xf32, #tpu.memory_space<hbm>>) target(%dma_start3A_291 : memref<80x128xf32, #tpu.memory_space<vmem>>) offsets(%dma_start3A_294 : memref<80xi32, #tpu.memory_space<vmem>>) semaphore(%arg15 : memref<!tpu.dma_semaphore, #tpu.memory_space<semaphore_mem>>)
        %add3A_298 = arith.constant 3 : i32
        %add3A_299 = arith.addi %scan3A_212, %add3A_298 : i32
        %mul3A_300 = arith.constant 80 : i32
        %mul3A_301 = arith.muli %add3A_299, %mul3A_300 : i32
        %add3A_302 = arith.addi %mul3A_2, %mul3A_301 : i32
        %add3A_303 = arith.constant 3 : i32
        %add3A_304 = arith.addi %scan3A_212, %add3A_303 : i32
        %rem3A_305 = arith.constant 4 : i32
        %rem3A_306 = arith.remsi %add3A_304, %rem3A_305 : i32
        %dma_start3A_307 = arith.constant 0 : i32
        %dma_start3A_308 = tpu.memref_slice %arg12[%rem3A_306, %dma_start3A_307] : memref<4x80xi32, #tpu.memory_space<vmem>> -> memref<1x80xi32, #tpu.memory_space<vmem>>
        %dma_start3A_309 = tpu.memref_squeeze %dma_start3A_308 : memref<1x80xi32, #tpu.memory_space<vmem>> -> memref<80xi32, #tpu.memory_space<vmem>>
        %dma_start3A_310 = tpu.memref_slice %arg4[%add3A_302] : memref<320000xi32, #tpu.memory_space<hbm>> -> memref<80xi32, #tpu.memory_space<hbm>>
        %dma_start3A_311 = arith.constant 0 : i32
        %dma_start3A_312 = tpu.memref_slice %arg12[%rem3A_306, %dma_start3A_311] : memref<4x80xi32, #tpu.memory_space<vmem>> -> memref<1x80xi32, #tpu.memory_space<vmem>>
        %dma_start3A_313 = tpu.memref_squeeze %dma_start3A_312 : memref<1x80xi32, #tpu.memory_space<vmem>> -> memref<80xi32, #tpu.memory_space<vmem>>
        %dma_start3A_314 = tpu.memref_slice %arg4[%add3A_302] : memref<320000xi32, #tpu.memory_space<hbm>> -> memref<80xi32, #tpu.memory_space<hbm>>
        tpu.enqueue_dma source(%dma_start3A_314 : memref<80xi32, #tpu.memory_space<hbm>>) target(%dma_start3A_313 : memref<80xi32, #tpu.memory_space<vmem>>) target_semaphore(%arg17 : memref<!tpu.dma_semaphore, #tpu.memory_space<semaphore_mem>>)
      } else {
      }
      %add3A_254 = arith.constant 4 : i32
      %add3A_255 = arith.addi %scan3A_212, %add3A_254 : i32
      %lt3A_256 = arith.constant 125 : i32
      %lt3A_257 = arith.cmpi slt, %add3A_255, %lt3A_256 : i32
      %convert_element_type3A_258 = arith.extui %lt3A_257 : i1 to i32
      %cond3A_259 = arith.constant 0 : i32
      %cond3A_260 = arith.cmpi ne, %convert_element_type3A_258, %cond3A_259 : i32
      scf.if %cond3A_260 {
        %add3A_280 = arith.constant 4 : i32
        %add3A_281 = arith.addi %scan3A_212, %add3A_280 : i32
        %mul3A_282 = arith.constant 80 : i32
        %mul3A_283 = arith.muli %add3A_281, %mul3A_282 : i32
        %add3A_284 = arith.addi %mul3A_2, %mul3A_283 : i32
        %rem3A_285 = arith.constant 4 : i32
        %rem3A_286 = arith.remsi %scan3A_212, %rem3A_285 : i32
        %dma_start3A_287 = arith.constant 0 : i32
        %dma_start3A_288 = tpu.memref_slice %arg11[%rem3A_286, %dma_start3A_287] : memref<4x80xi32, #tpu.memory_space<vmem>> -> memref<1x80xi32, #tpu.memory_space<vmem>>
        %dma_start3A_289 = tpu.memref_squeeze %dma_start3A_288 : memref<1x80xi32, #tpu.memory_space<vmem>> -> memref<80xi32, #tpu.memory_space<vmem>>
        %dma_start3A_290 = tpu.memref_slice %arg3[%add3A_284] : memref<320000xi32, #tpu.memory_space<hbm>> -> memref<80xi32, #tpu.memory_space<hbm>>
        %dma_start3A_291 = arith.constant 0 : i32
        %dma_start3A_292 = tpu.memref_slice %arg11[%rem3A_286, %dma_start3A_291] : memref<4x80xi32, #tpu.memory_space<vmem>> -> memref<1x80xi32, #tpu.memory_space<vmem>>
        %dma_start3A_293 = tpu.memref_squeeze %dma_start3A_292 : memref<1x80xi32, #tpu.memory_space<vmem>> -> memref<80xi32, #tpu.memory_space<vmem>>
        %dma_start3A_294 = tpu.memref_slice %arg3[%add3A_284] : memref<320000xi32, #tpu.memory_space<hbm>> -> memref<80xi32, #tpu.memory_space<hbm>>
        tpu.enqueue_dma source(%dma_start3A_294 : memref<80xi32, #tpu.memory_space<hbm>>) target(%dma_start3A_293 : memref<80xi32, #tpu.memory_space<vmem>>) target_semaphore(%arg16 : memref<!tpu.dma_semaphore, #tpu.memory_space<semaphore_mem>>)
      } else {
      }
      %rem3A_261 = arith.constant 4 : i32
      %rem3A_262 = arith.remsi %scan3A_212, %rem3A_261 : i32
      %dma_start3A_263 = arith.constant 0 : i32
      %dma_start3A_264 = arith.constant 0 : i32
      %dma_start3A_265 = tpu.memref_slice %arg13[%rem3A_213, %dma_start3A_263, %dma_start3A_264] : memref<4x80x128xf32, #tpu.memory_space<vmem>> -> memref<1x80x128xf32, #tpu.memory_space<vmem>>
      %dma_start3A_266 = tpu.memref_squeeze %dma_start3A_265 : memref<1x80x128xf32, #tpu.memory_space<vmem>> -> memref<80x128xf32, #tpu.memory_space<vmem>>
      %dma_start3A_267 = arith.constant 0 : i32
      %dma_start3A_268 = tpu.memref_slice %arg12[%rem3A_262, %dma_start3A_267] : memref<4x80xi32, #tpu.memory_space<vmem>> -> memref<1x80xi32, #tpu.memory_space<vmem>>
      %dma_start3A_269 = tpu.memref_squeeze %dma_start3A_268 : memref<1x80xi32, #tpu.memory_space<vmem>> -> memref<80xi32, #tpu.memory_space<vmem>>
      %dma_start3A_270 = arith.constant 0 : i32
      %dma_start3A_271 = arith.constant 0 : i32
      %dma_start3A_272 = tpu.memref_slice %arg9[%dma_start3A_270, %dma_start3A_271] : memref<10000x128xf32, #tpu.memory_space<vmem_shared>> -> memref<10000x128xf32, #tpu.memory_space<vmem_shared>>
      tpu.enqueue_indirect_dma source(%dma_start3A_266 : memref<80x128xf32, #tpu.memory_space<vmem>>) target(%dma_start3A_272 : memref<10000x128xf32, #tpu.memory_space<vmem_shared>>) offsets(%dma_start3A_269 : memref<80xi32, #tpu.memory_space<vmem>>) semaphore(%arg18 : memref<!tpu.dma_semaphore, #tpu.memory_space<semaphore_mem>>) {add = true}
      %rem3A_273 = arith.constant 4 : i32
      %rem3A_274 = arith.remsi %scan3A_212, %rem3A_273 : i32
      %dma_start3A_275 = arith.constant 0 : i32
      %dma_start3A_276 = tpu.memref_slice %arg12[%rem3A_274, %dma_start3A_275] : memref<4x80xi32, #tpu.memory_space<vmem>> -> memref<1x80xi32, #tpu.memory_space<vmem>>
      %dma_start3A_277 = tpu.memref_squeeze %dma_start3A_276 : memref<1x80xi32, #tpu.memory_space<vmem>> -> memref<80xi32, #tpu.memory_space<vmem>>
      %dma_start3A_278 = arith.constant 0 : i32
      %dma_start3A_279 = tpu.memref_slice %arg10[%dma_start3A_278] : memref<10240xf32, #tpu.memory_space<vmem_shared>> -> memref<10240xf32, #tpu.memory_space<vmem_shared>>
      tpu.enqueue_indirect_dma source(%arg14 : memref<80xf32, #tpu.memory_space<vmem>>) target(%dma_start3A_279 : memref<10240xf32, #tpu.memory_space<vmem_shared>>) offsets(%dma_start3A_277 : memref<80xi32, #tpu.memory_space<vmem>>) semaphore(%arg19 : memref<!tpu.dma_semaphore, #tpu.memory_space<semaphore_mem>>) {add = true}
    }
    %scan3A_96 = arith.constant 125 : i32
    %dma_wait3A = arith.constant 0 : i32
    %dma_wait3A_97 = arith.constant 0 : i32
    %dma_wait3A_98 = arith.constant 0 : i32
    %dma_wait3A_99 = arith.constant 0 : i32
    %dma_wait3A_100 = tpu.memref_slice %arg13[%dma_wait3A, %dma_wait3A_98, %dma_wait3A_99] : memref<4x80x128xf32, #tpu.memory_space<vmem>> -> memref<1x80x128xf32, #tpu.memory_space<vmem>>
    %dma_wait3A_101 = tpu.memref_squeeze %dma_wait3A_100 : memref<1x80x128xf32, #tpu.memory_space<vmem>> -> memref<80x128xf32, #tpu.memory_space<vmem>>
    %dma_wait3A_102 = arith.constant 0 : i32
    %dma_wait3A_103 = tpu.memref_slice %arg12[%dma_wait3A_97, %dma_wait3A_102] : memref<4x80xi32, #tpu.memory_space<vmem>> -> memref<1x80xi32, #tpu.memory_space<vmem>>
    %dma_wait3A_104 = tpu.memref_squeeze %dma_wait3A_103 : memref<1x80xi32, #tpu.memory_space<vmem>> -> memref<80xi32, #tpu.memory_space<vmem>>
    %dma_wait3A_105 = arith.constant 0 : i32
    %dma_wait3A_106 = arith.constant 0 : i32
    %dma_wait3A_107 = tpu.memref_slice %arg9[%dma_wait3A_105, %dma_wait3A_106] : memref<10000x128xf32, #tpu.memory_space<vmem_shared>> -> memref<10000x128xf32, #tpu.memory_space<vmem_shared>>
    tpu.wait_indirect_dma semaphore(%arg18 : memref<!tpu.dma_semaphore, #tpu.memory_space<semaphore_mem>>) src(%dma_wait3A_101 : memref<80x128xf32, #tpu.memory_space<vmem>>) dst(%dma_wait3A_107 : memref<10000x128xf32, #tpu.memory_space<vmem_shared>>)
    %dma_wait3A_108 = arith.constant 0 : i32
    %dma_wait3A_109 = arith.constant 0 : i32
    %dma_wait3A_110 = tpu.memref_slice %arg12[%dma_wait3A_108, %dma_wait3A_109] : memref<4x80xi32, #tpu.memory_space<vmem>> -> memref<1x80xi32, #tpu.memory_space<vmem>>
    %dma_wait3A_111 = tpu.memref_squeeze %dma_wait3A_110 : memref<1x80xi32, #tpu.memory_space<vmem>> -> memref<80xi32, #tpu.memory_space<vmem>>
    %dma_wait3A_112 = arith.constant 0 : i32
    %dma_wait3A_113 = tpu.memref_slice %arg10[%dma_wait3A_112] : memref<10240xf32, #tpu.memory_space<vmem_shared>> -> memref<10240xf32, #tpu.memory_space<vmem_shared>>
    tpu.wait_indirect_dma semaphore(%arg19 : memref<!tpu.dma_semaphore, #tpu.memory_space<semaphore_mem>>) src(%arg14 : memref<80xf32, #tpu.memory_space<vmem>>) dst(%dma_wait3A_113 : memref<10240xf32, #tpu.memory_space<vmem_shared>>)
    %barrier3A_114 = arith.constant 0 : index
    tpu.barrier barrier_id(%barrier3A_114)
    %mul3A_115 = arith.constant 624 : i32
    %mul3A_116 = arith.muli %arg1, %mul3A_115 : i32
    %mul3A_117 = arith.constant 624 : i32
    %mul3A_118 = arith.muli %arg1, %mul3A_117 : i32
    "tpu.region"() ({
      %run_scoped3A_212 = tpu.sem_alloc : memref<!tpu.dma_semaphore, #tpu.memory_space<semaphore_mem>>
      %dma_start3A_213 = arith.constant 0 : i32
      %dma_start3A_214 = tpu.memref_slice %arg7[%arg0, %mul3A_118, %dma_start3A_213] : memref<2x10000x128xf32, #tpu.memory_space<hbm>> -> memref<1x624x128xf32, #tpu.memory_space<hbm>>
      %dma_start3A_215 = tpu.memref_squeeze %dma_start3A_214 : memref<1x624x128xf32, #tpu.memory_space<hbm>> -> memref<624x128xf32, #tpu.memory_space<hbm>>
      %dma_start3A_216 = arith.constant 0 : i32
      %dma_start3A_217 = tpu.memref_slice %arg9[%mul3A_116, %dma_start3A_216] : memref<10000x128xf32, #tpu.memory_space<vmem_shared>> -> memref<624x128xf32, #tpu.memory_space<vmem_shared>>
      tpu.enqueue_dma source(%dma_start3A_217 : memref<624x128xf32, #tpu.memory_space<vmem_shared>>) target(%dma_start3A_215 : memref<624x128xf32, #tpu.memory_space<hbm>>) target_semaphore(%run_scoped3A_212 : memref<!tpu.dma_semaphore, #tpu.memory_space<semaphore_mem>>)
      %dma_wait3A_218 = arith.constant 0 : i32
      %dma_wait3A_219 = tpu.memref_slice %arg7[%arg0, %mul3A_118, %dma_wait3A_218] : memref<2x10000x128xf32, #tpu.memory_space<hbm>> -> memref<1x624x128xf32, #tpu.memory_space<hbm>>
      %dma_wait3A_220 = tpu.memref_squeeze %dma_wait3A_219 : memref<1x624x128xf32, #tpu.memory_space<hbm>> -> memref<624x128xf32, #tpu.memory_space<hbm>>
      %dma_wait3A_221 = arith.constant 0 : i32
      %dma_wait3A_222 = tpu.memref_slice %arg9[%mul3A_116, %dma_wait3A_221] : memref<10000x128xf32, #tpu.memory_space<vmem_shared>> -> memref<624x128xf32, #tpu.memory_space<vmem_shared>>
      tpu.wait_dma2 semaphore(%run_scoped3A_212 : memref<!tpu.dma_semaphore, #tpu.memory_space<semaphore_mem>>) src(%dma_wait3A_222 : memref<624x128xf32, #tpu.memory_space<vmem_shared>>) dst(%dma_wait3A_220 : memref<624x128xf32, #tpu.memory_space<hbm>>)
      tpu.yield
    }) : () -> ()
    %mul3A_119 = arith.constant 624 : i32
    %mul3A_120 = arith.muli %arg1, %mul3A_119 : i32
    %add3A_121 = arith.constant 0 : i32
    %add3A_122 = arith.addi %mul3A_120, %add3A_121 : i32
    "tpu.region"() ({
      %run_scoped3A_212 = tpu.sem_alloc : memref<!tpu.dma_semaphore, #tpu.memory_space<semaphore_mem>>
      %dma_start3A_213 = arith.constant 0 : i32
      %dma_start3A_214 = tpu.memref_slice %arg14[%dma_start3A_213] : memref<80xf32, #tpu.memory_space<vmem>> -> memref<80xf32, #tpu.memory_space<vmem>>
      %dma_start3A_215 = tpu.memref_slice %arg10[%add3A_122] : memref<10240xf32, #tpu.memory_space<vmem_shared>> -> memref<80xf32, #tpu.memory_space<vmem_shared>>
      %dma_start3A_216 = arith.constant 0 : i32
      %dma_start3A_217 = tpu.memref_slice %arg14[%dma_start3A_216] : memref<80xf32, #tpu.memory_space<vmem>> -> memref<80xf32, #tpu.memory_space<vmem>>
      %dma_start3A_218 = tpu.memref_slice %arg10[%add3A_122] : memref<10240xf32, #tpu.memory_space<vmem_shared>> -> memref<80xf32, #tpu.memory_space<vmem_shared>>
      tpu.enqueue_dma source(%dma_start3A_218 : memref<80xf32, #tpu.memory_space<vmem_shared>>) target(%dma_start3A_217 : memref<80xf32, #tpu.memory_space<vmem>>) target_semaphore(%run_scoped3A_212 : memref<!tpu.dma_semaphore, #tpu.memory_space<semaphore_mem>>)
      %dma_wait3A_219 = arith.constant 0 : i32
      %dma_wait3A_220 = tpu.memref_slice %arg14[%dma_wait3A_219] : memref<80xf32, #tpu.memory_space<vmem>> -> memref<80xf32, #tpu.memory_space<vmem>>
      %dma_wait3A_221 = tpu.memref_slice %arg10[%add3A_122] : memref<10240xf32, #tpu.memory_space<vmem_shared>> -> memref<80xf32, #tpu.memory_space<vmem_shared>>
      %dma_wait3A_222 = arith.constant 0 : i32
      %dma_wait3A_223 = tpu.memref_slice %arg14[%dma_wait3A_222] : memref<80xf32, #tpu.memory_space<vmem>> -> memref<80xf32, #tpu.memory_space<vmem>>
      %dma_wait3A_224 = tpu.memref_slice %arg10[%add3A_122] : memref<10240xf32, #tpu.memory_space<vmem_shared>> -> memref<80xf32, #tpu.memory_space<vmem_shared>>
      tpu.wait_dma2 semaphore(%run_scoped3A_212 : memref<!tpu.dma_semaphore, #tpu.memory_space<semaphore_mem>>) src(%dma_wait3A_224 : memref<80xf32, #tpu.memory_space<vmem_shared>>) dst(%dma_wait3A_223 : memref<80xf32, #tpu.memory_space<vmem>>)
      tpu.yield
    }) : () -> ()
    %mul3A_123 = arith.constant 10000 : i32
    %mul3A_124 = arith.muli %arg0, %mul3A_123 : i32
    %mul3A_125 = arith.constant 624 : i32
    %mul3A_126 = arith.muli %arg1, %mul3A_125 : i32
    %add3A_127 = arith.addi %mul3A_124, %mul3A_126 : i32
    %add3A_128 = arith.constant 0 : i32
    %add3A_129 = arith.addi %add3A_127, %add3A_128 : i32
    "tpu.region"() ({
      %run_scoped3A_212 = tpu.sem_alloc : memref<!tpu.dma_semaphore, #tpu.memory_space<semaphore_mem>>
      %dma_start3A_213 = arith.constant 0 : i32
      %dma_start3A_214 = tpu.memref_slice %arg14[%dma_start3A_213] : memref<80xf32, #tpu.memory_space<vmem>> -> memref<80xf32, #tpu.memory_space<vmem>>
      %dma_start3A_215 = tpu.memref_slice %arg8[%add3A_129] : memref<20000xf32, #tpu.memory_space<hbm>> -> memref<80xf32, #tpu.memory_space<hbm>>
      %dma_start3A_216 = tpu.memref_slice %arg8[%add3A_129] : memref<20000xf32, #tpu.memory_space<hbm>> -> memref<80xf32, #tpu.memory_space<hbm>>
      %dma_start3A_217 = arith.constant 0 : i32
      %dma_start3A_218 = tpu.memref_slice %arg14[%dma_start3A_217] : memref<80xf32, #tpu.memory_space<vmem>> -> memref<80xf32, #tpu.memory_space<vmem>>
      tpu.enqueue_dma source(%dma_start3A_218 : memref<80xf32, #tpu.memory_space<vmem>>) target(%dma_start3A_216 : memref<80xf32, #tpu.memory_space<hbm>>) target_semaphore(%run_scoped3A_212 : memref<!tpu.dma_semaphore, #tpu.memory_space<semaphore_mem>>)
      %dma_wait3A_219 = arith.constant 0 : i32
      %dma_wait3A_220 = tpu.memref_slice %arg14[%dma_wait3A_219] : memref<80xf32, #tpu.memory_space<vmem>> -> memref<80xf32, #tpu.memory_space<vmem>>
      %dma_wait3A_221 = tpu.memref_slice %arg8[%add3A_129] : memref<20000xf32, #tpu.memory_space<hbm>> -> memref<80xf32, #tpu.memory_space<hbm>>
      %dma_wait3A_222 = tpu.memref_slice %arg8[%add3A_129] : memref<20000xf32, #tpu.memory_space<hbm>> -> memref<80xf32, #tpu.memory_space<hbm>>
      %dma_wait3A_223 = arith.constant 0 : i32
      %dma_wait3A_224 = tpu.memref_slice %arg14[%dma_wait3A_223] : memref<80xf32, #tpu.memory_space<vmem>> -> memref<80xf32, #tpu.memory_space<vmem>>
      tpu.wait_dma2 semaphore(%run_scoped3A_212 : memref<!tpu.dma_semaphore, #tpu.memory_space<semaphore_mem>>) src(%dma_wait3A_224 : memref<80xf32, #tpu.memory_space<vmem>>) dst(%dma_wait3A_222 : memref<80xf32, #tpu.memory_space<hbm>>)
      tpu.yield
    }) : () -> ()
    %mul3A_130 = arith.constant 624 : i32
    %mul3A_131 = arith.muli %arg1, %mul3A_130 : i32
    %add3A_132 = arith.constant 80 : i32
    %add3A_133 = arith.addi %mul3A_131, %add3A_132 : i32
    "tpu.region"() ({
      %run_scoped3A_212 = tpu.sem_alloc : memref<!tpu.dma_semaphore, #tpu.memory_space<semaphore_mem>>
      %dma_start3A_213 = arith.constant 0 : i32
      %dma_start3A_214 = tpu.memref_slice %arg14[%dma_start3A_213] : memref<80xf32, #tpu.memory_space<vmem>> -> memref<80xf32, #tpu.memory_space<vmem>>
      %dma_start3A_215 = tpu.memref_slice %arg10[%add3A_133] : memref<10240xf32, #tpu.memory_space<vmem_shared>> -> memref<80xf32, #tpu.memory_space<vmem_shared>>
      %dma_start3A_216 = arith.constant 0 : i32
      %dma_start3A_217 = tpu.memref_slice %arg14[%dma_start3A_216] : memref<80xf32, #tpu.memory_space<vmem>> -> memref<80xf32, #tpu.memory_space<vmem>>
      %dma_start3A_218 = tpu.memref_slice %arg10[%add3A_133] : memref<10240xf32, #tpu.memory_space<vmem_shared>> -> memref<80xf32, #tpu.memory_space<vmem_shared>>
      tpu.enqueue_dma source(%dma_start3A_218 : memref<80xf32, #tpu.memory_space<vmem_shared>>) target(%dma_start3A_217 : memref<80xf32, #tpu.memory_space<vmem>>) target_semaphore(%run_scoped3A_212 : memref<!tpu.dma_semaphore, #tpu.memory_space<semaphore_mem>>)
      %dma_wait3A_219 = arith.constant 0 : i32
      %dma_wait3A_220 = tpu.memref_slice %arg14[%dma_wait3A_219] : memref<80xf32, #tpu.memory_space<vmem>> -> memref<80xf32, #tpu.memory_space<vmem>>
      %dma_wait3A_221 = tpu.memref_slice %arg10[%add3A_133] : memref<10240xf32, #tpu.memory_space<vmem_shared>> -> memref<80xf32, #tpu.memory_space<vmem_shared>>
      %dma_wait3A_222 = arith.constant 0 : i32
      %dma_wait3A_223 = tpu.memref_slice %arg14[%dma_wait3A_222] : memref<80xf32, #tpu.memory_space<vmem>> -> memref<80xf32, #tpu.memory_space<vmem>>
      %dma_wait3A_224 = tpu.memref_slice %arg10[%add3A_133] : memref<10240xf32, #tpu.memory_space<vmem_shared>> -> memref<80xf32, #tpu.memory_space<vmem_shared>>
      tpu.wait_dma2 semaphore(%run_scoped3A_212 : memref<!tpu.dma_semaphore, #tpu.memory_space<semaphore_mem>>) src(%dma_wait3A_224 : memref<80xf32, #tpu.memory_space<vmem_shared>>) dst(%dma_wait3A_223 : memref<80xf32, #tpu.memory_space<vmem>>)
      tpu.yield
    }) : () -> ()
    %mul3A_134 = arith.constant 10000 : i32
    %mul3A_135 = arith.muli %arg0, %mul3A_134 : i32
    %mul3A_136 = arith.constant 624 : i32
    %mul3A_137 = arith.muli %arg1, %mul3A_136 : i32
    %add3A_138 = arith.addi %mul3A_135, %mul3A_137 : i32
    %add3A_139 = arith.constant 80 : i32
    %add3A_140 = arith.addi %add3A_138, %add3A_139 : i32
    "tpu.region"() ({
      %run_scoped3A_212 = tpu.sem_alloc : memref<!tpu.dma_semaphore, #tpu.memory_space<semaphore_mem>>
      %dma_start3A_213 = arith.constant 0 : i32
      %dma_start3A_214 = tpu.memref_slice %arg14[%dma_start3A_213] : memref<80xf32, #tpu.memory_space<vmem>> -> memref<80xf32, #tpu.memory_space<vmem>>
      %dma_start3A_215 = tpu.memref_slice %arg8[%add3A_140] : memref<20000xf32, #tpu.memory_space<hbm>> -> memref<80xf32, #tpu.memory_space<hbm>>
      %dma_start3A_216 = tpu.memref_slice %arg8[%add3A_140] : memref<20000xf32, #tpu.memory_space<hbm>> -> memref<80xf32, #tpu.memory_space<hbm>>
      %dma_start3A_217 = arith.constant 0 : i32
      %dma_start3A_218 = tpu.memref_slice %arg14[%dma_start3A_217] : memref<80xf32, #tpu.memory_space<vmem>> -> memref<80xf32, #tpu.memory_space<vmem>>
      tpu.enqueue_dma source(%dma_start3A_218 : memref<80xf32, #tpu.memory_space<vmem>>) target(%dma_start3A_216 : memref<80xf32, #tpu.memory_space<hbm>>) target_semaphore(%run_scoped3A_212 : memref<!tpu.dma_semaphore, #tpu.memory_space<semaphore_mem>>)
      %dma_wait3A_219 = arith.constant 0 : i32
      %dma_wait3A_220 = tpu.memref_slice %arg14[%dma_wait3A_219] : memref<80xf32, #tpu.memory_space<vmem>> -> memref<80xf32, #tpu.memory_space<vmem>>
      %dma_wait3A_221 = tpu.memref_slice %arg8[%add3A_140] : memref<20000xf32, #tpu.memory_space<hbm>> -> memref<80xf32, #tpu.memory_space<hbm>>
      %dma_wait3A_222 = tpu.memref_slice %arg8[%add3A_140] : memref<20000xf32, #tpu.memory_space<hbm>> -> memref<80xf32, #tpu.memory_space<hbm>>
      %dma_wait3A_223 = arith.constant 0 : i32
      %dma_wait3A_224 = tpu.memref_slice %arg14[%dma_wait3A_223] : memref<80xf32, #tpu.memory_space<vmem>> -> memref<80xf32, #tpu.memory_space<vmem>>
      tpu.wait_dma2 semaphore(%run_scoped3A_212 : memref<!tpu.dma_semaphore, #tpu.memory_space<semaphore_mem>>) src(%dma_wait3A_224 : memref<80xf32, #tpu.memory_space<vmem>>) dst(%dma_wait3A_222 : memref<80xf32, #tpu.memory_space<hbm>>)
      tpu.yield
    }) : () -> ()
    %mul3A_141 = arith.constant 624 : i32
    %mul3A_142 = arith.muli %arg1, %mul3A_141 : i32
    %add3A_143 = arith.constant 160 : i32
    %add3A_144 = arith.addi %mul3A_142, %add3A_143 : i32
    "tpu.region"() ({
      %run_scoped3A_212 = tpu.sem_alloc : memref<!tpu.dma_semaphore, #tpu.memory_space<semaphore_mem>>
      %dma_start3A_213 = arith.constant 0 : i32
      %dma_start3A_214 = tpu.memref_slice %arg14[%dma_start3A_213] : memref<80xf32, #tpu.memory_space<vmem>> -> memref<80xf32, #tpu.memory_space<vmem>>
      %dma_start3A_215 = tpu.memref_slice %arg10[%add3A_144] : memref<10240xf32, #tpu.memory_space<vmem_shared>> -> memref<80xf32, #tpu.memory_space<vmem_shared>>
      %dma_start3A_216 = arith.constant 0 : i32
      %dma_start3A_217 = tpu.memref_slice %arg14[%dma_start3A_216] : memref<80xf32, #tpu.memory_space<vmem>> -> memref<80xf32, #tpu.memory_space<vmem>>
      %dma_start3A_218 = tpu.memref_slice %arg10[%add3A_144] : memref<10240xf32, #tpu.memory_space<vmem_shared>> -> memref<80xf32, #tpu.memory_space<vmem_shared>>
      tpu.enqueue_dma source(%dma_start3A_218 : memref<80xf32, #tpu.memory_space<vmem_shared>>) target(%dma_start3A_217 : memref<80xf32, #tpu.memory_space<vmem>>) target_semaphore(%run_scoped3A_212 : memref<!tpu.dma_semaphore, #tpu.memory_space<semaphore_mem>>)
      %dma_wait3A_219 = arith.constant 0 : i32
      %dma_wait3A_220 = tpu.memref_slice %arg14[%dma_wait3A_219] : memref<80xf32, #tpu.memory_space<vmem>> -> memref<80xf32, #tpu.memory_space<vmem>>
      %dma_wait3A_221 = tpu.memref_slice %arg10[%add3A_144] : memref<10240xf32, #tpu.memory_space<vmem_shared>> -> memref<80xf32, #tpu.memory_space<vmem_shared>>
      %dma_wait3A_222 = arith.constant 0 : i32
      %dma_wait3A_223 = tpu.memref_slice %arg14[%dma_wait3A_222] : memref<80xf32, #tpu.memory_space<vmem>> -> memref<80xf32, #tpu.memory_space<vmem>>
      %dma_wait3A_224 = tpu.memref_slice %arg10[%add3A_144] : memref<10240xf32, #tpu.memory_space<vmem_shared>> -> memref<80xf32, #tpu.memory_space<vmem_shared>>
      tpu.wait_dma2 semaphore(%run_scoped3A_212 : memref<!tpu.dma_semaphore, #tpu.memory_space<semaphore_mem>>) src(%dma_wait3A_224 : memref<80xf32, #tpu.memory_space<vmem_shared>>) dst(%dma_wait3A_223 : memref<80xf32, #tpu.memory_space<vmem>>)
      tpu.yield
    }) : () -> ()
    %mul3A_145 = arith.constant 10000 : i32
    %mul3A_146 = arith.muli %arg0, %mul3A_145 : i32
    %mul3A_147 = arith.constant 624 : i32
    %mul3A_148 = arith.muli %arg1, %mul3A_147 : i32
    %add3A_149 = arith.addi %mul3A_146, %mul3A_148 : i32
    %add3A_150 = arith.constant 160 : i32
    %add3A_151 = arith.addi %add3A_149, %add3A_150 : i32
    "tpu.region"() ({
      %run_scoped3A_212 = tpu.sem_alloc : memref<!tpu.dma_semaphore, #tpu.memory_space<semaphore_mem>>
      %dma_start3A_213 = arith.constant 0 : i32
      %dma_start3A_214 = tpu.memref_slice %arg14[%dma_start3A_213] : memref<80xf32, #tpu.memory_space<vmem>> -> memref<80xf32, #tpu.memory_space<vmem>>
      %dma_start3A_215 = tpu.memref_slice %arg8[%add3A_151] : memref<20000xf32, #tpu.memory_space<hbm>> -> memref<80xf32, #tpu.memory_space<hbm>>
      %dma_start3A_216 = tpu.memref_slice %arg8[%add3A_151] : memref<20000xf32, #tpu.memory_space<hbm>> -> memref<80xf32, #tpu.memory_space<hbm>>
      %dma_start3A_217 = arith.constant 0 : i32
      %dma_start3A_218 = tpu.memref_slice %arg14[%dma_start3A_217] : memref<80xf32, #tpu.memory_space<vmem>> -> memref<80xf32, #tpu.memory_space<vmem>>
      tpu.enqueue_dma source(%dma_start3A_218 : memref<80xf32, #tpu.memory_space<vmem>>) target(%dma_start3A_216 : memref<80xf32, #tpu.memory_space<hbm>>) target_semaphore(%run_scoped3A_212 : memref<!tpu.dma_semaphore, #tpu.memory_space<semaphore_mem>>)
      %dma_wait3A_219 = arith.constant 0 : i32
      %dma_wait3A_220 = tpu.memref_slice %arg14[%dma_wait3A_219] : memref<80xf32, #tpu.memory_space<vmem>> -> memref<80xf32, #tpu.memory_space<vmem>>
      %dma_wait3A_221 = tpu.memref_slice %arg8[%add3A_151] : memref<20000xf32, #tpu.memory_space<hbm>> -> memref<80xf32, #tpu.memory_space<hbm>>
      %dma_wait3A_222 = tpu.memref_slice %arg8[%add3A_151] : memref<20000xf32, #tpu.memory_space<hbm>> -> memref<80xf32, #tpu.memory_space<hbm>>
      %dma_wait3A_223 = arith.constant 0 : i32
      %dma_wait3A_224 = tpu.memref_slice %arg14[%dma_wait3A_223] : memref<80xf32, #tpu.memory_space<vmem>> -> memref<80xf32, #tpu.memory_space<vmem>>
      tpu.wait_dma2 semaphore(%run_scoped3A_212 : memref<!tpu.dma_semaphore, #tpu.memory_space<semaphore_mem>>) src(%dma_wait3A_224 : memref<80xf32, #tpu.memory_space<vmem>>) dst(%dma_wait3A_222 : memref<80xf32, #tpu.memory_space<hbm>>)
      tpu.yield
    }) : () -> ()
    %mul3A_152 = arith.constant 624 : i32
    %mul3A_153 = arith.muli %arg1, %mul3A_152 : i32
    %add3A_154 = arith.constant 240 : i32
    %add3A_155 = arith.addi %mul3A_153, %add3A_154 : i32
    "tpu.region"() ({
      %run_scoped3A_212 = tpu.sem_alloc : memref<!tpu.dma_semaphore, #tpu.memory_space<semaphore_mem>>
      %dma_start3A_213 = arith.constant 0 : i32
      %dma_start3A_214 = tpu.memref_slice %arg14[%dma_start3A_213] : memref<80xf32, #tpu.memory_space<vmem>> -> memref<80xf32, #tpu.memory_space<vmem>>
      %dma_start3A_215 = tpu.memref_slice %arg10[%add3A_155] : memref<10240xf32, #tpu.memory_space<vmem_shared>> -> memref<80xf32, #tpu.memory_space<vmem_shared>>
      %dma_start3A_216 = arith.constant 0 : i32
      %dma_start3A_217 = tpu.memref_slice %arg14[%dma_start3A_216] : memref<80xf32, #tpu.memory_space<vmem>> -> memref<80xf32, #tpu.memory_space<vmem>>
      %dma_start3A_218 = tpu.memref_slice %arg10[%add3A_155] : memref<10240xf32, #tpu.memory_space<vmem_shared>> -> memref<80xf32, #tpu.memory_space<vmem_shared>>
      tpu.enqueue_dma source(%dma_start3A_218 : memref<80xf32, #tpu.memory_space<vmem_shared>>) target(%dma_start3A_217 : memref<80xf32, #tpu.memory_space<vmem>>) target_semaphore(%run_scoped3A_212 : memref<!tpu.dma_semaphore, #tpu.memory_space<semaphore_mem>>)
      %dma_wait3A_219 = arith.constant 0 : i32
      %dma_wait3A_220 = tpu.memref_slice %arg14[%dma_wait3A_219] : memref<80xf32, #tpu.memory_space<vmem>> -> memref<80xf32, #tpu.memory_space<vmem>>
      %dma_wait3A_221 = tpu.memref_slice %arg10[%add3A_155] : memref<10240xf32, #tpu.memory_space<vmem_shared>> -> memref<80xf32, #tpu.memory_space<vmem_shared>>
      %dma_wait3A_222 = arith.constant 0 : i32
      %dma_wait3A_223 = tpu.memref_slice %arg14[%dma_wait3A_222] : memref<80xf32, #tpu.memory_space<vmem>> -> memref<80xf32, #tpu.memory_space<vmem>>
      %dma_wait3A_224 = tpu.memref_slice %arg10[%add3A_155] : memref<10240xf32, #tpu.memory_space<vmem_shared>> -> memref<80xf32, #tpu.memory_space<vmem_shared>>
      tpu.wait_dma2 semaphore(%run_scoped3A_212 : memref<!tpu.dma_semaphore, #tpu.memory_space<semaphore_mem>>) src(%dma_wait3A_224 : memref<80xf32, #tpu.memory_space<vmem_shared>>) dst(%dma_wait3A_223 : memref<80xf32, #tpu.memory_space<vmem>>)
      tpu.yield
    }) : () -> ()
    %mul3A_156 = arith.constant 10000 : i32
    %mul3A_157 = arith.muli %arg0, %mul3A_156 : i32
    %mul3A_158 = arith.constant 624 : i32
    %mul3A_159 = arith.muli %arg1, %mul3A_158 : i32
    %add3A_160 = arith.addi %mul3A_157, %mul3A_159 : i32
    %add3A_161 = arith.constant 240 : i32
    %add3A_162 = arith.addi %add3A_160, %add3A_161 : i32
    "tpu.region"() ({
      %run_scoped3A_212 = tpu.sem_alloc : memref<!tpu.dma_semaphore, #tpu.memory_space<semaphore_mem>>
      %dma_start3A_213 = arith.constant 0 : i32
      %dma_start3A_214 = tpu.memref_slice %arg14[%dma_start3A_213] : memref<80xf32, #tpu.memory_space<vmem>> -> memref<80xf32, #tpu.memory_space<vmem>>
      %dma_start3A_215 = tpu.memref_slice %arg8[%add3A_162] : memref<20000xf32, #tpu.memory_space<hbm>> -> memref<80xf32, #tpu.memory_space<hbm>>
      %dma_start3A_216 = tpu.memref_slice %arg8[%add3A_162] : memref<20000xf32, #tpu.memory_space<hbm>> -> memref<80xf32, #tpu.memory_space<hbm>>
      %dma_start3A_217 = arith.constant 0 : i32
      %dma_start3A_218 = tpu.memref_slice %arg14[%dma_start3A_217] : memref<80xf32, #tpu.memory_space<vmem>> -> memref<80xf32, #tpu.memory_space<vmem>>
      tpu.enqueue_dma source(%dma_start3A_218 : memref<80xf32, #tpu.memory_space<vmem>>) target(%dma_start3A_216 : memref<80xf32, #tpu.memory_space<hbm>>) target_semaphore(%run_scoped3A_212 : memref<!tpu.dma_semaphore, #tpu.memory_space<semaphore_mem>>)
      %dma_wait3A_219 = arith.constant 0 : i32
      %dma_wait3A_220 = tpu.memref_slice %arg14[%dma_wait3A_219] : memref<80xf32, #tpu.memory_space<vmem>> -> memref<80xf32, #tpu.memory_space<vmem>>
      %dma_wait3A_221 = tpu.memref_slice %arg8[%add3A_162] : memref<20000xf32, #tpu.memory_space<hbm>> -> memref<80xf32, #tpu.memory_space<hbm>>
      %dma_wait3A_222 = tpu.memref_slice %arg8[%add3A_162] : memref<20000xf32, #tpu.memory_space<hbm>> -> memref<80xf32, #tpu.memory_space<hbm>>
      %dma_wait3A_223 = arith.constant 0 : i32
      %dma_wait3A_224 = tpu.memref_slice %arg14[%dma_wait3A_223] : memref<80xf32, #tpu.memory_space<vmem>> -> memref<80xf32, #tpu.memory_space<vmem>>
      tpu.wait_dma2 semaphore(%run_scoped3A_212 : memref<!tpu.dma_semaphore, #tpu.memory_space<semaphore_mem>>) src(%dma_wait3A_224 : memref<80xf32, #tpu.memory_space<vmem>>) dst(%dma_wait3A_222 : memref<80xf32, #tpu.memory_space<hbm>>)
      tpu.yield
    }) : () -> ()
    %mul3A_163 = arith.constant 624 : i32
    %mul3A_164 = arith.muli %arg1, %mul3A_163 : i32
    %add3A_165 = arith.constant 320 : i32
    %add3A_166 = arith.addi %mul3A_164, %add3A_165 : i32
    "tpu.region"() ({
      %run_scoped3A_212 = tpu.sem_alloc : memref<!tpu.dma_semaphore, #tpu.memory_space<semaphore_mem>>
      %dma_start3A_213 = arith.constant 0 : i32
      %dma_start3A_214 = tpu.memref_slice %arg14[%dma_start3A_213] : memref<80xf32, #tpu.memory_space<vmem>> -> memref<80xf32, #tpu.memory_space<vmem>>
      %dma_start3A_215 = tpu.memref_slice %arg10[%add3A_166] : memref<10240xf32, #tpu.memory_space<vmem_shared>> -> memref<80xf32, #tpu.memory_space<vmem_shared>>
      %dma_start3A_216 = arith.constant 0 : i32
      %dma_start3A_217 = tpu.memref_slice %arg14[%dma_start3A_216] : memref<80xf32, #tpu.memory_space<vmem>> -> memref<80xf32, #tpu.memory_space<vmem>>
      %dma_start3A_218 = tpu.memref_slice %arg10[%add3A_166] : memref<10240xf32, #tpu.memory_space<vmem_shared>> -> memref<80xf32, #tpu.memory_space<vmem_shared>>
      tpu.enqueue_dma source(%dma_start3A_218 : memref<80xf32, #tpu.memory_space<vmem_shared>>) target(%dma_start3A_217 : memref<80xf32, #tpu.memory_space<vmem>>) target_semaphore(%run_scoped3A_212 : memref<!tpu.dma_semaphore, #tpu.memory_space<semaphore_mem>>)
      %dma_wait3A_219 = arith.constant 0 : i32
      %dma_wait3A_220 = tpu.memref_slice %arg14[%dma_wait3A_219] : memref<80xf32, #tpu.memory_space<vmem>> -> memref<80xf32, #tpu.memory_space<vmem>>
      %dma_wait3A_221 = tpu.memref_slice %arg10[%add3A_166] : memref<10240xf32, #tpu.memory_space<vmem_shared>> -> memref<80xf32, #tpu.memory_space<vmem_shared>>
      %dma_wait3A_222 = arith.constant 0 : i32
      %dma_wait3A_223 = tpu.memref_slice %arg14[%dma_wait3A_222] : memref<80xf32, #tpu.memory_space<vmem>> -> memref<80xf32, #tpu.memory_space<vmem>>
      %dma_wait3A_224 = tpu.memref_slice %arg10[%add3A_166] : memref<10240xf32, #tpu.memory_space<vmem_shared>> -> memref<80xf32, #tpu.memory_space<vmem_shared>>
      tpu.wait_dma2 semaphore(%run_scoped3A_212 : memref<!tpu.dma_semaphore, #tpu.memory_space<semaphore_mem>>) src(%dma_wait3A_224 : memref<80xf32, #tpu.memory_space<vmem_shared>>) dst(%dma_wait3A_223 : memref<80xf32, #tpu.memory_space<vmem>>)
      tpu.yield
    }) : () -> ()
    %mul3A_167 = arith.constant 10000 : i32
    %mul3A_168 = arith.muli %arg0, %mul3A_167 : i32
    %mul3A_169 = arith.constant 624 : i32
    %mul3A_170 = arith.muli %arg1, %mul3A_169 : i32
    %add3A_171 = arith.addi %mul3A_168, %mul3A_170 : i32
    %add3A_172 = arith.constant 320 : i32
    %add3A_173 = arith.addi %add3A_171, %add3A_172 : i32
    "tpu.region"() ({
      %run_scoped3A_212 = tpu.sem_alloc : memref<!tpu.dma_semaphore, #tpu.memory_space<semaphore_mem>>
      %dma_start3A_213 = arith.constant 0 : i32
      %dma_start3A_214 = tpu.memref_slice %arg14[%dma_start3A_213] : memref<80xf32, #tpu.memory_space<vmem>> -> memref<80xf32, #tpu.memory_space<vmem>>
      %dma_start3A_215 = tpu.memref_slice %arg8[%add3A_173] : memref<20000xf32, #tpu.memory_space<hbm>> -> memref<80xf32, #tpu.memory_space<hbm>>
      %dma_start3A_216 = tpu.memref_slice %arg8[%add3A_173] : memref<20000xf32, #tpu.memory_space<hbm>> -> memref<80xf32, #tpu.memory_space<hbm>>
      %dma_start3A_217 = arith.constant 0 : i32
      %dma_start3A_218 = tpu.memref_slice %arg14[%dma_start3A_217] : memref<80xf32, #tpu.memory_space<vmem>> -> memref<80xf32, #tpu.memory_space<vmem>>
      tpu.enqueue_dma source(%dma_start3A_218 : memref<80xf32, #tpu.memory_space<vmem>>) target(%dma_start3A_216 : memref<80xf32, #tpu.memory_space<hbm>>) target_semaphore(%run_scoped3A_212 : memref<!tpu.dma_semaphore, #tpu.memory_space<semaphore_mem>>)
      %dma_wait3A_219 = arith.constant 0 : i32
      %dma_wait3A_220 = tpu.memref_slice %arg14[%dma_wait3A_219] : memref<80xf32, #tpu.memory_space<vmem>> -> memref<80xf32, #tpu.memory_space<vmem>>
      %dma_wait3A_221 = tpu.memref_slice %arg8[%add3A_173] : memref<20000xf32, #tpu.memory_space<hbm>> -> memref<80xf32, #tpu.memory_space<hbm>>
      %dma_wait3A_222 = tpu.memref_slice %arg8[%add3A_173] : memref<20000xf32, #tpu.memory_space<hbm>> -> memref<80xf32, #tpu.memory_space<hbm>>
      %dma_wait3A_223 = arith.constant 0 : i32
      %dma_wait3A_224 = tpu.memref_slice %arg14[%dma_wait3A_223] : memref<80xf32, #tpu.memory_space<vmem>> -> memref<80xf32, #tpu.memory_space<vmem>>
      tpu.wait_dma2 semaphore(%run_scoped3A_212 : memref<!tpu.dma_semaphore, #tpu.memory_space<semaphore_mem>>) src(%dma_wait3A_224 : memref<80xf32, #tpu.memory_space<vmem>>) dst(%dma_wait3A_222 : memref<80xf32, #tpu.memory_space<hbm>>)
      tpu.yield
    }) : () -> ()
    %mul3A_174 = arith.constant 624 : i32
    %mul3A_175 = arith.muli %arg1, %mul3A_174 : i32
    %add3A_176 = arith.constant 400 : i32
    %add3A_177 = arith.addi %mul3A_175, %add3A_176 : i32
    "tpu.region"() ({
      %run_scoped3A_212 = tpu.sem_alloc : memref<!tpu.dma_semaphore, #tpu.memory_space<semaphore_mem>>
      %dma_start3A_213 = arith.constant 0 : i32
      %dma_start3A_214 = tpu.memref_slice %arg14[%dma_start3A_213] : memref<80xf32, #tpu.memory_space<vmem>> -> memref<80xf32, #tpu.memory_space<vmem>>
      %dma_start3A_215 = tpu.memref_slice %arg10[%add3A_177] : memref<10240xf32, #tpu.memory_space<vmem_shared>> -> memref<80xf32, #tpu.memory_space<vmem_shared>>
      %dma_start3A_216 = arith.constant 0 : i32
      %dma_start3A_217 = tpu.memref_slice %arg14[%dma_start3A_216] : memref<80xf32, #tpu.memory_space<vmem>> -> memref<80xf32, #tpu.memory_space<vmem>>
      %dma_start3A_218 = tpu.memref_slice %arg10[%add3A_177] : memref<10240xf32, #tpu.memory_space<vmem_shared>> -> memref<80xf32, #tpu.memory_space<vmem_shared>>
      tpu.enqueue_dma source(%dma_start3A_218 : memref<80xf32, #tpu.memory_space<vmem_shared>>) target(%dma_start3A_217 : memref<80xf32, #tpu.memory_space<vmem>>) target_semaphore(%run_scoped3A_212 : memref<!tpu.dma_semaphore, #tpu.memory_space<semaphore_mem>>)
      %dma_wait3A_219 = arith.constant 0 : i32
      %dma_wait3A_220 = tpu.memref_slice %arg14[%dma_wait3A_219] : memref<80xf32, #tpu.memory_space<vmem>> -> memref<80xf32, #tpu.memory_space<vmem>>
      %dma_wait3A_221 = tpu.memref_slice %arg10[%add3A_177] : memref<10240xf32, #tpu.memory_space<vmem_shared>> -> memref<80xf32, #tpu.memory_space<vmem_shared>>
      %dma_wait3A_222 = arith.constant 0 : i32
      %dma_wait3A_223 = tpu.memref_slice %arg14[%dma_wait3A_222] : memref<80xf32, #tpu.memory_space<vmem>> -> memref<80xf32, #tpu.memory_space<vmem>>
      %dma_wait3A_224 = tpu.memref_slice %arg10[%add3A_177] : memref<10240xf32, #tpu.memory_space<vmem_shared>> -> memref<80xf32, #tpu.memory_space<vmem_shared>>
      tpu.wait_dma2 semaphore(%run_scoped3A_212 : memref<!tpu.dma_semaphore, #tpu.memory_space<semaphore_mem>>) src(%dma_wait3A_224 : memref<80xf32, #tpu.memory_space<vmem_shared>>) dst(%dma_wait3A_223 : memref<80xf32, #tpu.memory_space<vmem>>)
      tpu.yield
    }) : () -> ()
    %mul3A_178 = arith.constant 10000 : i32
    %mul3A_179 = arith.muli %arg0, %mul3A_178 : i32
    %mul3A_180 = arith.constant 624 : i32
    %mul3A_181 = arith.muli %arg1, %mul3A_180 : i32
    %add3A_182 = arith.addi %mul3A_179, %mul3A_181 : i32
    %add3A_183 = arith.constant 400 : i32
    %add3A_184 = arith.addi %add3A_182, %add3A_183 : i32
    "tpu.region"() ({
      %run_scoped3A_212 = tpu.sem_alloc : memref<!tpu.dma_semaphore, #tpu.memory_space<semaphore_mem>>
      %dma_start3A_213 = arith.constant 0 : i32
      %dma_start3A_214 = tpu.memref_slice %arg14[%dma_start3A_213] : memref<80xf32, #tpu.memory_space<vmem>> -> memref<80xf32, #tpu.memory_space<vmem>>
      %dma_start3A_215 = tpu.memref_slice %arg8[%add3A_184] : memref<20000xf32, #tpu.memory_space<hbm>> -> memref<80xf32, #tpu.memory_space<hbm>>
      %dma_start3A_216 = tpu.memref_slice %arg8[%add3A_184] : memref<20000xf32, #tpu.memory_space<hbm>> -> memref<80xf32, #tpu.memory_space<hbm>>
      %dma_start3A_217 = arith.constant 0 : i32
      %dma_start3A_218 = tpu.memref_slice %arg14[%dma_start3A_217] : memref<80xf32, #tpu.memory_space<vmem>> -> memref<80xf32, #tpu.memory_space<vmem>>
      tpu.enqueue_dma source(%dma_start3A_218 : memref<80xf32, #tpu.memory_space<vmem>>) target(%dma_start3A_216 : memref<80xf32, #tpu.memory_space<hbm>>) target_semaphore(%run_scoped3A_212 : memref<!tpu.dma_semaphore, #tpu.memory_space<semaphore_mem>>)
      %dma_wait3A_219 = arith.constant 0 : i32
      %dma_wait3A_220 = tpu.memref_slice %arg14[%dma_wait3A_219] : memref<80xf32, #tpu.memory_space<vmem>> -> memref<80xf32, #tpu.memory_space<vmem>>
      %dma_wait3A_221 = tpu.memref_slice %arg8[%add3A_184] : memref<20000xf32, #tpu.memory_space<hbm>> -> memref<80xf32, #tpu.memory_space<hbm>>
      %dma_wait3A_222 = tpu.memref_slice %arg8[%add3A_184] : memref<20000xf32, #tpu.memory_space<hbm>> -> memref<80xf32, #tpu.memory_space<hbm>>
      %dma_wait3A_223 = arith.constant 0 : i32
      %dma_wait3A_224 = tpu.memref_slice %arg14[%dma_wait3A_223] : memref<80xf32, #tpu.memory_space<vmem>> -> memref<80xf32, #tpu.memory_space<vmem>>
      tpu.wait_dma2 semaphore(%run_scoped3A_212 : memref<!tpu.dma_semaphore, #tpu.memory_space<semaphore_mem>>) src(%dma_wait3A_224 : memref<80xf32, #tpu.memory_space<vmem>>) dst(%dma_wait3A_222 : memref<80xf32, #tpu.memory_space<hbm>>)
      tpu.yield
    }) : () -> ()
    %mul3A_185 = arith.constant 624 : i32
    %mul3A_186 = arith.muli %arg1, %mul3A_185 : i32
    %add3A_187 = arith.constant 480 : i32
    %add3A_188 = arith.addi %mul3A_186, %add3A_187 : i32
    "tpu.region"() ({
      %run_scoped3A_212 = tpu.sem_alloc : memref<!tpu.dma_semaphore, #tpu.memory_space<semaphore_mem>>
      %dma_start3A_213 = arith.constant 0 : i32
      %dma_start3A_214 = tpu.memref_slice %arg14[%dma_start3A_213] : memref<80xf32, #tpu.memory_space<vmem>> -> memref<80xf32, #tpu.memory_space<vmem>>
      %dma_start3A_215 = tpu.memref_slice %arg10[%add3A_188] : memref<10240xf32, #tpu.memory_space<vmem_shared>> -> memref<80xf32, #tpu.memory_space<vmem_shared>>
      %dma_start3A_216 = arith.constant 0 : i32
      %dma_start3A_217 = tpu.memref_slice %arg14[%dma_start3A_216] : memref<80xf32, #tpu.memory_space<vmem>> -> memref<80xf32, #tpu.memory_space<vmem>>
      %dma_start3A_218 = tpu.memref_slice %arg10[%add3A_188] : memref<10240xf32, #tpu.memory_space<vmem_shared>> -> memref<80xf32, #tpu.memory_space<vmem_shared>>
      tpu.enqueue_dma source(%dma_start3A_218 : memref<80xf32, #tpu.memory_space<vmem_shared>>) target(%dma_start3A_217 : memref<80xf32, #tpu.memory_space<vmem>>) target_semaphore(%run_scoped3A_212 : memref<!tpu.dma_semaphore, #tpu.memory_space<semaphore_mem>>)
      %dma_wait3A_219 = arith.constant 0 : i32
      %dma_wait3A_220 = tpu.memref_slice %arg14[%dma_wait3A_219] : memref<80xf32, #tpu.memory_space<vmem>> -> memref<80xf32, #tpu.memory_space<vmem>>
      %dma_wait3A_221 = tpu.memref_slice %arg10[%add3A_188] : memref<10240xf32, #tpu.memory_space<vmem_shared>> -> memref<80xf32, #tpu.memory_space<vmem_shared>>
      %dma_wait3A_222 = arith.constant 0 : i32
      %dma_wait3A_223 = tpu.memref_slice %arg14[%dma_wait3A_222] : memref<80xf32, #tpu.memory_space<vmem>> -> memref<80xf32, #tpu.memory_space<vmem>>
      %dma_wait3A_224 = tpu.memref_slice %arg10[%add3A_188] : memref<10240xf32, #tpu.memory_space<vmem_shared>> -> memref<80xf32, #tpu.memory_space<vmem_shared>>
      tpu.wait_dma2 semaphore(%run_scoped3A_212 : memref<!tpu.dma_semaphore, #tpu.memory_space<semaphore_mem>>) src(%dma_wait3A_224 : memref<80xf32, #tpu.memory_space<vmem_shared>>) dst(%dma_wait3A_223 : memref<80xf32, #tpu.memory_space<vmem>>)
      tpu.yield
    }) : () -> ()
    %mul3A_189 = arith.constant 10000 : i32
    %mul3A_190 = arith.muli %arg0, %mul3A_189 : i32
    %mul3A_191 = arith.constant 624 : i32
    %mul3A_192 = arith.muli %arg1, %mul3A_191 : i32
    %add3A_193 = arith.addi %mul3A_190, %mul3A_192 : i32
    %add3A_194 = arith.constant 480 : i32
    %add3A_195 = arith.addi %add3A_193, %add3A_194 : i32
    "tpu.region"() ({
      %run_scoped3A_212 = tpu.sem_alloc : memref<!tpu.dma_semaphore, #tpu.memory_space<semaphore_mem>>
      %dma_start3A_213 = arith.constant 0 : i32
      %dma_start3A_214 = tpu.memref_slice %arg14[%dma_start3A_213] : memref<80xf32, #tpu.memory_space<vmem>> -> memref<80xf32, #tpu.memory_space<vmem>>
      %dma_start3A_215 = tpu.memref_slice %arg8[%add3A_195] : memref<20000xf32, #tpu.memory_space<hbm>> -> memref<80xf32, #tpu.memory_space<hbm>>
      %dma_start3A_216 = tpu.memref_slice %arg8[%add3A_195] : memref<20000xf32, #tpu.memory_space<hbm>> -> memref<80xf32, #tpu.memory_space<hbm>>
      %dma_start3A_217 = arith.constant 0 : i32
      %dma_start3A_218 = tpu.memref_slice %arg14[%dma_start3A_217] : memref<80xf32, #tpu.memory_space<vmem>> -> memref<80xf32, #tpu.memory_space<vmem>>
      tpu.enqueue_dma source(%dma_start3A_218 : memref<80xf32, #tpu.memory_space<vmem>>) target(%dma_start3A_216 : memref<80xf32, #tpu.memory_space<hbm>>) target_semaphore(%run_scoped3A_212 : memref<!tpu.dma_semaphore, #tpu.memory_space<semaphore_mem>>)
      %dma_wait3A_219 = arith.constant 0 : i32
      %dma_wait3A_220 = tpu.memref_slice %arg14[%dma_wait3A_219] : memref<80xf32, #tpu.memory_space<vmem>> -> memref<80xf32, #tpu.memory_space<vmem>>
      %dma_wait3A_221 = tpu.memref_slice %arg8[%add3A_195] : memref<20000xf32, #tpu.memory_space<hbm>> -> memref<80xf32, #tpu.memory_space<hbm>>
      %dma_wait3A_222 = tpu.memref_slice %arg8[%add3A_195] : memref<20000xf32, #tpu.memory_space<hbm>> -> memref<80xf32, #tpu.memory_space<hbm>>
      %dma_wait3A_223 = arith.constant 0 : i32
      %dma_wait3A_224 = tpu.memref_slice %arg14[%dma_wait3A_223] : memref<80xf32, #tpu.memory_space<vmem>> -> memref<80xf32, #tpu.memory_space<vmem>>
      tpu.wait_dma2 semaphore(%run_scoped3A_212 : memref<!tpu.dma_semaphore, #tpu.memory_space<semaphore_mem>>) src(%dma_wait3A_224 : memref<80xf32, #tpu.memory_space<vmem>>) dst(%dma_wait3A_222 : memref<80xf32, #tpu.memory_space<hbm>>)
      tpu.yield
    }) : () -> ()
    %mul3A_196 = arith.constant 624 : i32
    %mul3A_197 = arith.muli %arg1, %mul3A_196 : i32
    %add3A_198 = arith.constant 560 : i32
    %add3A_199 = arith.addi %mul3A_197, %add3A_198 : i32
    "tpu.region"() ({
      %run_scoped3A_212 = tpu.sem_alloc : memref<!tpu.dma_semaphore, #tpu.memory_space<semaphore_mem>>
      %dma_start3A_213 = arith.constant 0 : i32
      %dma_start3A_214 = tpu.memref_slice %arg14[%dma_start3A_213] : memref<80xf32, #tpu.memory_space<vmem>> -> memref<64xf32, #tpu.memory_space<vmem>>
      %dma_start3A_215 = tpu.memref_slice %arg10[%add3A_199] : memref<10240xf32, #tpu.memory_space<vmem_shared>> -> memref<64xf32, #tpu.memory_space<vmem_shared>>
      %dma_start3A_216 = arith.constant 0 : i32
      %dma_start3A_217 = tpu.memref_slice %arg14[%dma_start3A_216] : memref<80xf32, #tpu.memory_space<vmem>> -> memref<64xf32, #tpu.memory_space<vmem>>
      %dma_start3A_218 = tpu.memref_slice %arg10[%add3A_199] : memref<10240xf32, #tpu.memory_space<vmem_shared>> -> memref<64xf32, #tpu.memory_space<vmem_shared>>
      tpu.enqueue_dma source(%dma_start3A_218 : memref<64xf32, #tpu.memory_space<vmem_shared>>) target(%dma_start3A_217 : memref<64xf32, #tpu.memory_space<vmem>>) target_semaphore(%run_scoped3A_212 : memref<!tpu.dma_semaphore, #tpu.memory_space<semaphore_mem>>)
      %dma_wait3A_219 = arith.constant 0 : i32
      %dma_wait3A_220 = tpu.memref_slice %arg14[%dma_wait3A_219] : memref<80xf32, #tpu.memory_space<vmem>> -> memref<64xf32, #tpu.memory_space<vmem>>
      %dma_wait3A_221 = tpu.memref_slice %arg10[%add3A_199] : memref<10240xf32, #tpu.memory_space<vmem_shared>> -> memref<64xf32, #tpu.memory_space<vmem_shared>>
      %dma_wait3A_222 = arith.constant 0 : i32
      %dma_wait3A_223 = tpu.memref_slice %arg14[%dma_wait3A_222] : memref<80xf32, #tpu.memory_space<vmem>> -> memref<64xf32, #tpu.memory_space<vmem>>
      %dma_wait3A_224 = tpu.memref_slice %arg10[%add3A_199] : memref<10240xf32, #tpu.memory_space<vmem_shared>> -> memref<64xf32, #tpu.memory_space<vmem_shared>>
      tpu.wait_dma2 semaphore(%run_scoped3A_212 : memref<!tpu.dma_semaphore, #tpu.memory_space<semaphore_mem>>) src(%dma_wait3A_224 : memref<64xf32, #tpu.memory_space<vmem_shared>>) dst(%dma_wait3A_223 : memref<64xf32, #tpu.memory_space<vmem>>)
      tpu.yield
    }) : () -> ()
    %mul3A_200 = arith.constant 10000 : i32
    %mul3A_201 = arith.muli %arg0, %mul3A_200 : i32
    %mul3A_202 = arith.constant 624 : i32
    %mul3A_203 = arith.muli %arg1, %mul3A_202 : i32
    %add3A_204 = arith.addi %mul3A_201, %mul3A_203 : i32
    %add3A_205 = arith.constant 560 : i32
    %add3A_206 = arith.addi %add3A_204, %add3A_205 : i32
    "tpu.region"() ({
      %run_scoped3A_212 = tpu.sem_alloc : memref<!tpu.dma_semaphore, #tpu.memory_space<semaphore_mem>>
      %dma_start3A_213 = arith.constant 0 : i32
      %dma_start3A_214 = tpu.memref_slice %arg14[%dma_start3A_213] : memref<80xf32, #tpu.memory_space<vmem>> -> memref<64xf32, #tpu.memory_space<vmem>>
      %dma_start3A_215 = tpu.memref_slice %arg8[%add3A_206] : memref<20000xf32, #tpu.memory_space<hbm>> -> memref<64xf32, #tpu.memory_space<hbm>>
      %dma_start3A_216 = tpu.memref_slice %arg8[%add3A_206] : memref<20000xf32, #tpu.memory_space<hbm>> -> memref<64xf32, #tpu.memory_space<hbm>>
      %dma_start3A_217 = arith.constant 0 : i32
      %dma_start3A_218 = tpu.memref_slice %arg14[%dma_start3A_217] : memref<80xf32, #tpu.memory_space<vmem>> -> memref<64xf32, #tpu.memory_space<vmem>>
      tpu.enqueue_dma source(%dma_start3A_218 : memref<64xf32, #tpu.memory_space<vmem>>) target(%dma_start3A_216 : memref<64xf32, #tpu.memory_space<hbm>>) target_semaphore(%run_scoped3A_212 : memref<!tpu.dma_semaphore, #tpu.memory_space<semaphore_mem>>)
      %dma_wait3A_219 = arith.constant 0 : i32
      %dma_wait3A_220 = tpu.memref_slice %arg14[%dma_wait3A_219] : memref<80xf32, #tpu.memory_space<vmem>> -> memref<64xf32, #tpu.memory_space<vmem>>
      %dma_wait3A_221 = tpu.memref_slice %arg8[%add3A_206] : memref<20000xf32, #tpu.memory_space<hbm>> -> memref<64xf32, #tpu.memory_space<hbm>>
      %dma_wait3A_222 = tpu.memref_slice %arg8[%add3A_206] : memref<20000xf32, #tpu.memory_space<hbm>> -> memref<64xf32, #tpu.memory_space<hbm>>
      %dma_wait3A_223 = arith.constant 0 : i32
      %dma_wait3A_224 = tpu.memref_slice %arg14[%dma_wait3A_223] : memref<80xf32, #tpu.memory_space<vmem>> -> memref<64xf32, #tpu.memory_space<vmem>>
      tpu.wait_dma2 semaphore(%run_scoped3A_212 : memref<!tpu.dma_semaphore, #tpu.memory_space<semaphore_mem>>) src(%dma_wait3A_224 : memref<64xf32, #tpu.memory_space<vmem>>) dst(%dma_wait3A_222 : memref<64xf32, #tpu.memory_space<hbm>>)
      tpu.yield
    }) : () -> ()
    %eq3A_207 = arith.constant 0 : i32
    %eq3A_208 = arith.cmpi eq, %arg1, %eq3A_207 : i32
    %convert_element_type3A_209 = arith.extui %eq3A_208 : i1 to i32
    %cond3A_210 = arith.constant 0 : i32
    %cond3A_211 = arith.cmpi ne, %convert_element_type3A_209, %cond3A_210 : i32
    scf.if %cond3A_211 {
      "tpu.region"() ({
        %run_scoped3A_216 = tpu.sem_alloc : memref<!tpu.dma_semaphore, #tpu.memory_space<semaphore_mem>>
        %dma_start3A_217 = arith.constant 9984 : i32
        %dma_start3A_218 = arith.constant 0 : i32
        %dma_start3A_219 = tpu.memref_slice %arg7[%arg0, %dma_start3A_217, %dma_start3A_218] : memref<2x10000x128xf32, #tpu.memory_space<hbm>> -> memref<1x16x128xf32, #tpu.memory_space<hbm>>
        %dma_start3A_220 = tpu.memref_squeeze %dma_start3A_219 : memref<1x16x128xf32, #tpu.memory_space<hbm>> -> memref<16x128xf32, #tpu.memory_space<hbm>>
        %dma_start3A_221 = arith.constant 9984 : i32
        %dma_start3A_222 = arith.constant 0 : i32
        %dma_start3A_223 = tpu.memref_slice %arg9[%dma_start3A_221, %dma_start3A_222] : memref<10000x128xf32, #tpu.memory_space<vmem_shared>> -> memref<16x128xf32, #tpu.memory_space<vmem_shared>>
        tpu.enqueue_dma source(%dma_start3A_223 : memref<16x128xf32, #tpu.memory_space<vmem_shared>>) target(%dma_start3A_220 : memref<16x128xf32, #tpu.memory_space<hbm>>) target_semaphore(%run_scoped3A_216 : memref<!tpu.dma_semaphore, #tpu.memory_space<semaphore_mem>>)
        %dma_wait3A_224 = arith.constant 9984 : i32
        %dma_wait3A_225 = arith.constant 0 : i32
        %dma_wait3A_226 = tpu.memref_slice %arg7[%arg0, %dma_wait3A_224, %dma_wait3A_225] : memref<2x10000x128xf32, #tpu.memory_space<hbm>> -> memref<1x16x128xf32, #tpu.memory_space<hbm>>
        %dma_wait3A_227 = tpu.memref_squeeze %dma_wait3A_226 : memref<1x16x128xf32, #tpu.memory_space<hbm>> -> memref<16x128xf32, #tpu.memory_space<hbm>>
        %dma_wait3A_228 = arith.constant 9984 : i32
        %dma_wait3A_229 = arith.constant 0 : i32
        %dma_wait3A_230 = tpu.memref_slice %arg9[%dma_wait3A_228, %dma_wait3A_229] : memref<10000x128xf32, #tpu.memory_space<vmem_shared>> -> memref<16x128xf32, #tpu.memory_space<vmem_shared>>
        tpu.wait_dma2 semaphore(%run_scoped3A_216 : memref<!tpu.dma_semaphore, #tpu.memory_space<semaphore_mem>>) src(%dma_wait3A_230 : memref<16x128xf32, #tpu.memory_space<vmem_shared>>) dst(%dma_wait3A_227 : memref<16x128xf32, #tpu.memory_space<hbm>>)
        tpu.yield
      }) : () -> ()
      "tpu.region"() ({
        %run_scoped3A_216 = tpu.sem_alloc : memref<!tpu.dma_semaphore, #tpu.memory_space<semaphore_mem>>
        %dma_start3A_217 = arith.constant 0 : i32
        %dma_start3A_218 = tpu.memref_slice %arg14[%dma_start3A_217] : memref<80xf32, #tpu.memory_space<vmem>> -> memref<16xf32, #tpu.memory_space<vmem>>
        %dma_start3A_219 = arith.constant 9984 : i32
        %dma_start3A_220 = tpu.memref_slice %arg10[%dma_start3A_219] : memref<10240xf32, #tpu.memory_space<vmem_shared>> -> memref<16xf32, #tpu.memory_space<vmem_shared>>
        %dma_start3A_221 = arith.constant 0 : i32
        %dma_start3A_222 = tpu.memref_slice %arg14[%dma_start3A_221] : memref<80xf32, #tpu.memory_space<vmem>> -> memref<16xf32, #tpu.memory_space<vmem>>
        %dma_start3A_223 = arith.constant 9984 : i32
        %dma_start3A_224 = tpu.memref_slice %arg10[%dma_start3A_223] : memref<10240xf32, #tpu.memory_space<vmem_shared>> -> memref<16xf32, #tpu.memory_space<vmem_shared>>
        tpu.enqueue_dma source(%dma_start3A_224 : memref<16xf32, #tpu.memory_space<vmem_shared>>) target(%dma_start3A_222 : memref<16xf32, #tpu.memory_space<vmem>>) target_semaphore(%run_scoped3A_216 : memref<!tpu.dma_semaphore, #tpu.memory_space<semaphore_mem>>)
        %dma_wait3A_225 = arith.constant 0 : i32
        %dma_wait3A_226 = tpu.memref_slice %arg14[%dma_wait3A_225] : memref<80xf32, #tpu.memory_space<vmem>> -> memref<16xf32, #tpu.memory_space<vmem>>
        %dma_wait3A_227 = arith.constant 9984 : i32
        %dma_wait3A_228 = tpu.memref_slice %arg10[%dma_wait3A_227] : memref<10240xf32, #tpu.memory_space<vmem_shared>> -> memref<16xf32, #tpu.memory_space<vmem_shared>>
        %dma_wait3A_229 = arith.constant 0 : i32
        %dma_wait3A_230 = tpu.memref_slice %arg14[%dma_wait3A_229] : memref<80xf32, #tpu.memory_space<vmem>> -> memref<16xf32, #tpu.memory_space<vmem>>
        %dma_wait3A_231 = arith.constant 9984 : i32
        %dma_wait3A_232 = tpu.memref_slice %arg10[%dma_wait3A_231] : memref<10240xf32, #tpu.memory_space<vmem_shared>> -> memref<16xf32, #tpu.memory_space<vmem_shared>>
        tpu.wait_dma2 semaphore(%run_scoped3A_216 : memref<!tpu.dma_semaphore, #tpu.memory_space<semaphore_mem>>) src(%dma_wait3A_232 : memref<16xf32, #tpu.memory_space<vmem_shared>>) dst(%dma_wait3A_230 : memref<16xf32, #tpu.memory_space<vmem>>)
        tpu.yield
      }) : () -> ()
      %mul3A_212 = arith.constant 10000 : i32
      %mul3A_213 = arith.muli %arg0, %mul3A_212 : i32
      %add3A_214 = arith.constant 9984 : i32
      %add3A_215 = arith.addi %mul3A_213, %add3A_214 : i32
      "tpu.region"() ({
        %run_scoped3A_216 = tpu.sem_alloc : memref<!tpu.dma_semaphore, #tpu.memory_space<semaphore_mem>>
        %dma_start3A_217 = arith.constant 0 : i32
        %dma_start3A_218 = tpu.memref_slice %arg14[%dma_start3A_217] : memref<80xf32, #tpu.memory_space<vmem>> -> memref<16xf32, #tpu.memory_space<vmem>>
        %dma_start3A_219 = tpu.memref_slice %arg8[%add3A_215] : memref<20000xf32, #tpu.memory_space<hbm>> -> memref<16xf32, #tpu.memory_space<hbm>>
        %dma_start3A_220 = tpu.memref_slice %arg8[%add3A_215] : memref<20000xf32, #tpu.memory_space<hbm>> -> memref<16xf32, #tpu.memory_space<hbm>>
        %dma_start3A_221 = arith.constant 0 : i32
        %dma_start3A_222 = tpu.memref_slice %arg14[%dma_start3A_221] : memref<80xf32, #tpu.memory_space<vmem>> -> memref<16xf32, #tpu.memory_space<vmem>>
        tpu.enqueue_dma source(%dma_start3A_222 : memref<16xf32, #tpu.memory_space<vmem>>) target(%dma_start3A_220 : memref<16xf32, #tpu.memory_space<hbm>>) target_semaphore(%run_scoped3A_216 : memref<!tpu.dma_semaphore, #tpu.memory_space<semaphore_mem>>)
        %dma_wait3A_223 = arith.constant 0 : i32
        %dma_wait3A_224 = tpu.memref_slice %arg14[%dma_wait3A_223] : memref<80xf32, #tpu.memory_space<vmem>> -> memref<16xf32, #tpu.memory_space<vmem>>
        %dma_wait3A_225 = tpu.memref_slice %arg8[%add3A_215] : memref<20000xf32, #tpu.memory_space<hbm>> -> memref<16xf32, #tpu.memory_space<hbm>>
        %dma_wait3A_226 = tpu.memref_slice %arg8[%add3A_215] : memref<20000xf32, #tpu.memory_space<hbm>> -> memref<16xf32, #tpu.memory_space<hbm>>
        %dma_wait3A_227 = arith.constant 0 : i32
        %dma_wait3A_228 = tpu.memref_slice %arg14[%dma_wait3A_227] : memref<80xf32, #tpu.memory_space<vmem>> -> memref<16xf32, #tpu.memory_space<vmem>>
        tpu.wait_dma2 semaphore(%run_scoped3A_216 : memref<!tpu.dma_semaphore, #tpu.memory_space<semaphore_mem>>) src(%dma_wait3A_228 : memref<16xf32, #tpu.memory_space<vmem>>) dst(%dma_wait3A_226 : memref<16xf32, #tpu.memory_space<hbm>>)
        tpu.yield
      }) : () -> ()
    } else {
    }
    return
  }
}

#map = affine_map<(d0, d1) -> (0, 0)>
#map1 = affine_map<(d0, d1) -> (0)>
#map2 = affine_map<(d0, d1) -> (0, 0, 0)>
module attributes {stable_mosaic.version = 14 : i64} {
  func.func @_sc_agg_body(%arg0: i32, %arg1: i32, %arg2: memref<10000x128xf32, #tpu.memory_space<hbm>>, %arg3: memref<320000xi32, #tpu.memory_space<hbm>>, %arg4: memref<320000xi32, #tpu.memory_space<hbm>>, %arg5: memref<624x128xf32, #tpu.memory_space<hbm>>, %arg6: memref<640xf32, #tpu.memory_space<hbm>>, %arg7: memref<2x10000x128xf32, #tpu.memory_space<hbm>>, %arg8: memref<10000x128xf32, #tpu.memory_space<vmem_shared>>, %arg9: memref<4x80xi32, #tpu.memory_space<vmem>>, %arg10: memref<4x80xi32, #tpu.memory_space<vmem>>, %arg11: memref<4x80x128xf32, #tpu.memory_space<vmem>>, %arg12: memref<!tpu.dma_semaphore, #tpu.memory_space<semaphore_mem>>, %arg13: memref<!tpu.dma_semaphore, #tpu.memory_space<semaphore_mem>>, %arg14: memref<!tpu.dma_semaphore, #tpu.memory_space<semaphore_mem>>, %arg15: memref<!tpu.dma_semaphore, #tpu.memory_space<semaphore_mem>>, %arg16: memref<!tpu.dma_semaphore, #tpu.memory_space<semaphore_mem>>) attributes {dimension_semantics = [#tpu.dimension_semantics<core_parallel>, #tpu.dimension_semantics<subcore_parallel>], iteration_bounds = array<i64: 2, 16>, scalar_prefetch = 0 : i64, scratch_operands = 9 : i64, tpu.core_type = #tpu.core_type<sc_vector_subcore>, window_params = [{transform_indices = #map}, {transform_indices = #map1}, {transform_indices = #map1}, {transform_indices = #map}, {transform_indices = #map1}, {transform_indices = #map2}]} {
    %mul3A = arith.constant 16 : i32
    %mul3A_0 = arith.muli %arg0, %mul3A : i32
    %add3A = arith.addi %mul3A_0, %arg1 : i32
    %mul3A_1 = arith.constant 10000 : i32
    %mul3A_2 = arith.muli %add3A, %mul3A_1 : i32
    %mul3A_3 = arith.constant 624 : i32
    %mul3A_4 = arith.muli %arg1, %mul3A_3 : i32
    "tpu.region"() ({
      %run_scoped3A_88 = tpu.sem_alloc : memref<!tpu.dma_semaphore, #tpu.memory_space<semaphore_mem>>
      %dma_start3A_89 = arith.constant 0 : i32
      %dma_start3A_90 = tpu.memref_slice %arg8[%mul3A_4, %dma_start3A_89] : memref<10000x128xf32, #tpu.memory_space<vmem_shared>> -> memref<624x128xf32, #tpu.memory_space<vmem_shared>>
      tpu.enqueue_dma source(%arg5 : memref<624x128xf32, #tpu.memory_space<hbm>>) target(%dma_start3A_90 : memref<624x128xf32, #tpu.memory_space<vmem_shared>>) target_semaphore(%run_scoped3A_88 : memref<!tpu.dma_semaphore, #tpu.memory_space<semaphore_mem>>)
      %dma_wait3A_91 = arith.constant 0 : i32
      %dma_wait3A_92 = tpu.memref_slice %arg8[%mul3A_4, %dma_wait3A_91] : memref<10000x128xf32, #tpu.memory_space<vmem_shared>> -> memref<624x128xf32, #tpu.memory_space<vmem_shared>>
      tpu.wait_dma2 semaphore(%run_scoped3A_88 : memref<!tpu.dma_semaphore, #tpu.memory_space<semaphore_mem>>) src(%arg5 : memref<624x128xf32, #tpu.memory_space<hbm>>) dst(%dma_wait3A_92 : memref<624x128xf32, #tpu.memory_space<vmem_shared>>)
      tpu.yield
    }) : () -> ()
    %add3A_5 = arith.constant 0 : i32
    %add3A_6 = arith.addi %mul3A_2, %add3A_5 : i32
    %run_scoped3A = arith.constant 0 : i32
    "tpu.region"() ({
      %run_scoped3A_88 = tpu.sem_alloc : memref<!tpu.dma_semaphore, #tpu.memory_space<semaphore_mem>>
      %dma_start3A_89 = arith.constant 0 : i32
      %dma_start3A_90 = tpu.memref_slice %arg9[%run_scoped3A, %dma_start3A_89] : memref<4x80xi32, #tpu.memory_space<vmem>> -> memref<1x80xi32, #tpu.memory_space<vmem>>
      %dma_start3A_91 = tpu.memref_squeeze %dma_start3A_90 : memref<1x80xi32, #tpu.memory_space<vmem>> -> memref<80xi32, #tpu.memory_space<vmem>>
      %dma_start3A_92 = tpu.memref_slice %arg3[%add3A_6] : memref<320000xi32, #tpu.memory_space<hbm>> -> memref<80xi32, #tpu.memory_space<hbm>>
      %dma_start3A_93 = arith.constant 0 : i32
      %dma_start3A_94 = tpu.memref_slice %arg9[%run_scoped3A, %dma_start3A_93] : memref<4x80xi32, #tpu.memory_space<vmem>> -> memref<1x80xi32, #tpu.memory_space<vmem>>
      %dma_start3A_95 = tpu.memref_squeeze %dma_start3A_94 : memref<1x80xi32, #tpu.memory_space<vmem>> -> memref<80xi32, #tpu.memory_space<vmem>>
      %dma_start3A_96 = tpu.memref_slice %arg3[%add3A_6] : memref<320000xi32, #tpu.memory_space<hbm>> -> memref<80xi32, #tpu.memory_space<hbm>>
      tpu.enqueue_dma source(%dma_start3A_96 : memref<80xi32, #tpu.memory_space<hbm>>) target(%dma_start3A_95 : memref<80xi32, #tpu.memory_space<vmem>>) target_semaphore(%run_scoped3A_88 : memref<!tpu.dma_semaphore, #tpu.memory_space<semaphore_mem>>)
      %dma_wait3A_97 = arith.constant 0 : i32
      %dma_wait3A_98 = tpu.memref_slice %arg9[%run_scoped3A, %dma_wait3A_97] : memref<4x80xi32, #tpu.memory_space<vmem>> -> memref<1x80xi32, #tpu.memory_space<vmem>>
      %dma_wait3A_99 = tpu.memref_squeeze %dma_wait3A_98 : memref<1x80xi32, #tpu.memory_space<vmem>> -> memref<80xi32, #tpu.memory_space<vmem>>
      %dma_wait3A_100 = tpu.memref_slice %arg3[%add3A_6] : memref<320000xi32, #tpu.memory_space<hbm>> -> memref<80xi32, #tpu.memory_space<hbm>>
      %dma_wait3A_101 = arith.constant 0 : i32
      %dma_wait3A_102 = tpu.memref_slice %arg9[%run_scoped3A, %dma_wait3A_101] : memref<4x80xi32, #tpu.memory_space<vmem>> -> memref<1x80xi32, #tpu.memory_space<vmem>>
      %dma_wait3A_103 = tpu.memref_squeeze %dma_wait3A_102 : memref<1x80xi32, #tpu.memory_space<vmem>> -> memref<80xi32, #tpu.memory_space<vmem>>
      %dma_wait3A_104 = tpu.memref_slice %arg3[%add3A_6] : memref<320000xi32, #tpu.memory_space<hbm>> -> memref<80xi32, #tpu.memory_space<hbm>>
      tpu.wait_dma2 semaphore(%run_scoped3A_88 : memref<!tpu.dma_semaphore, #tpu.memory_space<semaphore_mem>>) src(%dma_wait3A_104 : memref<80xi32, #tpu.memory_space<hbm>>) dst(%dma_wait3A_103 : memref<80xi32, #tpu.memory_space<vmem>>)
      tpu.yield
    }) : () -> ()
    %add3A_7 = arith.constant 80 : i32
    %add3A_8 = arith.addi %mul3A_2, %add3A_7 : i32
    %run_scoped3A_9 = arith.constant 1 : i32
    "tpu.region"() ({
      %run_scoped3A_88 = tpu.sem_alloc : memref<!tpu.dma_semaphore, #tpu.memory_space<semaphore_mem>>
      %dma_start3A_89 = arith.constant 0 : i32
      %dma_start3A_90 = tpu.memref_slice %arg9[%run_scoped3A_9, %dma_start3A_89] : memref<4x80xi32, #tpu.memory_space<vmem>> -> memref<1x80xi32, #tpu.memory_space<vmem>>
      %dma_start3A_91 = tpu.memref_squeeze %dma_start3A_90 : memref<1x80xi32, #tpu.memory_space<vmem>> -> memref<80xi32, #tpu.memory_space<vmem>>
      %dma_start3A_92 = tpu.memref_slice %arg3[%add3A_8] : memref<320000xi32, #tpu.memory_space<hbm>> -> memref<80xi32, #tpu.memory_space<hbm>>
      %dma_start3A_93 = arith.constant 0 : i32
      %dma_start3A_94 = tpu.memref_slice %arg9[%run_scoped3A_9, %dma_start3A_93] : memref<4x80xi32, #tpu.memory_space<vmem>> -> memref<1x80xi32, #tpu.memory_space<vmem>>
      %dma_start3A_95 = tpu.memref_squeeze %dma_start3A_94 : memref<1x80xi32, #tpu.memory_space<vmem>> -> memref<80xi32, #tpu.memory_space<vmem>>
      %dma_start3A_96 = tpu.memref_slice %arg3[%add3A_8] : memref<320000xi32, #tpu.memory_space<hbm>> -> memref<80xi32, #tpu.memory_space<hbm>>
      tpu.enqueue_dma source(%dma_start3A_96 : memref<80xi32, #tpu.memory_space<hbm>>) target(%dma_start3A_95 : memref<80xi32, #tpu.memory_space<vmem>>) target_semaphore(%run_scoped3A_88 : memref<!tpu.dma_semaphore, #tpu.memory_space<semaphore_mem>>)
      %dma_wait3A_97 = arith.constant 0 : i32
      %dma_wait3A_98 = tpu.memref_slice %arg9[%run_scoped3A_9, %dma_wait3A_97] : memref<4x80xi32, #tpu.memory_space<vmem>> -> memref<1x80xi32, #tpu.memory_space<vmem>>
      %dma_wait3A_99 = tpu.memref_squeeze %dma_wait3A_98 : memref<1x80xi32, #tpu.memory_space<vmem>> -> memref<80xi32, #tpu.memory_space<vmem>>
      %dma_wait3A_100 = tpu.memref_slice %arg3[%add3A_8] : memref<320000xi32, #tpu.memory_space<hbm>> -> memref<80xi32, #tpu.memory_space<hbm>>
      %dma_wait3A_101 = arith.constant 0 : i32
      %dma_wait3A_102 = tpu.memref_slice %arg9[%run_scoped3A_9, %dma_wait3A_101] : memref<4x80xi32, #tpu.memory_space<vmem>> -> memref<1x80xi32, #tpu.memory_space<vmem>>
      %dma_wait3A_103 = tpu.memref_squeeze %dma_wait3A_102 : memref<1x80xi32, #tpu.memory_space<vmem>> -> memref<80xi32, #tpu.memory_space<vmem>>
      %dma_wait3A_104 = tpu.memref_slice %arg3[%add3A_8] : memref<320000xi32, #tpu.memory_space<hbm>> -> memref<80xi32, #tpu.memory_space<hbm>>
      tpu.wait_dma2 semaphore(%run_scoped3A_88 : memref<!tpu.dma_semaphore, #tpu.memory_space<semaphore_mem>>) src(%dma_wait3A_104 : memref<80xi32, #tpu.memory_space<hbm>>) dst(%dma_wait3A_103 : memref<80xi32, #tpu.memory_space<vmem>>)
      tpu.yield
    }) : () -> ()
    %add3A_10 = arith.constant 160 : i32
    %add3A_11 = arith.addi %mul3A_2, %add3A_10 : i32
    %run_scoped3A_12 = arith.constant 2 : i32
    "tpu.region"() ({
      %run_scoped3A_88 = tpu.sem_alloc : memref<!tpu.dma_semaphore, #tpu.memory_space<semaphore_mem>>
      %dma_start3A_89 = arith.constant 0 : i32
      %dma_start3A_90 = tpu.memref_slice %arg9[%run_scoped3A_12, %dma_start3A_89] : memref<4x80xi32, #tpu.memory_space<vmem>> -> memref<1x80xi32, #tpu.memory_space<vmem>>
      %dma_start3A_91 = tpu.memref_squeeze %dma_start3A_90 : memref<1x80xi32, #tpu.memory_space<vmem>> -> memref<80xi32, #tpu.memory_space<vmem>>
      %dma_start3A_92 = tpu.memref_slice %arg3[%add3A_11] : memref<320000xi32, #tpu.memory_space<hbm>> -> memref<80xi32, #tpu.memory_space<hbm>>
      %dma_start3A_93 = arith.constant 0 : i32
      %dma_start3A_94 = tpu.memref_slice %arg9[%run_scoped3A_12, %dma_start3A_93] : memref<4x80xi32, #tpu.memory_space<vmem>> -> memref<1x80xi32, #tpu.memory_space<vmem>>
      %dma_start3A_95 = tpu.memref_squeeze %dma_start3A_94 : memref<1x80xi32, #tpu.memory_space<vmem>> -> memref<80xi32, #tpu.memory_space<vmem>>
      %dma_start3A_96 = tpu.memref_slice %arg3[%add3A_11] : memref<320000xi32, #tpu.memory_space<hbm>> -> memref<80xi32, #tpu.memory_space<hbm>>
      tpu.enqueue_dma source(%dma_start3A_96 : memref<80xi32, #tpu.memory_space<hbm>>) target(%dma_start3A_95 : memref<80xi32, #tpu.memory_space<vmem>>) target_semaphore(%run_scoped3A_88 : memref<!tpu.dma_semaphore, #tpu.memory_space<semaphore_mem>>)
      %dma_wait3A_97 = arith.constant 0 : i32
      %dma_wait3A_98 = tpu.memref_slice %arg9[%run_scoped3A_12, %dma_wait3A_97] : memref<4x80xi32, #tpu.memory_space<vmem>> -> memref<1x80xi32, #tpu.memory_space<vmem>>
      %dma_wait3A_99 = tpu.memref_squeeze %dma_wait3A_98 : memref<1x80xi32, #tpu.memory_space<vmem>> -> memref<80xi32, #tpu.memory_space<vmem>>
      %dma_wait3A_100 = tpu.memref_slice %arg3[%add3A_11] : memref<320000xi32, #tpu.memory_space<hbm>> -> memref<80xi32, #tpu.memory_space<hbm>>
      %dma_wait3A_101 = arith.constant 0 : i32
      %dma_wait3A_102 = tpu.memref_slice %arg9[%run_scoped3A_12, %dma_wait3A_101] : memref<4x80xi32, #tpu.memory_space<vmem>> -> memref<1x80xi32, #tpu.memory_space<vmem>>
      %dma_wait3A_103 = tpu.memref_squeeze %dma_wait3A_102 : memref<1x80xi32, #tpu.memory_space<vmem>> -> memref<80xi32, #tpu.memory_space<vmem>>
      %dma_wait3A_104 = tpu.memref_slice %arg3[%add3A_11] : memref<320000xi32, #tpu.memory_space<hbm>> -> memref<80xi32, #tpu.memory_space<hbm>>
      tpu.wait_dma2 semaphore(%run_scoped3A_88 : memref<!tpu.dma_semaphore, #tpu.memory_space<semaphore_mem>>) src(%dma_wait3A_104 : memref<80xi32, #tpu.memory_space<hbm>>) dst(%dma_wait3A_103 : memref<80xi32, #tpu.memory_space<vmem>>)
      tpu.yield
    }) : () -> ()
    %add3A_13 = arith.constant 240 : i32
    %add3A_14 = arith.addi %mul3A_2, %add3A_13 : i32
    %run_scoped3A_15 = arith.constant 3 : i32
    "tpu.region"() ({
      %run_scoped3A_88 = tpu.sem_alloc : memref<!tpu.dma_semaphore, #tpu.memory_space<semaphore_mem>>
      %dma_start3A_89 = arith.constant 0 : i32
      %dma_start3A_90 = tpu.memref_slice %arg9[%run_scoped3A_15, %dma_start3A_89] : memref<4x80xi32, #tpu.memory_space<vmem>> -> memref<1x80xi32, #tpu.memory_space<vmem>>
      %dma_start3A_91 = tpu.memref_squeeze %dma_start3A_90 : memref<1x80xi32, #tpu.memory_space<vmem>> -> memref<80xi32, #tpu.memory_space<vmem>>
      %dma_start3A_92 = tpu.memref_slice %arg3[%add3A_14] : memref<320000xi32, #tpu.memory_space<hbm>> -> memref<80xi32, #tpu.memory_space<hbm>>
      %dma_start3A_93 = arith.constant 0 : i32
      %dma_start3A_94 = tpu.memref_slice %arg9[%run_scoped3A_15, %dma_start3A_93] : memref<4x80xi32, #tpu.memory_space<vmem>> -> memref<1x80xi32, #tpu.memory_space<vmem>>
      %dma_start3A_95 = tpu.memref_squeeze %dma_start3A_94 : memref<1x80xi32, #tpu.memory_space<vmem>> -> memref<80xi32, #tpu.memory_space<vmem>>
      %dma_start3A_96 = tpu.memref_slice %arg3[%add3A_14] : memref<320000xi32, #tpu.memory_space<hbm>> -> memref<80xi32, #tpu.memory_space<hbm>>
      tpu.enqueue_dma source(%dma_start3A_96 : memref<80xi32, #tpu.memory_space<hbm>>) target(%dma_start3A_95 : memref<80xi32, #tpu.memory_space<vmem>>) target_semaphore(%run_scoped3A_88 : memref<!tpu.dma_semaphore, #tpu.memory_space<semaphore_mem>>)
      %dma_wait3A_97 = arith.constant 0 : i32
      %dma_wait3A_98 = tpu.memref_slice %arg9[%run_scoped3A_15, %dma_wait3A_97] : memref<4x80xi32, #tpu.memory_space<vmem>> -> memref<1x80xi32, #tpu.memory_space<vmem>>
      %dma_wait3A_99 = tpu.memref_squeeze %dma_wait3A_98 : memref<1x80xi32, #tpu.memory_space<vmem>> -> memref<80xi32, #tpu.memory_space<vmem>>
      %dma_wait3A_100 = tpu.memref_slice %arg3[%add3A_14] : memref<320000xi32, #tpu.memory_space<hbm>> -> memref<80xi32, #tpu.memory_space<hbm>>
      %dma_wait3A_101 = arith.constant 0 : i32
      %dma_wait3A_102 = tpu.memref_slice %arg9[%run_scoped3A_15, %dma_wait3A_101] : memref<4x80xi32, #tpu.memory_space<vmem>> -> memref<1x80xi32, #tpu.memory_space<vmem>>
      %dma_wait3A_103 = tpu.memref_squeeze %dma_wait3A_102 : memref<1x80xi32, #tpu.memory_space<vmem>> -> memref<80xi32, #tpu.memory_space<vmem>>
      %dma_wait3A_104 = tpu.memref_slice %arg3[%add3A_14] : memref<320000xi32, #tpu.memory_space<hbm>> -> memref<80xi32, #tpu.memory_space<hbm>>
      tpu.wait_dma2 semaphore(%run_scoped3A_88 : memref<!tpu.dma_semaphore, #tpu.memory_space<semaphore_mem>>) src(%dma_wait3A_104 : memref<80xi32, #tpu.memory_space<hbm>>) dst(%dma_wait3A_103 : memref<80xi32, #tpu.memory_space<vmem>>)
      tpu.yield
    }) : () -> ()
    %add3A_16 = arith.constant 0 : i32
    %add3A_17 = arith.addi %mul3A_2, %add3A_16 : i32
    %run_scoped3A_18 = arith.constant 0 : i32
    "tpu.region"() ({
      %run_scoped3A_88 = tpu.sem_alloc : memref<!tpu.dma_semaphore, #tpu.memory_space<semaphore_mem>>
      %dma_start3A_89 = arith.constant 0 : i32
      %dma_start3A_90 = tpu.memref_slice %arg10[%run_scoped3A_18, %dma_start3A_89] : memref<4x80xi32, #tpu.memory_space<vmem>> -> memref<1x80xi32, #tpu.memory_space<vmem>>
      %dma_start3A_91 = tpu.memref_squeeze %dma_start3A_90 : memref<1x80xi32, #tpu.memory_space<vmem>> -> memref<80xi32, #tpu.memory_space<vmem>>
      %dma_start3A_92 = tpu.memref_slice %arg4[%add3A_17] : memref<320000xi32, #tpu.memory_space<hbm>> -> memref<80xi32, #tpu.memory_space<hbm>>
      %dma_start3A_93 = arith.constant 0 : i32
      %dma_start3A_94 = tpu.memref_slice %arg10[%run_scoped3A_18, %dma_start3A_93] : memref<4x80xi32, #tpu.memory_space<vmem>> -> memref<1x80xi32, #tpu.memory_space<vmem>>
      %dma_start3A_95 = tpu.memref_squeeze %dma_start3A_94 : memref<1x80xi32, #tpu.memory_space<vmem>> -> memref<80xi32, #tpu.memory_space<vmem>>
      %dma_start3A_96 = tpu.memref_slice %arg4[%add3A_17] : memref<320000xi32, #tpu.memory_space<hbm>> -> memref<80xi32, #tpu.memory_space<hbm>>
      tpu.enqueue_dma source(%dma_start3A_96 : memref<80xi32, #tpu.memory_space<hbm>>) target(%dma_start3A_95 : memref<80xi32, #tpu.memory_space<vmem>>) target_semaphore(%run_scoped3A_88 : memref<!tpu.dma_semaphore, #tpu.memory_space<semaphore_mem>>)
      %dma_wait3A_97 = arith.constant 0 : i32
      %dma_wait3A_98 = tpu.memref_slice %arg10[%run_scoped3A_18, %dma_wait3A_97] : memref<4x80xi32, #tpu.memory_space<vmem>> -> memref<1x80xi32, #tpu.memory_space<vmem>>
      %dma_wait3A_99 = tpu.memref_squeeze %dma_wait3A_98 : memref<1x80xi32, #tpu.memory_space<vmem>> -> memref<80xi32, #tpu.memory_space<vmem>>
      %dma_wait3A_100 = tpu.memref_slice %arg4[%add3A_17] : memref<320000xi32, #tpu.memory_space<hbm>> -> memref<80xi32, #tpu.memory_space<hbm>>
      %dma_wait3A_101 = arith.constant 0 : i32
      %dma_wait3A_102 = tpu.memref_slice %arg10[%run_scoped3A_18, %dma_wait3A_101] : memref<4x80xi32, #tpu.memory_space<vmem>> -> memref<1x80xi32, #tpu.memory_space<vmem>>
      %dma_wait3A_103 = tpu.memref_squeeze %dma_wait3A_102 : memref<1x80xi32, #tpu.memory_space<vmem>> -> memref<80xi32, #tpu.memory_space<vmem>>
      %dma_wait3A_104 = tpu.memref_slice %arg4[%add3A_17] : memref<320000xi32, #tpu.memory_space<hbm>> -> memref<80xi32, #tpu.memory_space<hbm>>
      tpu.wait_dma2 semaphore(%run_scoped3A_88 : memref<!tpu.dma_semaphore, #tpu.memory_space<semaphore_mem>>) src(%dma_wait3A_104 : memref<80xi32, #tpu.memory_space<hbm>>) dst(%dma_wait3A_103 : memref<80xi32, #tpu.memory_space<vmem>>)
      tpu.yield
    }) : () -> ()
    %add3A_19 = arith.constant 80 : i32
    %add3A_20 = arith.addi %mul3A_2, %add3A_19 : i32
    %run_scoped3A_21 = arith.constant 1 : i32
    "tpu.region"() ({
      %run_scoped3A_88 = tpu.sem_alloc : memref<!tpu.dma_semaphore, #tpu.memory_space<semaphore_mem>>
      %dma_start3A_89 = arith.constant 0 : i32
      %dma_start3A_90 = tpu.memref_slice %arg10[%run_scoped3A_21, %dma_start3A_89] : memref<4x80xi32, #tpu.memory_space<vmem>> -> memref<1x80xi32, #tpu.memory_space<vmem>>
      %dma_start3A_91 = tpu.memref_squeeze %dma_start3A_90 : memref<1x80xi32, #tpu.memory_space<vmem>> -> memref<80xi32, #tpu.memory_space<vmem>>
      %dma_start3A_92 = tpu.memref_slice %arg4[%add3A_20] : memref<320000xi32, #tpu.memory_space<hbm>> -> memref<80xi32, #tpu.memory_space<hbm>>
      %dma_start3A_93 = arith.constant 0 : i32
      %dma_start3A_94 = tpu.memref_slice %arg10[%run_scoped3A_21, %dma_start3A_93] : memref<4x80xi32, #tpu.memory_space<vmem>> -> memref<1x80xi32, #tpu.memory_space<vmem>>
      %dma_start3A_95 = tpu.memref_squeeze %dma_start3A_94 : memref<1x80xi32, #tpu.memory_space<vmem>> -> memref<80xi32, #tpu.memory_space<vmem>>
      %dma_start3A_96 = tpu.memref_slice %arg4[%add3A_20] : memref<320000xi32, #tpu.memory_space<hbm>> -> memref<80xi32, #tpu.memory_space<hbm>>
      tpu.enqueue_dma source(%dma_start3A_96 : memref<80xi32, #tpu.memory_space<hbm>>) target(%dma_start3A_95 : memref<80xi32, #tpu.memory_space<vmem>>) target_semaphore(%run_scoped3A_88 : memref<!tpu.dma_semaphore, #tpu.memory_space<semaphore_mem>>)
      %dma_wait3A_97 = arith.constant 0 : i32
      %dma_wait3A_98 = tpu.memref_slice %arg10[%run_scoped3A_21, %dma_wait3A_97] : memref<4x80xi32, #tpu.memory_space<vmem>> -> memref<1x80xi32, #tpu.memory_space<vmem>>
      %dma_wait3A_99 = tpu.memref_squeeze %dma_wait3A_98 : memref<1x80xi32, #tpu.memory_space<vmem>> -> memref<80xi32, #tpu.memory_space<vmem>>
      %dma_wait3A_100 = tpu.memref_slice %arg4[%add3A_20] : memref<320000xi32, #tpu.memory_space<hbm>> -> memref<80xi32, #tpu.memory_space<hbm>>
      %dma_wait3A_101 = arith.constant 0 : i32
      %dma_wait3A_102 = tpu.memref_slice %arg10[%run_scoped3A_21, %dma_wait3A_101] : memref<4x80xi32, #tpu.memory_space<vmem>> -> memref<1x80xi32, #tpu.memory_space<vmem>>
      %dma_wait3A_103 = tpu.memref_squeeze %dma_wait3A_102 : memref<1x80xi32, #tpu.memory_space<vmem>> -> memref<80xi32, #tpu.memory_space<vmem>>
      %dma_wait3A_104 = tpu.memref_slice %arg4[%add3A_20] : memref<320000xi32, #tpu.memory_space<hbm>> -> memref<80xi32, #tpu.memory_space<hbm>>
      tpu.wait_dma2 semaphore(%run_scoped3A_88 : memref<!tpu.dma_semaphore, #tpu.memory_space<semaphore_mem>>) src(%dma_wait3A_104 : memref<80xi32, #tpu.memory_space<hbm>>) dst(%dma_wait3A_103 : memref<80xi32, #tpu.memory_space<vmem>>)
      tpu.yield
    }) : () -> ()
    %add3A_22 = arith.constant 160 : i32
    %add3A_23 = arith.addi %mul3A_2, %add3A_22 : i32
    %run_scoped3A_24 = arith.constant 2 : i32
    "tpu.region"() ({
      %run_scoped3A_88 = tpu.sem_alloc : memref<!tpu.dma_semaphore, #tpu.memory_space<semaphore_mem>>
      %dma_start3A_89 = arith.constant 0 : i32
      %dma_start3A_90 = tpu.memref_slice %arg10[%run_scoped3A_24, %dma_start3A_89] : memref<4x80xi32, #tpu.memory_space<vmem>> -> memref<1x80xi32, #tpu.memory_space<vmem>>
      %dma_start3A_91 = tpu.memref_squeeze %dma_start3A_90 : memref<1x80xi32, #tpu.memory_space<vmem>> -> memref<80xi32, #tpu.memory_space<vmem>>
      %dma_start3A_92 = tpu.memref_slice %arg4[%add3A_23] : memref<320000xi32, #tpu.memory_space<hbm>> -> memref<80xi32, #tpu.memory_space<hbm>>
      %dma_start3A_93 = arith.constant 0 : i32
      %dma_start3A_94 = tpu.memref_slice %arg10[%run_scoped3A_24, %dma_start3A_93] : memref<4x80xi32, #tpu.memory_space<vmem>> -> memref<1x80xi32, #tpu.memory_space<vmem>>
      %dma_start3A_95 = tpu.memref_squeeze %dma_start3A_94 : memref<1x80xi32, #tpu.memory_space<vmem>> -> memref<80xi32, #tpu.memory_space<vmem>>
      %dma_start3A_96 = tpu.memref_slice %arg4[%add3A_23] : memref<320000xi32, #tpu.memory_space<hbm>> -> memref<80xi32, #tpu.memory_space<hbm>>
      tpu.enqueue_dma source(%dma_start3A_96 : memref<80xi32, #tpu.memory_space<hbm>>) target(%dma_start3A_95 : memref<80xi32, #tpu.memory_space<vmem>>) target_semaphore(%run_scoped3A_88 : memref<!tpu.dma_semaphore, #tpu.memory_space<semaphore_mem>>)
      %dma_wait3A_97 = arith.constant 0 : i32
      %dma_wait3A_98 = tpu.memref_slice %arg10[%run_scoped3A_24, %dma_wait3A_97] : memref<4x80xi32, #tpu.memory_space<vmem>> -> memref<1x80xi32, #tpu.memory_space<vmem>>
      %dma_wait3A_99 = tpu.memref_squeeze %dma_wait3A_98 : memref<1x80xi32, #tpu.memory_space<vmem>> -> memref<80xi32, #tpu.memory_space<vmem>>
      %dma_wait3A_100 = tpu.memref_slice %arg4[%add3A_23] : memref<320000xi32, #tpu.memory_space<hbm>> -> memref<80xi32, #tpu.memory_space<hbm>>
      %dma_wait3A_101 = arith.constant 0 : i32
      %dma_wait3A_102 = tpu.memref_slice %arg10[%run_scoped3A_24, %dma_wait3A_101] : memref<4x80xi32, #tpu.memory_space<vmem>> -> memref<1x80xi32, #tpu.memory_space<vmem>>
      %dma_wait3A_103 = tpu.memref_squeeze %dma_wait3A_102 : memref<1x80xi32, #tpu.memory_space<vmem>> -> memref<80xi32, #tpu.memory_space<vmem>>
      %dma_wait3A_104 = tpu.memref_slice %arg4[%add3A_23] : memref<320000xi32, #tpu.memory_space<hbm>> -> memref<80xi32, #tpu.memory_space<hbm>>
      tpu.wait_dma2 semaphore(%run_scoped3A_88 : memref<!tpu.dma_semaphore, #tpu.memory_space<semaphore_mem>>) src(%dma_wait3A_104 : memref<80xi32, #tpu.memory_space<hbm>>) dst(%dma_wait3A_103 : memref<80xi32, #tpu.memory_space<vmem>>)
      tpu.yield
    }) : () -> ()
    %eq3A = arith.constant 0 : i32
    %eq3A_25 = arith.cmpi eq, %arg1, %eq3A : i32
    %convert_element_type3A = arith.extui %eq3A_25 : i1 to i32
    %cond3A = arith.constant 0 : i32
    %cond3A_26 = arith.cmpi ne, %convert_element_type3A, %cond3A : i32
    scf.if %cond3A_26 {
      "tpu.region"() ({
        %run_scoped3A_88 = tpu.sem_alloc : memref<!tpu.dma_semaphore, #tpu.memory_space<semaphore_mem>>
        %dma_start3A_89 = arith.constant 9984 : i32
        %dma_start3A_90 = arith.constant 0 : i32
        %dma_start3A_91 = tpu.memref_slice %arg8[%dma_start3A_89, %dma_start3A_90] : memref<10000x128xf32, #tpu.memory_space<vmem_shared>> -> memref<16x128xf32, #tpu.memory_space<vmem_shared>>
        %dma_start3A_92 = arith.constant 0 : i32
        %dma_start3A_93 = arith.constant 0 : i32
        %dma_start3A_94 = tpu.memref_slice %arg5[%dma_start3A_92, %dma_start3A_93] : memref<624x128xf32, #tpu.memory_space<hbm>> -> memref<16x128xf32, #tpu.memory_space<hbm>>
        tpu.enqueue_dma source(%dma_start3A_94 : memref<16x128xf32, #tpu.memory_space<hbm>>) target(%dma_start3A_91 : memref<16x128xf32, #tpu.memory_space<vmem_shared>>) target_semaphore(%run_scoped3A_88 : memref<!tpu.dma_semaphore, #tpu.memory_space<semaphore_mem>>)
        %dma_wait3A_95 = arith.constant 9984 : i32
        %dma_wait3A_96 = arith.constant 0 : i32
        %dma_wait3A_97 = tpu.memref_slice %arg8[%dma_wait3A_95, %dma_wait3A_96] : memref<10000x128xf32, #tpu.memory_space<vmem_shared>> -> memref<16x128xf32, #tpu.memory_space<vmem_shared>>
        %dma_wait3A_98 = arith.constant 0 : i32
        %dma_wait3A_99 = arith.constant 0 : i32
        %dma_wait3A_100 = tpu.memref_slice %arg5[%dma_wait3A_98, %dma_wait3A_99] : memref<624x128xf32, #tpu.memory_space<hbm>> -> memref<16x128xf32, #tpu.memory_space<hbm>>
        tpu.wait_dma2 semaphore(%run_scoped3A_88 : memref<!tpu.dma_semaphore, #tpu.memory_space<semaphore_mem>>) src(%dma_wait3A_100 : memref<16x128xf32, #tpu.memory_space<hbm>>) dst(%dma_wait3A_97 : memref<16x128xf32, #tpu.memory_space<vmem_shared>>)
        tpu.yield
      }) : () -> ()
    } else {
    }
    %barrier3A = arith.constant 0 : index
    tpu.barrier barrier_id(%barrier3A)
    %dma_start3A = arith.constant 0 : i32
    %dma_start3A_27 = arith.constant 0 : i32
    %dma_start3A_28 = arith.constant 0 : i32
    %dma_start3A_29 = arith.constant 0 : i32
    %dma_start3A_30 = tpu.memref_slice %arg11[%dma_start3A_27, %dma_start3A_28, %dma_start3A_29] : memref<4x80x128xf32, #tpu.memory_space<vmem>> -> memref<1x80x128xf32, #tpu.memory_space<vmem>>
    %dma_start3A_31 = tpu.memref_squeeze %dma_start3A_30 : memref<1x80x128xf32, #tpu.memory_space<vmem>> -> memref<80x128xf32, #tpu.memory_space<vmem>>
    %dma_start3A_32 = arith.constant 0 : i32
    %dma_start3A_33 = tpu.memref_slice %arg9[%dma_start3A, %dma_start3A_32] : memref<4x80xi32, #tpu.memory_space<vmem>> -> memref<1x80xi32, #tpu.memory_space<vmem>>
    %dma_start3A_34 = tpu.memref_squeeze %dma_start3A_33 : memref<1x80xi32, #tpu.memory_space<vmem>> -> memref<80xi32, #tpu.memory_space<vmem>>
    %dma_start3A_35 = arith.constant 0 : i32
    %dma_start3A_36 = arith.constant 0 : i32
    %dma_start3A_37 = tpu.memref_slice %arg2[%dma_start3A_35, %dma_start3A_36] : memref<10000x128xf32, #tpu.memory_space<hbm>> -> memref<10000x128xf32, #tpu.memory_space<hbm>>
    tpu.enqueue_indirect_dma source(%dma_start3A_37 : memref<10000x128xf32, #tpu.memory_space<hbm>>) target(%dma_start3A_31 : memref<80x128xf32, #tpu.memory_space<vmem>>) offsets(%dma_start3A_34 : memref<80xi32, #tpu.memory_space<vmem>>) semaphore(%arg12 : memref<!tpu.dma_semaphore, #tpu.memory_space<semaphore_mem>>)
    %dma_start3A_38 = arith.constant 1 : i32
    %dma_start3A_39 = arith.constant 1 : i32
    %dma_start3A_40 = arith.constant 0 : i32
    %dma_start3A_41 = arith.constant 0 : i32
    %dma_start3A_42 = tpu.memref_slice %arg11[%dma_start3A_39, %dma_start3A_40, %dma_start3A_41] : memref<4x80x128xf32, #tpu.memory_space<vmem>> -> memref<1x80x128xf32, #tpu.memory_space<vmem>>
    %dma_start3A_43 = tpu.memref_squeeze %dma_start3A_42 : memref<1x80x128xf32, #tpu.memory_space<vmem>> -> memref<80x128xf32, #tpu.memory_space<vmem>>
    %dma_start3A_44 = arith.constant 0 : i32
    %dma_start3A_45 = tpu.memref_slice %arg9[%dma_start3A_38, %dma_start3A_44] : memref<4x80xi32, #tpu.memory_space<vmem>> -> memref<1x80xi32, #tpu.memory_space<vmem>>
    %dma_start3A_46 = tpu.memref_squeeze %dma_start3A_45 : memref<1x80xi32, #tpu.memory_space<vmem>> -> memref<80xi32, #tpu.memory_space<vmem>>
    %dma_start3A_47 = arith.constant 0 : i32
    %dma_start3A_48 = arith.constant 0 : i32
    %dma_start3A_49 = tpu.memref_slice %arg2[%dma_start3A_47, %dma_start3A_48] : memref<10000x128xf32, #tpu.memory_space<hbm>> -> memref<10000x128xf32, #tpu.memory_space<hbm>>
    tpu.enqueue_indirect_dma source(%dma_start3A_49 : memref<10000x128xf32, #tpu.memory_space<hbm>>) target(%dma_start3A_43 : memref<80x128xf32, #tpu.memory_space<vmem>>) offsets(%dma_start3A_46 : memref<80xi32, #tpu.memory_space<vmem>>) semaphore(%arg12 : memref<!tpu.dma_semaphore, #tpu.memory_space<semaphore_mem>>)
    %dma_start3A_50 = arith.constant 2 : i32
    %dma_start3A_51 = arith.constant 2 : i32
    %dma_start3A_52 = arith.constant 0 : i32
    %dma_start3A_53 = arith.constant 0 : i32
    %dma_start3A_54 = tpu.memref_slice %arg11[%dma_start3A_51, %dma_start3A_52, %dma_start3A_53] : memref<4x80x128xf32, #tpu.memory_space<vmem>> -> memref<1x80x128xf32, #tpu.memory_space<vmem>>
    %dma_start3A_55 = tpu.memref_squeeze %dma_start3A_54 : memref<1x80x128xf32, #tpu.memory_space<vmem>> -> memref<80x128xf32, #tpu.memory_space<vmem>>
    %dma_start3A_56 = arith.constant 0 : i32
    %dma_start3A_57 = tpu.memref_slice %arg9[%dma_start3A_50, %dma_start3A_56] : memref<4x80xi32, #tpu.memory_space<vmem>> -> memref<1x80xi32, #tpu.memory_space<vmem>>
    %dma_start3A_58 = tpu.memref_squeeze %dma_start3A_57 : memref<1x80xi32, #tpu.memory_space<vmem>> -> memref<80xi32, #tpu.memory_space<vmem>>
    %dma_start3A_59 = arith.constant 0 : i32
    %dma_start3A_60 = arith.constant 0 : i32
    %dma_start3A_61 = tpu.memref_slice %arg2[%dma_start3A_59, %dma_start3A_60] : memref<10000x128xf32, #tpu.memory_space<hbm>> -> memref<10000x128xf32, #tpu.memory_space<hbm>>
    tpu.enqueue_indirect_dma source(%dma_start3A_61 : memref<10000x128xf32, #tpu.memory_space<hbm>>) target(%dma_start3A_55 : memref<80x128xf32, #tpu.memory_space<vmem>>) offsets(%dma_start3A_58 : memref<80xi32, #tpu.memory_space<vmem>>) semaphore(%arg12 : memref<!tpu.dma_semaphore, #tpu.memory_space<semaphore_mem>>)
    %scan3A = arith.constant 0 : i32
    %scan3A_62 = arith.constant 0 : i32
    %scan3A_63 = arith.constant 125 : i32
    %scan3A_64 = arith.addi %scan3A_62, %scan3A_63 : i32
    %scan3A_65 = arith.constant 1 : i32
    scf.for %scan3A_88 = %scan3A_62 to %scan3A_64 step %scan3A_65  : i32 {
      %rem3A = arith.constant 4 : i32
      %rem3A_89 = arith.remsi %scan3A_88, %rem3A : i32
      %dma_wait3A_90 = arith.constant 0 : i32
      %dma_wait3A_91 = arith.constant 0 : i32
      %dma_wait3A_92 = arith.constant 0 : i32
      %dma_wait3A_93 = tpu.memref_slice %arg11[%rem3A_89, %dma_wait3A_91, %dma_wait3A_92] : memref<4x80x128xf32, #tpu.memory_space<vmem>> -> memref<1x80x128xf32, #tpu.memory_space<vmem>>
      %dma_wait3A_94 = tpu.memref_squeeze %dma_wait3A_93 : memref<1x80x128xf32, #tpu.memory_space<vmem>> -> memref<80x128xf32, #tpu.memory_space<vmem>>
      %dma_wait3A_95 = arith.constant 0 : i32
      %dma_wait3A_96 = tpu.memref_slice %arg9[%dma_wait3A_90, %dma_wait3A_95] : memref<4x80xi32, #tpu.memory_space<vmem>> -> memref<1x80xi32, #tpu.memory_space<vmem>>
      %dma_wait3A_97 = tpu.memref_squeeze %dma_wait3A_96 : memref<1x80xi32, #tpu.memory_space<vmem>> -> memref<80xi32, #tpu.memory_space<vmem>>
      %dma_wait3A_98 = arith.constant 0 : i32
      %dma_wait3A_99 = arith.constant 0 : i32
      %dma_wait3A_100 = tpu.memref_slice %arg2[%dma_wait3A_98, %dma_wait3A_99] : memref<10000x128xf32, #tpu.memory_space<hbm>> -> memref<10000x128xf32, #tpu.memory_space<hbm>>
      tpu.wait_indirect_dma semaphore(%arg12 : memref<!tpu.dma_semaphore, #tpu.memory_space<semaphore_mem>>) src(%dma_wait3A_100 : memref<10000x128xf32, #tpu.memory_space<hbm>>) dst(%dma_wait3A_94 : memref<80x128xf32, #tpu.memory_space<vmem>>)
      %ge3A = arith.constant 1 : i32
      %ge3A_101 = arith.cmpi sge, %scan3A_88, %ge3A : i32
      %convert_element_type3A_102 = arith.extui %ge3A_101 : i1 to i32
      %cond3A_103 = arith.constant 0 : i32
      %cond3A_104 = arith.cmpi ne, %convert_element_type3A_102, %cond3A_103 : i32
      scf.if %cond3A_104 {
        %dma_wait3A_149 = arith.constant 0 : i32
        %dma_wait3A_150 = arith.constant 0 : i32
        %dma_wait3A_151 = arith.constant 0 : i32
        %dma_wait3A_152 = arith.constant 0 : i32
        %dma_wait3A_153 = tpu.memref_slice %arg11[%dma_wait3A_149, %dma_wait3A_151, %dma_wait3A_152] : memref<4x80x128xf32, #tpu.memory_space<vmem>> -> memref<1x80x128xf32, #tpu.memory_space<vmem>>
        %dma_wait3A_154 = tpu.memref_squeeze %dma_wait3A_153 : memref<1x80x128xf32, #tpu.memory_space<vmem>> -> memref<80x128xf32, #tpu.memory_space<vmem>>
        %dma_wait3A_155 = arith.constant 0 : i32
        %dma_wait3A_156 = tpu.memref_slice %arg10[%dma_wait3A_150, %dma_wait3A_155] : memref<4x80xi32, #tpu.memory_space<vmem>> -> memref<1x80xi32, #tpu.memory_space<vmem>>
        %dma_wait3A_157 = tpu.memref_squeeze %dma_wait3A_156 : memref<1x80xi32, #tpu.memory_space<vmem>> -> memref<80xi32, #tpu.memory_space<vmem>>
        %dma_wait3A_158 = arith.constant 0 : i32
        %dma_wait3A_159 = arith.constant 0 : i32
        %dma_wait3A_160 = tpu.memref_slice %arg8[%dma_wait3A_158, %dma_wait3A_159] : memref<10000x128xf32, #tpu.memory_space<vmem_shared>> -> memref<10000x128xf32, #tpu.memory_space<vmem_shared>>
        tpu.wait_indirect_dma semaphore(%arg15 : memref<!tpu.dma_semaphore, #tpu.memory_space<semaphore_mem>>) src(%dma_wait3A_154 : memref<80x128xf32, #tpu.memory_space<vmem>>) dst(%dma_wait3A_160 : memref<10000x128xf32, #tpu.memory_space<vmem_shared>>)
      } else {
      }
      %ge3A_105 = arith.constant 1 : i32
      %ge3A_106 = arith.cmpi sge, %scan3A_88, %ge3A_105 : i32
      %add3A_107 = arith.constant 3 : i32
      %add3A_108 = arith.addi %scan3A_88, %add3A_107 : i32
      %lt3A = arith.constant 125 : i32
      %lt3A_109 = arith.cmpi slt, %add3A_108, %lt3A : i32
      %and3A = arith.andi %ge3A_106, %lt3A_109 : i1
      %convert_element_type3A_110 = arith.extui %and3A : i1 to i32
      %cond3A_111 = arith.constant 0 : i32
      %cond3A_112 = arith.cmpi ne, %convert_element_type3A_110, %cond3A_111 : i32
      scf.if %cond3A_112 {
        %dma_wait3A_149 = arith.constant 0 : i32
        %dma_wait3A_150 = arith.constant 0 : i32
        %dma_wait3A_151 = tpu.memref_slice %arg9[%dma_wait3A_149, %dma_wait3A_150] : memref<4x80xi32, #tpu.memory_space<vmem>> -> memref<1x80xi32, #tpu.memory_space<vmem>>
        %dma_wait3A_152 = tpu.memref_squeeze %dma_wait3A_151 : memref<1x80xi32, #tpu.memory_space<vmem>> -> memref<80xi32, #tpu.memory_space<vmem>>
        %dma_wait3A_153 = tpu.memref_slice %arg3[%mul3A_2] : memref<320000xi32, #tpu.memory_space<hbm>> -> memref<80xi32, #tpu.memory_space<hbm>>
        %dma_wait3A_154 = arith.constant 0 : i32
        %dma_wait3A_155 = tpu.memref_slice %arg9[%dma_wait3A_149, %dma_wait3A_154] : memref<4x80xi32, #tpu.memory_space<vmem>> -> memref<1x80xi32, #tpu.memory_space<vmem>>
        %dma_wait3A_156 = tpu.memref_squeeze %dma_wait3A_155 : memref<1x80xi32, #tpu.memory_space<vmem>> -> memref<80xi32, #tpu.memory_space<vmem>>
        %dma_wait3A_157 = tpu.memref_slice %arg3[%mul3A_2] : memref<320000xi32, #tpu.memory_space<hbm>> -> memref<80xi32, #tpu.memory_space<hbm>>
        tpu.wait_dma2 semaphore(%arg13 : memref<!tpu.dma_semaphore, #tpu.memory_space<semaphore_mem>>) src(%dma_wait3A_157 : memref<80xi32, #tpu.memory_space<hbm>>) dst(%dma_wait3A_156 : memref<80xi32, #tpu.memory_space<vmem>>)
      } else {
      }
      %ge3A_113 = arith.constant 1 : i32
      %ge3A_114 = arith.cmpi sge, %scan3A_88, %ge3A_113 : i32
      %add3A_115 = arith.constant 2 : i32
      %add3A_116 = arith.addi %scan3A_88, %add3A_115 : i32
      %lt3A_117 = arith.constant 125 : i32
      %lt3A_118 = arith.cmpi slt, %add3A_116, %lt3A_117 : i32
      %and3A_119 = arith.andi %ge3A_114, %lt3A_118 : i1
      %convert_element_type3A_120 = arith.extui %and3A_119 : i1 to i32
      %cond3A_121 = arith.constant 0 : i32
      %cond3A_122 = arith.cmpi ne, %convert_element_type3A_120, %cond3A_121 : i32
      scf.if %cond3A_122 {
        %dma_wait3A_149 = arith.constant 0 : i32
        %dma_wait3A_150 = arith.constant 0 : i32
        %dma_wait3A_151 = tpu.memref_slice %arg10[%dma_wait3A_149, %dma_wait3A_150] : memref<4x80xi32, #tpu.memory_space<vmem>> -> memref<1x80xi32, #tpu.memory_space<vmem>>
        %dma_wait3A_152 = tpu.memref_squeeze %dma_wait3A_151 : memref<1x80xi32, #tpu.memory_space<vmem>> -> memref<80xi32, #tpu.memory_space<vmem>>
        %dma_wait3A_153 = tpu.memref_slice %arg4[%mul3A_2] : memref<320000xi32, #tpu.memory_space<hbm>> -> memref<80xi32, #tpu.memory_space<hbm>>
        %dma_wait3A_154 = arith.constant 0 : i32
        %dma_wait3A_155 = tpu.memref_slice %arg10[%dma_wait3A_149, %dma_wait3A_154] : memref<4x80xi32, #tpu.memory_space<vmem>> -> memref<1x80xi32, #tpu.memory_space<vmem>>
        %dma_wait3A_156 = tpu.memref_squeeze %dma_wait3A_155 : memref<1x80xi32, #tpu.memory_space<vmem>> -> memref<80xi32, #tpu.memory_space<vmem>>
        %dma_wait3A_157 = tpu.memref_slice %arg4[%mul3A_2] : memref<320000xi32, #tpu.memory_space<hbm>> -> memref<80xi32, #tpu.memory_space<hbm>>
        tpu.wait_dma2 semaphore(%arg14 : memref<!tpu.dma_semaphore, #tpu.memory_space<semaphore_mem>>) src(%dma_wait3A_157 : memref<80xi32, #tpu.memory_space<hbm>>) dst(%dma_wait3A_156 : memref<80xi32, #tpu.memory_space<vmem>>)
      } else {
      }
      %add3A_123 = arith.constant 3 : i32
      %add3A_124 = arith.addi %scan3A_88, %add3A_123 : i32
      %lt3A_125 = arith.constant 125 : i32
      %lt3A_126 = arith.cmpi slt, %add3A_124, %lt3A_125 : i32
      %convert_element_type3A_127 = arith.extui %lt3A_126 : i1 to i32
      %cond3A_128 = arith.constant 0 : i32
      %cond3A_129 = arith.cmpi ne, %convert_element_type3A_127, %cond3A_128 : i32
      scf.if %cond3A_129 {
        %add3A_149 = arith.constant 3 : i32
        %add3A_150 = arith.addi %scan3A_88, %add3A_149 : i32
        %rem3A_151 = arith.constant 4 : i32
        %rem3A_152 = arith.remsi %add3A_150, %rem3A_151 : i32
        %add3A_153 = arith.constant 3 : i32
        %add3A_154 = arith.addi %scan3A_88, %add3A_153 : i32
        %rem3A_155 = arith.constant 4 : i32
        %rem3A_156 = arith.remsi %add3A_154, %rem3A_155 : i32
        %dma_start3A_157 = arith.constant 0 : i32
        %dma_start3A_158 = arith.constant 0 : i32
        %dma_start3A_159 = tpu.memref_slice %arg11[%rem3A_156, %dma_start3A_157, %dma_start3A_158] : memref<4x80x128xf32, #tpu.memory_space<vmem>> -> memref<1x80x128xf32, #tpu.memory_space<vmem>>
        %dma_start3A_160 = tpu.memref_squeeze %dma_start3A_159 : memref<1x80x128xf32, #tpu.memory_space<vmem>> -> memref<80x128xf32, #tpu.memory_space<vmem>>
        %dma_start3A_161 = arith.constant 0 : i32
        %dma_start3A_162 = tpu.memref_slice %arg9[%rem3A_152, %dma_start3A_161] : memref<4x80xi32, #tpu.memory_space<vmem>> -> memref<1x80xi32, #tpu.memory_space<vmem>>
        %dma_start3A_163 = tpu.memref_squeeze %dma_start3A_162 : memref<1x80xi32, #tpu.memory_space<vmem>> -> memref<80xi32, #tpu.memory_space<vmem>>
        %dma_start3A_164 = arith.constant 0 : i32
        %dma_start3A_165 = arith.constant 0 : i32
        %dma_start3A_166 = tpu.memref_slice %arg2[%dma_start3A_164, %dma_start3A_165] : memref<10000x128xf32, #tpu.memory_space<hbm>> -> memref<10000x128xf32, #tpu.memory_space<hbm>>
        tpu.enqueue_indirect_dma source(%dma_start3A_166 : memref<10000x128xf32, #tpu.memory_space<hbm>>) target(%dma_start3A_160 : memref<80x128xf32, #tpu.memory_space<vmem>>) offsets(%dma_start3A_163 : memref<80xi32, #tpu.memory_space<vmem>>) semaphore(%arg12 : memref<!tpu.dma_semaphore, #tpu.memory_space<semaphore_mem>>)
        %add3A_167 = arith.constant 3 : i32
        %add3A_168 = arith.addi %scan3A_88, %add3A_167 : i32
        %mul3A_169 = arith.constant 80 : i32
        %mul3A_170 = arith.muli %add3A_168, %mul3A_169 : i32
        %add3A_171 = arith.addi %mul3A_2, %mul3A_170 : i32
        %add3A_172 = arith.constant 3 : i32
        %add3A_173 = arith.addi %scan3A_88, %add3A_172 : i32
        %rem3A_174 = arith.constant 4 : i32
        %rem3A_175 = arith.remsi %add3A_173, %rem3A_174 : i32
        %dma_start3A_176 = arith.constant 0 : i32
        %dma_start3A_177 = tpu.memref_slice %arg10[%rem3A_175, %dma_start3A_176] : memref<4x80xi32, #tpu.memory_space<vmem>> -> memref<1x80xi32, #tpu.memory_space<vmem>>
        %dma_start3A_178 = tpu.memref_squeeze %dma_start3A_177 : memref<1x80xi32, #tpu.memory_space<vmem>> -> memref<80xi32, #tpu.memory_space<vmem>>
        %dma_start3A_179 = tpu.memref_slice %arg4[%add3A_171] : memref<320000xi32, #tpu.memory_space<hbm>> -> memref<80xi32, #tpu.memory_space<hbm>>
        %dma_start3A_180 = arith.constant 0 : i32
        %dma_start3A_181 = tpu.memref_slice %arg10[%rem3A_175, %dma_start3A_180] : memref<4x80xi32, #tpu.memory_space<vmem>> -> memref<1x80xi32, #tpu.memory_space<vmem>>
        %dma_start3A_182 = tpu.memref_squeeze %dma_start3A_181 : memref<1x80xi32, #tpu.memory_space<vmem>> -> memref<80xi32, #tpu.memory_space<vmem>>
        %dma_start3A_183 = tpu.memref_slice %arg4[%add3A_171] : memref<320000xi32, #tpu.memory_space<hbm>> -> memref<80xi32, #tpu.memory_space<hbm>>
        tpu.enqueue_dma source(%dma_start3A_183 : memref<80xi32, #tpu.memory_space<hbm>>) target(%dma_start3A_182 : memref<80xi32, #tpu.memory_space<vmem>>) target_semaphore(%arg14 : memref<!tpu.dma_semaphore, #tpu.memory_space<semaphore_mem>>)
      } else {
      }
      %add3A_130 = arith.constant 4 : i32
      %add3A_131 = arith.addi %scan3A_88, %add3A_130 : i32
      %lt3A_132 = arith.constant 125 : i32
      %lt3A_133 = arith.cmpi slt, %add3A_131, %lt3A_132 : i32
      %convert_element_type3A_134 = arith.extui %lt3A_133 : i1 to i32
      %cond3A_135 = arith.constant 0 : i32
      %cond3A_136 = arith.cmpi ne, %convert_element_type3A_134, %cond3A_135 : i32
      scf.if %cond3A_136 {
        %add3A_149 = arith.constant 4 : i32
        %add3A_150 = arith.addi %scan3A_88, %add3A_149 : i32
        %mul3A_151 = arith.constant 80 : i32
        %mul3A_152 = arith.muli %add3A_150, %mul3A_151 : i32
        %add3A_153 = arith.addi %mul3A_2, %mul3A_152 : i32
        %rem3A_154 = arith.constant 4 : i32
        %rem3A_155 = arith.remsi %scan3A_88, %rem3A_154 : i32
        %dma_start3A_156 = arith.constant 0 : i32
        %dma_start3A_157 = tpu.memref_slice %arg9[%rem3A_155, %dma_start3A_156] : memref<4x80xi32, #tpu.memory_space<vmem>> -> memref<1x80xi32, #tpu.memory_space<vmem>>
        %dma_start3A_158 = tpu.memref_squeeze %dma_start3A_157 : memref<1x80xi32, #tpu.memory_space<vmem>> -> memref<80xi32, #tpu.memory_space<vmem>>
        %dma_start3A_159 = tpu.memref_slice %arg3[%add3A_153] : memref<320000xi32, #tpu.memory_space<hbm>> -> memref<80xi32, #tpu.memory_space<hbm>>
        %dma_start3A_160 = arith.constant 0 : i32
        %dma_start3A_161 = tpu.memref_slice %arg9[%rem3A_155, %dma_start3A_160] : memref<4x80xi32, #tpu.memory_space<vmem>> -> memref<1x80xi32, #tpu.memory_space<vmem>>
        %dma_start3A_162 = tpu.memref_squeeze %dma_start3A_161 : memref<1x80xi32, #tpu.memory_space<vmem>> -> memref<80xi32, #tpu.memory_space<vmem>>
        %dma_start3A_163 = tpu.memref_slice %arg3[%add3A_153] : memref<320000xi32, #tpu.memory_space<hbm>> -> memref<80xi32, #tpu.memory_space<hbm>>
        tpu.enqueue_dma source(%dma_start3A_163 : memref<80xi32, #tpu.memory_space<hbm>>) target(%dma_start3A_162 : memref<80xi32, #tpu.memory_space<vmem>>) target_semaphore(%arg13 : memref<!tpu.dma_semaphore, #tpu.memory_space<semaphore_mem>>)
      } else {
      }
      %rem3A_137 = arith.constant 4 : i32
      %rem3A_138 = arith.remsi %scan3A_88, %rem3A_137 : i32
      %dma_start3A_139 = arith.constant 0 : i32
      %dma_start3A_140 = arith.constant 0 : i32
      %dma_start3A_141 = tpu.memref_slice %arg11[%rem3A_89, %dma_start3A_139, %dma_start3A_140] : memref<4x80x128xf32, #tpu.memory_space<vmem>> -> memref<1x80x128xf32, #tpu.memory_space<vmem>>
      %dma_start3A_142 = tpu.memref_squeeze %dma_start3A_141 : memref<1x80x128xf32, #tpu.memory_space<vmem>> -> memref<80x128xf32, #tpu.memory_space<vmem>>
      %dma_start3A_143 = arith.constant 0 : i32
      %dma_start3A_144 = tpu.memref_slice %arg10[%rem3A_138, %dma_start3A_143] : memref<4x80xi32, #tpu.memory_space<vmem>> -> memref<1x80xi32, #tpu.memory_space<vmem>>
      %dma_start3A_145 = tpu.memref_squeeze %dma_start3A_144 : memref<1x80xi32, #tpu.memory_space<vmem>> -> memref<80xi32, #tpu.memory_space<vmem>>
      %dma_start3A_146 = arith.constant 0 : i32
      %dma_start3A_147 = arith.constant 0 : i32
      %dma_start3A_148 = tpu.memref_slice %arg8[%dma_start3A_146, %dma_start3A_147] : memref<10000x128xf32, #tpu.memory_space<vmem_shared>> -> memref<10000x128xf32, #tpu.memory_space<vmem_shared>>
      tpu.enqueue_indirect_dma source(%dma_start3A_142 : memref<80x128xf32, #tpu.memory_space<vmem>>) target(%dma_start3A_148 : memref<10000x128xf32, #tpu.memory_space<vmem_shared>>) offsets(%dma_start3A_145 : memref<80xi32, #tpu.memory_space<vmem>>) semaphore(%arg15 : memref<!tpu.dma_semaphore, #tpu.memory_space<semaphore_mem>>) {add = true}
    }
    %scan3A_66 = arith.constant 125 : i32
    %dma_wait3A = arith.constant 0 : i32
    %dma_wait3A_67 = arith.constant 0 : i32
    %dma_wait3A_68 = arith.constant 0 : i32
    %dma_wait3A_69 = arith.constant 0 : i32
    %dma_wait3A_70 = tpu.memref_slice %arg11[%dma_wait3A, %dma_wait3A_68, %dma_wait3A_69] : memref<4x80x128xf32, #tpu.memory_space<vmem>> -> memref<1x80x128xf32, #tpu.memory_space<vmem>>
    %dma_wait3A_71 = tpu.memref_squeeze %dma_wait3A_70 : memref<1x80x128xf32, #tpu.memory_space<vmem>> -> memref<80x128xf32, #tpu.memory_space<vmem>>
    %dma_wait3A_72 = arith.constant 0 : i32
    %dma_wait3A_73 = tpu.memref_slice %arg10[%dma_wait3A_67, %dma_wait3A_72] : memref<4x80xi32, #tpu.memory_space<vmem>> -> memref<1x80xi32, #tpu.memory_space<vmem>>
    %dma_wait3A_74 = tpu.memref_squeeze %dma_wait3A_73 : memref<1x80xi32, #tpu.memory_space<vmem>> -> memref<80xi32, #tpu.memory_space<vmem>>
    %dma_wait3A_75 = arith.constant 0 : i32
    %dma_wait3A_76 = arith.constant 0 : i32
    %dma_wait3A_77 = tpu.memref_slice %arg8[%dma_wait3A_75, %dma_wait3A_76] : memref<10000x128xf32, #tpu.memory_space<vmem_shared>> -> memref<10000x128xf32, #tpu.memory_space<vmem_shared>>
    tpu.wait_indirect_dma semaphore(%arg15 : memref<!tpu.dma_semaphore, #tpu.memory_space<semaphore_mem>>) src(%dma_wait3A_71 : memref<80x128xf32, #tpu.memory_space<vmem>>) dst(%dma_wait3A_77 : memref<10000x128xf32, #tpu.memory_space<vmem_shared>>)
    %barrier3A_78 = arith.constant 0 : index
    tpu.barrier barrier_id(%barrier3A_78)
    %mul3A_79 = arith.constant 624 : i32
    %mul3A_80 = arith.muli %arg1, %mul3A_79 : i32
    %mul3A_81 = arith.constant 624 : i32
    %mul3A_82 = arith.muli %arg1, %mul3A_81 : i32
    "tpu.region"() ({
      %run_scoped3A_88 = tpu.sem_alloc : memref<!tpu.dma_semaphore, #tpu.memory_space<semaphore_mem>>
      %dma_start3A_89 = arith.constant 0 : i32
      %dma_start3A_90 = tpu.memref_slice %arg7[%arg0, %mul3A_82, %dma_start3A_89] : memref<2x10000x128xf32, #tpu.memory_space<hbm>> -> memref<1x624x128xf32, #tpu.memory_space<hbm>>
      %dma_start3A_91 = tpu.memref_squeeze %dma_start3A_90 : memref<1x624x128xf32, #tpu.memory_space<hbm>> -> memref<624x128xf32, #tpu.memory_space<hbm>>
      %dma_start3A_92 = arith.constant 0 : i32
      %dma_start3A_93 = tpu.memref_slice %arg8[%mul3A_80, %dma_start3A_92] : memref<10000x128xf32, #tpu.memory_space<vmem_shared>> -> memref<624x128xf32, #tpu.memory_space<vmem_shared>>
      tpu.enqueue_dma source(%dma_start3A_93 : memref<624x128xf32, #tpu.memory_space<vmem_shared>>) target(%dma_start3A_91 : memref<624x128xf32, #tpu.memory_space<hbm>>) target_semaphore(%run_scoped3A_88 : memref<!tpu.dma_semaphore, #tpu.memory_space<semaphore_mem>>)
      %dma_wait3A_94 = arith.constant 0 : i32
      %dma_wait3A_95 = tpu.memref_slice %arg7[%arg0, %mul3A_82, %dma_wait3A_94] : memref<2x10000x128xf32, #tpu.memory_space<hbm>> -> memref<1x624x128xf32, #tpu.memory_space<hbm>>
      %dma_wait3A_96 = tpu.memref_squeeze %dma_wait3A_95 : memref<1x624x128xf32, #tpu.memory_space<hbm>> -> memref<624x128xf32, #tpu.memory_space<hbm>>
      %dma_wait3A_97 = arith.constant 0 : i32
      %dma_wait3A_98 = tpu.memref_slice %arg8[%mul3A_80, %dma_wait3A_97] : memref<10000x128xf32, #tpu.memory_space<vmem_shared>> -> memref<624x128xf32, #tpu.memory_space<vmem_shared>>
      tpu.wait_dma2 semaphore(%run_scoped3A_88 : memref<!tpu.dma_semaphore, #tpu.memory_space<semaphore_mem>>) src(%dma_wait3A_98 : memref<624x128xf32, #tpu.memory_space<vmem_shared>>) dst(%dma_wait3A_96 : memref<624x128xf32, #tpu.memory_space<hbm>>)
      tpu.yield
    }) : () -> ()
    %eq3A_83 = arith.constant 0 : i32
    %eq3A_84 = arith.cmpi eq, %arg1, %eq3A_83 : i32
    %convert_element_type3A_85 = arith.extui %eq3A_84 : i1 to i32
    %cond3A_86 = arith.constant 0 : i32
    %cond3A_87 = arith.cmpi ne, %convert_element_type3A_85, %cond3A_86 : i32
    scf.if %cond3A_87 {
      "tpu.region"() ({
        %run_scoped3A_88 = tpu.sem_alloc : memref<!tpu.dma_semaphore, #tpu.memory_space<semaphore_mem>>
        %dma_start3A_89 = arith.constant 9984 : i32
        %dma_start3A_90 = arith.constant 0 : i32
        %dma_start3A_91 = tpu.memref_slice %arg7[%arg0, %dma_start3A_89, %dma_start3A_90] : memref<2x10000x128xf32, #tpu.memory_space<hbm>> -> memref<1x16x128xf32, #tpu.memory_space<hbm>>
        %dma_start3A_92 = tpu.memref_squeeze %dma_start3A_91 : memref<1x16x128xf32, #tpu.memory_space<hbm>> -> memref<16x128xf32, #tpu.memory_space<hbm>>
        %dma_start3A_93 = arith.constant 9984 : i32
        %dma_start3A_94 = arith.constant 0 : i32
        %dma_start3A_95 = tpu.memref_slice %arg8[%dma_start3A_93, %dma_start3A_94] : memref<10000x128xf32, #tpu.memory_space<vmem_shared>> -> memref<16x128xf32, #tpu.memory_space<vmem_shared>>
        tpu.enqueue_dma source(%dma_start3A_95 : memref<16x128xf32, #tpu.memory_space<vmem_shared>>) target(%dma_start3A_92 : memref<16x128xf32, #tpu.memory_space<hbm>>) target_semaphore(%run_scoped3A_88 : memref<!tpu.dma_semaphore, #tpu.memory_space<semaphore_mem>>)
        %dma_wait3A_96 = arith.constant 9984 : i32
        %dma_wait3A_97 = arith.constant 0 : i32
        %dma_wait3A_98 = tpu.memref_slice %arg7[%arg0, %dma_wait3A_96, %dma_wait3A_97] : memref<2x10000x128xf32, #tpu.memory_space<hbm>> -> memref<1x16x128xf32, #tpu.memory_space<hbm>>
        %dma_wait3A_99 = tpu.memref_squeeze %dma_wait3A_98 : memref<1x16x128xf32, #tpu.memory_space<hbm>> -> memref<16x128xf32, #tpu.memory_space<hbm>>
        %dma_wait3A_100 = arith.constant 9984 : i32
        %dma_wait3A_101 = arith.constant 0 : i32
        %dma_wait3A_102 = tpu.memref_slice %arg8[%dma_wait3A_100, %dma_wait3A_101] : memref<10000x128xf32, #tpu.memory_space<vmem_shared>> -> memref<16x128xf32, #tpu.memory_space<vmem_shared>>
        tpu.wait_dma2 semaphore(%run_scoped3A_88 : memref<!tpu.dma_semaphore, #tpu.memory_space<semaphore_mem>>) src(%dma_wait3A_102 : memref<16x128xf32, #tpu.memory_space<vmem_shared>>) dst(%dma_wait3A_99 : memref<16x128xf32, #tpu.memory_space<hbm>>)
        tpu.yield
      }) : () -> ()
    } else {
    }
    return
  }
}

module attributes {stable_mosaic.version = 14 : i64} {
  func.func @_dense1_body(%arg0: i32, %arg1: memref<1000x128xf32, #tpu.memory_space<vmem>>, %arg2: memref<2x1000x128xf32, #tpu.memory_space<vmem>>, %arg3: memref<1000x2xf32, #tpu.memory_space<vmem>>, %arg4: memref<128x128xf32, #tpu.memory_space<vmem>>, %arg5: memref<128x128xf32, #tpu.memory_space<vmem>>, %arg6: memref<128xf32, #tpu.memory_space<vmem>>, %arg7: memref<1000x128xf32, #tpu.memory_space<vmem>>) attributes {dimension_semantics = [#tpu.dimension_semantics<arbitrary>], iteration_bounds = array<i64: 10>, scalar_prefetch = 0 : i64, scratch_operands = 0 : i64, tpu.core_type = #tpu.core_type<tc>, window_params = [{transform_indices = @transform_0, window_bounds = array<i64: 1000, 128>}, {transform_indices = @transform_1, window_bounds = array<i64: 2, 1000, 128>}, {transform_indices = @transform_2, window_bounds = array<i64: 1000, 2>}, {pipeline_mode = #tpu.pipeline_mode<synchronous>, transform_indices = @transform_3, window_bounds = array<i64: 128, 128>}, {pipeline_mode = #tpu.pipeline_mode<synchronous>, transform_indices = @transform_4, window_bounds = array<i64: 128, 128>}, {pipeline_mode = #tpu.pipeline_mode<synchronous>, transform_indices = @transform_5, window_bounds = array<i64: 128>}, {transform_indices = @transform_6, window_bounds = array<i64: 1000, 128>}]} {
    %get3A = arith.constant 0 : index
    %get3A_0 = arith.constant 0 : index
    %get3A_1 = arith.constant 0 : index
    %get3A_2 = vector.load %arg2[%get3A, %get3A_0, %get3A_1] : memref<2x1000x128xf32, #tpu.memory_space<vmem>>, vector<1x1000x128xf32>
    %get3A_3 = vector.shape_cast %get3A_2 : vector<1x1000x128xf32> to vector<1000x128xf32>
    %get3A_4 = arith.constant 1 : index
    %get3A_5 = arith.constant 0 : index
    %get3A_6 = arith.constant 0 : index
    %get3A_7 = vector.load %arg2[%get3A_4, %get3A_5, %get3A_6] : memref<2x1000x128xf32, #tpu.memory_space<vmem>>, vector<1x1000x128xf32>
    %get3A_8 = vector.shape_cast %get3A_7 : vector<1x1000x128xf32> to vector<1000x128xf32>
    %add3A = arith.addf %get3A_3, %get3A_8 : vector<1000x128xf32>
    %get3A_9 = arith.constant 0 : index
    %get3A_10 = arith.constant 0 : index
    %get3A_11 = vector.load %arg3[%get3A_9, %get3A_10] : memref<1000x2xf32, #tpu.memory_space<vmem>>, vector<1000x2xf32>
    %reduce_sum3A = arith.constant dense<0.000000e+00> : vector<1000xf32>
    %reduce_sum3A_12 = vector.multi_reduction <add>, %get3A_11, %reduce_sum3A [1] : vector<1000x2xf32> to vector<1000xf32>
    %broadcast_in_dim3A = vector.shape_cast %reduce_sum3A_12 : vector<1000xf32> to vector<1000x1xf32>
    %jit3A = arith.constant 1.000000e+00 : f32
    %max3A = vector.broadcast %jit3A : f32 to vector<1000x1xf32>
    %max3A_13 = arith.maximumf %max3A, %broadcast_in_dim3A : vector<1000x1xf32>
    %div3A = arith.constant 1.000000e+00 : f32
    %div3A_14 = vector.broadcast %div3A : f32 to vector<1000x1xf32>
    %div3A_15 = arith.divf %div3A_14, %max3A_13 : vector<1000x1xf32>
    %mul3A = vector.broadcast %div3A_15 : vector<1000x1xf32> to vector<1000x128xf32>
    %mul3A_16 = arith.mulf %add3A, %mul3A : vector<1000x128xf32>
    %get3A_17 = arith.constant 0 : index
    %get3A_18 = arith.constant 0 : index
    %get3A_19 = vector.load %arg1[%get3A_17, %get3A_18] : memref<1000x128xf32, #tpu.memory_space<vmem>>, vector<1000x128xf32>
    %get3A_20 = arith.constant 0 : index
    %get3A_21 = arith.constant 0 : index
    %get3A_22 = vector.load %arg4[%get3A_20, %get3A_21] : memref<128x128xf32, #tpu.memory_space<vmem>>, vector<128x128xf32>
    %dot_general3A = arith.constant dense<0.000000e+00> : vector<1000x128xf32>
    %dot_general3A_23 = tpu.matmul %get3A_19, %get3A_22, %dot_general3A {dimension_numbers = #tpu.dot_dimension_numbers<[1], [0], [0], [1], [0, 0, 1, 1], [], []>, transpose_lhs_hint = false} : vector<1000x128xf32>, vector<128x128xf32>, vector<1000x128xf32> -> vector<1000x128xf32>
    %get3A_24 = arith.constant 0 : index
    %get3A_25 = arith.constant 0 : index
    %get3A_26 = vector.load %arg5[%get3A_24, %get3A_25] : memref<128x128xf32, #tpu.memory_space<vmem>>, vector<128x128xf32>
    %dot_general3A_27 = arith.constant dense<0.000000e+00> : vector<1000x128xf32>
    %dot_general3A_28 = tpu.matmul %mul3A_16, %get3A_26, %dot_general3A_27 {dimension_numbers = #tpu.dot_dimension_numbers<[1], [0], [0], [1], [0, 0, 1, 1], [], []>, transpose_lhs_hint = false} : vector<1000x128xf32>, vector<128x128xf32>, vector<1000x128xf32> -> vector<1000x128xf32>
    %add3A_29 = arith.addf %dot_general3A_23, %dot_general3A_28 : vector<1000x128xf32>
    %get3A_30 = arith.constant 0 : index
    %get3A_31 = vector.load %arg6[%get3A_30] : memref<128xf32, #tpu.memory_space<vmem>>, vector<128xf32>
    %broadcast_in_dim3A_32 = vector.shape_cast %get3A_31 : vector<128xf32> to vector<1x128xf32>
    %add3A_33 = vector.broadcast %broadcast_in_dim3A_32 : vector<1x128xf32> to vector<1000x128xf32>
    %add3A_34 = arith.addf %add3A_29, %add3A_33 : vector<1000x128xf32>
    %max3A_35 = arith.constant 0.000000e+00 : f32
    %max3A_36 = vector.broadcast %max3A_35 : f32 to vector<1000x128xf32>
    %max3A_37 = arith.maximumf %add3A_34, %max3A_36 : vector<1000x128xf32>
    %swap3A = arith.constant 0 : index
    %swap3A_38 = arith.constant 0 : index
    %swap3A_39 = vector.load %arg7[%swap3A, %swap3A_38] : memref<1000x128xf32, #tpu.memory_space<vmem>>, vector<1000x128xf32>
    tpu.vector_store %arg7[%swap3A, %swap3A_38], %max3A_37 {strides = array<i32>} : memref<1000x128xf32, #tpu.memory_space<vmem>>, vector<1000x128xf32>,
    return
  }
  func.func @transform_0(%arg0: i32) -> (i32, i32) {
    %c0_i32 = arith.constant 0 : i32
    %c0_i32_0 = arith.constant 0 : i32
    return %arg0, %c0_i32 : i32, i32
  }
  func.func @transform_1(%arg0: i32) -> (i32, i32, i32) {
    %c0_i32 = arith.constant 0 : i32
    %c0_i32_0 = arith.constant 0 : i32
    %c0_i32_1 = arith.constant 0 : i32
    return %c0_i32, %arg0, %c0_i32_0 : i32, i32, i32
  }
  func.func @transform_2(%arg0: i32) -> (i32, i32) {
    %c0_i32 = arith.constant 0 : i32
    %c0_i32_0 = arith.constant 0 : i32
    return %arg0, %c0_i32 : i32, i32
  }
  func.func @transform_3(%arg0: i32) -> (i32, i32) {
    %c0_i32 = arith.constant 0 : i32
    %c0_i32_0 = arith.constant 0 : i32
    %c0_i32_1 = arith.constant 0 : i32
    return %c0_i32, %c0_i32_0 : i32, i32
  }
  func.func @transform_4(%arg0: i32) -> (i32, i32) {
    %c0_i32 = arith.constant 0 : i32
    %c0_i32_0 = arith.constant 0 : i32
    %c0_i32_1 = arith.constant 0 : i32
    return %c0_i32, %c0_i32_0 : i32, i32
  }
  func.func @transform_5(%arg0: i32) -> i32 {
    %c0_i32 = arith.constant 0 : i32
    %c0_i32_0 = arith.constant 0 : i32
    return %c0_i32 : i32
  }
  func.func @transform_6(%arg0: i32) -> (i32, i32) {
    %c0_i32 = arith.constant 0 : i32
    %c0_i32_0 = arith.constant 0 : i32
    return %arg0, %c0_i32 : i32, i32
  }
}

module attributes {stable_mosaic.version = 14 : i64} {
  func.func @_dense2_body(%arg0: i32, %arg1: memref<1000x128xf32, #tpu.memory_space<vmem>>, %arg2: memref<2x1000x128xf32, #tpu.memory_space<vmem>>, %arg3: memref<1000x2xf32, #tpu.memory_space<vmem>>, %arg4: memref<128x128xf32, #tpu.memory_space<vmem>>, %arg5: memref<128x128xf32, #tpu.memory_space<vmem>>, %arg6: memref<128xf32, #tpu.memory_space<vmem>>, %arg7: memref<128x40xf32, #tpu.memory_space<vmem>>, %arg8: memref<40xf32, #tpu.memory_space<vmem>>, %arg9: memref<1000x40xf32, #tpu.memory_space<vmem>>) attributes {dimension_semantics = [#tpu.dimension_semantics<arbitrary>], iteration_bounds = array<i64: 10>, scalar_prefetch = 0 : i64, scratch_operands = 0 : i64, tpu.core_type = #tpu.core_type<tc>, window_params = [{transform_indices = @transform_0, window_bounds = array<i64: 1000, 128>}, {transform_indices = @transform_1, window_bounds = array<i64: 2, 1000, 128>}, {transform_indices = @transform_2, window_bounds = array<i64: 1000, 2>}, {pipeline_mode = #tpu.pipeline_mode<synchronous>, transform_indices = @transform_3, window_bounds = array<i64: 128, 128>}, {pipeline_mode = #tpu.pipeline_mode<synchronous>, transform_indices = @transform_4, window_bounds = array<i64: 128, 128>}, {pipeline_mode = #tpu.pipeline_mode<synchronous>, transform_indices = @transform_5, window_bounds = array<i64: 128>}, {pipeline_mode = #tpu.pipeline_mode<synchronous>, transform_indices = @transform_6, window_bounds = array<i64: 128, 40>}, {pipeline_mode = #tpu.pipeline_mode<synchronous>, transform_indices = @transform_7, window_bounds = array<i64: 40>}, {transform_indices = @transform_8, window_bounds = array<i64: 1000, 40>}]} {
    %get3A = arith.constant 0 : index
    %get3A_0 = arith.constant 0 : index
    %get3A_1 = arith.constant 0 : index
    %get3A_2 = vector.load %arg2[%get3A, %get3A_0, %get3A_1] : memref<2x1000x128xf32, #tpu.memory_space<vmem>>, vector<1x1000x128xf32>
    %get3A_3 = vector.shape_cast %get3A_2 : vector<1x1000x128xf32> to vector<1000x128xf32>
    %get3A_4 = arith.constant 1 : index
    %get3A_5 = arith.constant 0 : index
    %get3A_6 = arith.constant 0 : index
    %get3A_7 = vector.load %arg2[%get3A_4, %get3A_5, %get3A_6] : memref<2x1000x128xf32, #tpu.memory_space<vmem>>, vector<1x1000x128xf32>
    %get3A_8 = vector.shape_cast %get3A_7 : vector<1x1000x128xf32> to vector<1000x128xf32>
    %add3A = arith.addf %get3A_3, %get3A_8 : vector<1000x128xf32>
    %get3A_9 = arith.constant 0 : index
    %get3A_10 = arith.constant 0 : index
    %get3A_11 = vector.load %arg3[%get3A_9, %get3A_10] : memref<1000x2xf32, #tpu.memory_space<vmem>>, vector<1000x2xf32>
    %reduce_sum3A = arith.constant dense<0.000000e+00> : vector<1000xf32>
    %reduce_sum3A_12 = vector.multi_reduction <add>, %get3A_11, %reduce_sum3A [1] : vector<1000x2xf32> to vector<1000xf32>
    %broadcast_in_dim3A = vector.shape_cast %reduce_sum3A_12 : vector<1000xf32> to vector<1000x1xf32>
    %jit3A = arith.constant 1.000000e+00 : f32
    %max3A = vector.broadcast %jit3A : f32 to vector<1000x1xf32>
    %max3A_13 = arith.maximumf %max3A, %broadcast_in_dim3A : vector<1000x1xf32>
    %div3A = arith.constant 1.000000e+00 : f32
    %div3A_14 = vector.broadcast %div3A : f32 to vector<1000x1xf32>
    %div3A_15 = arith.divf %div3A_14, %max3A_13 : vector<1000x1xf32>
    %mul3A = vector.broadcast %div3A_15 : vector<1000x1xf32> to vector<1000x128xf32>
    %mul3A_16 = arith.mulf %add3A, %mul3A : vector<1000x128xf32>
    %get3A_17 = arith.constant 0 : index
    %get3A_18 = arith.constant 0 : index
    %get3A_19 = vector.load %arg1[%get3A_17, %get3A_18] : memref<1000x128xf32, #tpu.memory_space<vmem>>, vector<1000x128xf32>
    %get3A_20 = arith.constant 0 : index
    %get3A_21 = arith.constant 0 : index
    %get3A_22 = vector.load %arg4[%get3A_20, %get3A_21] : memref<128x128xf32, #tpu.memory_space<vmem>>, vector<128x128xf32>
    %dot_general3A = arith.constant dense<0.000000e+00> : vector<1000x128xf32>
    %dot_general3A_23 = tpu.matmul %get3A_19, %get3A_22, %dot_general3A {dimension_numbers = #tpu.dot_dimension_numbers<[1], [0], [0], [1], [0, 0, 1, 1], [], []>, transpose_lhs_hint = false} : vector<1000x128xf32>, vector<128x128xf32>, vector<1000x128xf32> -> vector<1000x128xf32>
    %get3A_24 = arith.constant 0 : index
    %get3A_25 = arith.constant 0 : index
    %get3A_26 = vector.load %arg5[%get3A_24, %get3A_25] : memref<128x128xf32, #tpu.memory_space<vmem>>, vector<128x128xf32>
    %dot_general3A_27 = arith.constant dense<0.000000e+00> : vector<1000x128xf32>
    %dot_general3A_28 = tpu.matmul %mul3A_16, %get3A_26, %dot_general3A_27 {dimension_numbers = #tpu.dot_dimension_numbers<[1], [0], [0], [1], [0, 0, 1, 1], [], []>, transpose_lhs_hint = false} : vector<1000x128xf32>, vector<128x128xf32>, vector<1000x128xf32> -> vector<1000x128xf32>
    %add3A_29 = arith.addf %dot_general3A_23, %dot_general3A_28 : vector<1000x128xf32>
    %get3A_30 = arith.constant 0 : index
    %get3A_31 = vector.load %arg6[%get3A_30] : memref<128xf32, #tpu.memory_space<vmem>>, vector<128xf32>
    %broadcast_in_dim3A_32 = vector.shape_cast %get3A_31 : vector<128xf32> to vector<1x128xf32>
    %add3A_33 = vector.broadcast %broadcast_in_dim3A_32 : vector<1x128xf32> to vector<1000x128xf32>
    %add3A_34 = arith.addf %add3A_29, %add3A_33 : vector<1000x128xf32>
    %max3A_35 = arith.constant 0.000000e+00 : f32
    %max3A_36 = vector.broadcast %max3A_35 : f32 to vector<1000x128xf32>
    %max3A_37 = arith.maximumf %add3A_34, %max3A_36 : vector<1000x128xf32>
    %get3A_38 = arith.constant 0 : index
    %get3A_39 = arith.constant 0 : index
    %get3A_40 = vector.load %arg7[%get3A_38, %get3A_39] : memref<128x40xf32, #tpu.memory_space<vmem>>, vector<128x40xf32>
    %dot_general3A_41 = arith.constant dense<0.000000e+00> : vector<1000x40xf32>
    %dot_general3A_42 = tpu.matmul %max3A_37, %get3A_40, %dot_general3A_41 {dimension_numbers = #tpu.dot_dimension_numbers<[1], [0], [0], [1], [0, 0, 1, 1], [], []>, transpose_lhs_hint = false} : vector<1000x128xf32>, vector<128x40xf32>, vector<1000x40xf32> -> vector<1000x40xf32>
    %get3A_43 = arith.constant 0 : index
    %get3A_44 = vector.load %arg8[%get3A_43] : memref<40xf32, #tpu.memory_space<vmem>>, vector<40xf32>
    %broadcast_in_dim3A_45 = vector.shape_cast %get3A_44 : vector<40xf32> to vector<1x40xf32>
    %add3A_46 = vector.broadcast %broadcast_in_dim3A_45 : vector<1x40xf32> to vector<1000x40xf32>
    %add3A_47 = arith.addf %dot_general3A_42, %add3A_46 : vector<1000x40xf32>
    %swap3A = arith.constant 0 : index
    %swap3A_48 = arith.constant 0 : index
    %swap3A_49 = vector.load %arg9[%swap3A, %swap3A_48] : memref<1000x40xf32, #tpu.memory_space<vmem>>, vector<1000x40xf32>
    tpu.vector_store %arg9[%swap3A, %swap3A_48], %add3A_47 {strides = array<i32>} : memref<1000x40xf32, #tpu.memory_space<vmem>>, vector<1000x40xf32>,
    return
  }
  func.func @transform_0(%arg0: i32) -> (i32, i32) {
    %c0_i32 = arith.constant 0 : i32
    %c0_i32_0 = arith.constant 0 : i32
    return %arg0, %c0_i32 : i32, i32
  }
  func.func @transform_1(%arg0: i32) -> (i32, i32, i32) {
    %c0_i32 = arith.constant 0 : i32
    %c0_i32_0 = arith.constant 0 : i32
    %c0_i32_1 = arith.constant 0 : i32
    return %c0_i32, %arg0, %c0_i32_0 : i32, i32, i32
  }
  func.func @transform_2(%arg0: i32) -> (i32, i32) {
    %c0_i32 = arith.constant 0 : i32
    %c0_i32_0 = arith.constant 0 : i32
    return %arg0, %c0_i32 : i32, i32
  }
  func.func @transform_3(%arg0: i32) -> (i32, i32) {
    %c0_i32 = arith.constant 0 : i32
    %c0_i32_0 = arith.constant 0 : i32
    %c0_i32_1 = arith.constant 0 : i32
    return %c0_i32, %c0_i32_0 : i32, i32
  }
  func.func @transform_4(%arg0: i32) -> (i32, i32) {
    %c0_i32 = arith.constant 0 : i32
    %c0_i32_0 = arith.constant 0 : i32
    %c0_i32_1 = arith.constant 0 : i32
    return %c0_i32, %c0_i32_0 : i32, i32
  }
  func.func @transform_5(%arg0: i32) -> i32 {
    %c0_i32 = arith.constant 0 : i32
    %c0_i32_0 = arith.constant 0 : i32
    return %c0_i32 : i32
  }
  func.func @transform_6(%arg0: i32) -> (i32, i32) {
    %c0_i32 = arith.constant 0 : i32
    %c0_i32_0 = arith.constant 0 : i32
    %c0_i32_1 = arith.constant 0 : i32
    return %c0_i32, %c0_i32_0 : i32, i32
  }
  func.func @transform_7(%arg0: i32) -> i32 {
    %c0_i32 = arith.constant 0 : i32
    %c0_i32_0 = arith.constant 0 : i32
    return %c0_i32 : i32
  }
  func.func @transform_8(%arg0: i32) -> (i32, i32) {
    %c0_i32 = arith.constant 0 : i32
    %c0_i32_0 = arith.constant 0 : i32
    return %arg0, %c0_i32 : i32, i32
  }
}

</mosaic_0001>

<sc_bundles>
// kernel: kernel.6.cloned.1.call-start
scs
__scs_entry_jumppad:
0x0: {  	(pc) =	sbr.rel $0x88, $3  }
0x1: {  	(tag) =	ssettag $0x0;
	lr =	simm.s32 $0x1  }
0x2: {  	[smem:$0x3F97] =	sst lr;
	_ =	strace $0xD0000000  }
0x3: {  	_ = 	snop  }
0x4: {  	_ = 	snop  }
0x5: {  	_ = 	snop  }
0x6: {  	_ = 	snop  }
0x7: {  	_ = 	snop  }
__scs_overlays_trampoline_lowered:
0x8: {  	[smem:$0x3FA6] =	sst s0  }
0x9: {  	[smem:$0x3FA7] =	sst s1  }
0xa: {  	[smem:$0x3FA8] =	sst s2  }
0xb: {  	[smem:$0x3FA9] =	sst s3  }
0xc: {  	[smem:$0x3FAA] =	sst s4  }
0xd: {  	[smem:$0x3FAB] =	sst s5  }
0xe: {  	[smem:$0x3FAC] =	sst s6  }
0xf: {  	[smem:$0x3FAD] =	sst s7  }
0x10: {  	[smem:$0x3FAE] =	sst s8  }
0x11: {  	[smem:$0x3FAF] =	sst s9;
	s0 =	simm.s32 @!p0 $0x0  }
0x12: {  	s1 =	sld [smem:$0x3F95];
	s0 =	simm.s32 @p0 $0x1  }
0x13: {  	[smem:$0x3FB0] =	sst s0;
	s0 =	simm.s32 @!p1 $0x0  }
0x14: {  	s2 =	sld [smem:$0x3F94];
	s0 =	simm.s32 @p1 $0x1  }
0x15: {  	[smem:$0x3FB1] =	sst s0;
	s0 =	simm.s32 @!p2 $0x0  }
0x16: {  	s3 =	sld [smem:$0x3FDB];
	s0 =	simm.s32 @p2 $0x1  }
0x17: {  	s4 =	simm.s32 $0x1BF5;
	[smem:$0x3FB3] =	sst s0  }
0x18: {  	s0 =	sld [smem:$0x3F96];
	_ =	swait.ge [sflag:s4], $0x0  }
0x19: {  	s7 =	sld [smem:$0x3F97]  }
0x1a: {  	s8 =	sadd.s32 $0xFFFFE003, lr  }
0x1b: {  	s9 =	sadd.s32 $0xFFFFFEF7, lr;
	s5 =	simm.s32 $0xFFFFFFFF;
	p2 =	slt.u32 s8, $0xFFFFF086  }
0x1c: {  	p1 =	slt.u32 s9, $0xF7A;
	s5 =	simm.s32 @!p2 $0x0  }
0x1d: {  	s5 =	simm.s32 @p1 $0x1;
	p0 =	seq.s32 s7, s2  }
0x1e: {  	s7 =	smul.u32 @!p0 $0xF7A, s2;
	p2 =	seq.s32 @!p0 s5, $0x0  }
0x1f: {  	s9 =	smul.u32 $0xF7A, s1;
	s8 =	simm.s32 @!p0 $0x1BF5;
	p2 =	por !p2, p0  }
0x20: {  	[sflag:s8] =	ssyncset.s32 @!p0 $0xFFFFF086;
	s6 =	sadd.s32 @!p0 s3, s7;
	s7 =	simm.s32 @!p0 $0x108  }
0x21: {  	s3 =	sadd.s32 s3, s9;
	s6 =	sadd.s32 @!p0 $0x88, s6;
	s7 =	simm.s32 @p2 $0x1082  }
0x22: {  	[simem:s7], [sflag:s8] =	dma.local @!p0 [hbm:s6], $0xF7A  }
0x23: {  	s9 =	sor.u32 $0xD0000000, s2;
	s6 =	simm.s32 $0x108;
	_ =	swait.ge @!p0 [sflag:s8], $0x0  }
0x24: {  	s3 =	sadd.s32 $0x88, s3;
	s6 =	simm.s32 @!p1 $0x1082;
	[sflag:s4] =	ssyncset.s32 $0xFFFFF086  }
0x25: {  	[simem:s6], [sflag:s4] =	dma.local [hbm:s3], $0xF7A  }
0x26: {  	[smem:$0x3F97] =	sst s1;
	(tag) =	ssettag s2;
	_ =	strace s9  }
0x27: {  	s1 =	sld [smem:$0x3FA7]  }
0x28: {  	s2 =	sld [smem:$0x3FA8]  }
0x29: {  	s4 =	sld [smem:$0x3FAA]  }
0x2a: {  	p0 =	seq.s32 s5, $0x0;
	s5 =	sld [smem:$0x3FAB]  }
0x2b: {  	s6 =	sld [smem:$0x3FAC]  }
0x2c: {  	s7 =	sld [smem:$0x3FAD]  }
0x2d: {  	s3 =	simm.s32 $0x108;
	s8 =	sld [smem:$0x3FAE]  }
0x2e: {  	s3 =	simm.s32 @!p0 $0x1082;
	s9 =	sld [smem:$0x3FAF]  }
0x2f: {  	lr =	sadd.s32 s0, s3;
	s0 =	sld [smem:$0x3FA6]  }
0x30: {  	s3 =	sld [smem:$0x3FA9]  }
0x31: {  	[smem:$0x3FB2] =	sst s10  }
0x32: {  	s10 =	sld [smem:$0x3FB0];
	_ =	sdelay $0x3  }
0x33: {  	p0 =	seq.s32 s10, $0x1;
	s10 =	sld [smem:$0x3FB2];
	_ =	sdelay $0x3  }
0x34: {  	[smem:$0x3FB2] =	sst s10  }
0x35: {  	s10 =	sld [smem:$0x3FB1];
	_ =	sdelay $0x3  }
0x36: {  	p1 =	seq.s32 s10, $0x1;
	s10 =	sld [smem:$0x3FB2];
	_ =	sdelay $0x3  }
0x37: {  	[smem:$0x3FB2] =	sst s10  }
0x38: {  	s10 =	sld [smem:$0x3FB3]  }
0x39: {  	_ = 	snop;
	(pc) =	sbr.ind lr, $3  }
0x3a: {  	_ = 	snop  }
0x3b: {  	_ = 	snop  }
0x3c: {  	p2 =	seq.s32 s10, $0x1;
	s10 =	sld [smem:$0x3FB2]  }
0x3d: {  	_ =	shalt  }
0x3e: {  	_ =	shalt  }
0x3f: {  	_ =	shalt  }
0x40: {  	_ =	shalt  }
0x41: {  	_ =	shalt  }
0x42: {  	_ =	shalt  }
0x43: {  	_ =	shalt  }
0x44: {  	_ =	shalt  }
0x45: {  	_ =	shalt  }
0x46: {  	_ =	shalt  }
0x47: {  	_ =	shalt  }
0x48: {  	_ =	shalt  }
0x49: {  	_ =	shalt  }
0x4a: {  	_ =	shalt  }
0x4b: {  	_ =	shalt  }
0x4c: {  	_ =	shalt  }
0x4d: {  	_ =	shalt  }
0x4e: {  	_ =	shalt  }
0x4f: {  	_ =	shalt  }
0x50: {  	_ =	shalt  }
0x51: {  	_ =	shalt  }
0x52: {  	_ =	shalt  }
0x53: {  	_ =	shalt  }
0x54: {  	_ =	shalt  }
0x55: {  	_ =	shalt  }
0x56: {  	_ =	shalt  }
0x57: {  	_ =	shalt  }
0x58: {  	_ =	shalt  }
0x59: {  	_ =	shalt  }
0x5a: {  	_ =	shalt  }
0x5b: {  	_ =	shalt  }
0x5c: {  	_ =	shalt  }
0x5d: {  	_ =	shalt  }
0x5e: {  	_ =	shalt  }
0x5f: {  	_ =	shalt  }
0x60: {  	_ =	shalt  }
0x61: {  	_ =	shalt  }
0x62: {  	_ =	shalt  }
0x63: {  	_ =	shalt  }
0x64: {  	_ =	shalt  }
0x65: {  	_ =	shalt  }
0x66: {  	_ =	shalt  }
0x67: {  	_ =	shalt  }
0x68: {  	_ =	shalt  }
0x69: {  	_ =	shalt  }
0x6a: {  	_ =	shalt  }
0x6b: {  	_ =	shalt  }
0x6c: {  	_ =	shalt  }
0x6d: {  	_ =	shalt  }
0x6e: {  	_ =	shalt  }
0x6f: {  	_ =	shalt  }
0x70: {  	_ =	shalt  }
0x71: {  	_ =	shalt  }
0x72: {  	_ =	shalt  }
0x73: {  	_ =	shalt  }
0x74: {  	_ =	shalt  }
0x75: {  	_ =	shalt  }
0x76: {  	_ =	shalt  }
0x77: {  	_ =	shalt  }
0x78: {  	_ =	shalt  }
0x79: {  	_ =	shalt  }
0x7a: {  	_ =	shalt  }
0x7b: {  	_ =	shalt  }
0x7c: {  	_ =	shalt  }
0x7d: {  	_ =	shalt  }
0x7e: {  	_ =	shalt  }
0x7f: {  	_ =	shalt  }
0x80: {  	_ =	shalt  }
0x81: {  	_ =	shalt  }
0x82: {  	_ =	shalt  }
0x83: {  	_ =	shalt  }
0x84: {  	_ =	shalt  }
0x85: {  	_ =	shalt  }
0x86: {  	_ =	shalt  }
0x87: {  	_ =	shalt  }
.Lfunc_end0:
.L_simem_size_0:
called_computation_lowered:
.L_overlay_start_0:
0x88: {  	s2 =	sld [smem:$0x3FD9]  }
0x89: {  	s3 =	sld [smem:$0x3FFE];
	_ =	sdelay $0x1  }
0x8a: {  	s1 =	srdreg.scid  }
0x8b: {  	s0 =	sand.u32 $0x1, s1  }
0x8c: {  	s17 =	sshll.u32 s0, $0xA;
	s2 =	sadd.s32 s3, s2  }
0x8d: {  	s2 =	sadd.s32 s2, s17  }
0x8e: {  	[smem:$0x3FBE] =	sst s2  }
0x8f: {  	_ = 	snop  }
0x90: {  	s2 =	sld [smem:$0x3FC9]  }
0x91: {  	s18 =	sld [smem:$0x3FD0];
	(tm) =	ssettm $0x1  }
0x92: {  	s4 =	sld [smem:$0x3FFB];
	_ =	sdelay $0x3  }
0x93: {  	_ =	strace s4  }
0x94: {  	s4 =	sld [smem:$0x3FFC];
	_ =	sdelay $0x3  }
0x95: {  	_ =	strace s4  }
0x96: {  	s4 =	sld [smem:$0x3FFD];
	_ =	sdelay $0x3  }
0x97: {  	_ =	strace s4  }
0x98: {  	_ =	strace $0x8FFFFFFF  }
0x99: {  	s19 =	sld [smem:$0x3FDB];
	_ =	sdelay $0x1  }
0x9a: {  	s5 =	simm.s32 $_scs_section_size  }
0x9b: {  	s6 =	simm.s32 $_size__tile_overlayer_lowered;
	s7 =	simm.s32 $_tile_overlayer_lowered  }
0x9c: {  	s22 =	simm.s32 $0x1BFF;
	s21 =	sshll.u32 s7, $0x1;
	s4 =	sadd.s32 s5, s19  }
0x9d: {  	s8 =	simm.s32 $0x0;
	s20 =	sshll.u32 s6, $0x1;
	s6 =	sadd.s32 s21, s4  }
0x9e: {  	[timem:s8], [sflag:s22] =	dma.local [hbm:s6], s20  }
0x9f: {  	_ =	swait.ge [sflag:s22], s20  }
0xa0: {  	s5 =	ssub.s32 $0x0, s20;
	[sflag:s22] =	ssyncset.done $0x0  }
0xa1: {  	[sflag:s22] =	ssyncadd.s32 s5;
	_ =	sdelay $0x1  }
0xa2: {  	s23 =	simm.s32 $0x1B8B  }
0xa3: {  	_ =	swait.ge [sflag:s23], $0x1  }
0xa4: {  	[sflag:s23] =	ssyncset.done $0x0  }
0xa5: {  	s25 =	simm.s32 $0x1B8E;
	s24 =	sld [smem:$0x3FFE];
	[sflag:s23] =	ssyncadd.s32 $0xFFFFFFFF  }
0xa6: {  	s26 =	simm.s32 $execute0_lowered;
	[smem:$0x3FD2] =	sst s25  }
0xa7: {  	s6 =	sshll.u32 s26, $0x1;
	_ =	strace $0x80000046;
	[dreg:$0x1] =	wrdreg $0xFFFFFFFF  }
0xa8: {  	s28 =	simm.s32 $_size_execute0_lowered;
	s4 =	sadd.s32 s4, s6;
	[dreg:$0x0] =	wrdreg $0x0  }
0xa9: {  	s6 =	sshll.u32 s28, $0x1;
	[dreg:$0x2] =	wrdreg s4  }
0xaa: {  	[dreg:$0x3] =	wrdreg s6  }
0xab: {  	[dreg:$0x4] =	wrdreg $0xC0  }
0xac: {  	_ =	task [dreg:s8], $0x5FFFF  }
0xad: {  	[dreg:$0x1] =	wrdreg $0xFFFFFFFF  }
0xae: {  	[dreg:$0x0] =	wrdreg $0x60  }
0xaf: {  	[dreg:$0x2] =	wrdreg s2  }
0xb0: {  	[dreg:$0x3] =	wrdreg s24  }
0xb1: {  	[dreg:$0x4] =	wrdreg s18  }
0xb2: {  	[dreg:$0x5] =	wrdreg $0x0  }
0xb3: {  	[dreg:$0x6] =	wrdreg $0x138800  }
0xb4: {  	[dreg:$0x7] =	wrdreg $0x9  }
0xb5: {  	_ =	task.clear_ibuf [dreg:s8], $0x8FFFF;
	_ =	strace $0x90000046  }
0xb6: {  	s29 =	simm.s32 $0x9;
	_ =	strace $0x80000048  }
0xb7: {  	_ =	swait.ge [sflag:s29], $0x1  }
0xb8: {  	[sflag:s29] =	ssyncadd.s32 $0xFFFFFFFF  }
0xb9: {  	_ =	strace $0x90000048  }
0xba: {  	_ =	sfence  }
0xbb: {  	s30 =	sld [smem:$0x0];
	_ =	sdelay $0x2  }
0xbc: {  	s31 =	sshll.u32 s1, $0xD;
	s1 =	sshrl.u32 s1, $0x2  }
0xbd: {  	s3 =	sand.u32 $0x4000, s31;
	s1 =	sadd.s32 s1, s30  }
0xbe: {  	s0 =	sor.u32 s3, s0;
	s1 =	sshll.u32 s1, $0x11  }
0xbf: {  	s0 =	sor.u32 s1, s0  }
0xc0: {  	s0 =	sadd.s32 $0x8F2B, s0  }
0xc1: {  	[sflag:s0] =	ssyncadd.remote.s32 $0x1  }
0xc2: {  	_ =	sfence.sel $0xFFFF  }
0xc3: {  	[dreg:$0x0] =	wrdreg $0xFFFFFFFF;
	(pc) =	sbr.abs _section_cstart, $3  }
0xc4: {  	[dreg:$0x1] =	wrdreg $0xFFFFFFFF  }
0xc5: {  	_ =	task.clear_ibuf [dreg:s8], $0x2FFFF;
	_ =	strace $0x9FFFFFFF  }
0xc6: {  	(tm) =	ssettm $0x7FFFFFFF  }
0xc7: {  	_ =	shalt  }
tec
execute0_lowered:
.L_overlay_start_1:
0x0: {  	(tag) =	ssettag $0x1  }
0x1: {  	s0 =	rddreg [dreg:$0x0]  }
0x2: {  	s1 =	rddreg [dreg:$0x1]  }
0x3: {  	s5 =	rddreg [dreg:$0x2]  }
0x4: {  	s2 =	rddreg [dreg:$0x3]  }
0x5: {  	s3 =	rddreg [dreg:$0x4];
	s6 =	srdreg.scid;
	s4 =	simm.s32 $0x0  }
0x6: {  	s7 =	stileid.u32;
	s28 =	simm.s32 $0x13D00;
	s29 =	simm.s32 $0x50  }
0x7: {  	s30 =	simm.s32 $0x13F00;
	s31 =	simm.s32 $0x1;
	s17 =	smul.u32 $0x13800, s7  }
0x8: {  	s6 =	sand.u32 $0x1, s6;
	[smem:$0x7FF] =	sst s4;
	s26 =	smul.u32 $0x2710, s7  }
0x9: {  	s9 =	sadd.s32 $0x2000, s1;
	s11 =	sadd.s32 $0xF200, s1;
	s15 =	smul.u32 $0x138800, s6  }
0xa: {  	s14 =	sadd.s32 $0xE800, s1;
	s8 =	sshll.u32 s6, $0x4;
	s19 =	smul.u32 $0x2710, s6  }
0xb: {  	s10 =	ssub.s32 $0x2, s6;
	s6 =	smul.u32 $0x27100, s6;
	s8 =	sor.u32 s7, s8  }
0xc: {  	_ =	strace $0x80000047;
	s12 =	sshrl.u32 s10, $0x1;
	s8 =	smul.u32 $0x2710, s8  }
0xd: {  	s10 =	ssub.s32 s10, s12;
	s12 =	smul.u32 $0x270, s7;
	s17 =	sadd.s32 s17, s15  }
0xe: {  	s15 =	sshrl.u32 s15, $0x3;
	s6 =	sadd.s32 s26, s6;
	s26 =	sshrl.u32 s19, $0x3  }
0xf: {  	s17 =	sshrl.u32 s17, $0x3;
	s15 =	sadd.s32 s11, s15;
	s8 =	sshrl.u32 s8, $0x3  }
0x10: {  	s17 =	sadd.s32 s11, s17;
	s24 =	sadd.s32 s12, s19;
	s19 =	sadd.s32 s14, s26  }
0x11: {  	[dreg:$0x8] =	wrdreg s17;
	s17 =	sadd.s32 $0xC000, s1;
	s1 =	sadd.s32 $0xBE00, s1  }
0x12: {  	s16 =	sadd.s32 $0xA, s8;
	s19 =	sadd.s32 $0x4E0, s19;
	[dreg:$0xe] =	wrdreg s1  }
0x13: {  	s21 =	sadd.s32 $0x1E, s8;
	s18 =	sadd.s32 s9, s16;
	[dreg:$0x11] =	wrdreg s19  }
0x14: {  	s22 =	sadd.s32 s9, s8;
	s23 =	sadd.s32 s9, s21;
	[dreg:$0x6] =	wrdreg s18  }
0x15: {  	s25 =	sshrl.u32 s24, $0x3;
	s16 =	sadd.s32 s5, s16;
	[dreg:$0x9] =	wrdreg s23  }
0x16: {  	s11 =	sadd.s32 s14, s25;
	s26 =	sadd.s32 s5, s21;
	[dreg:$0xb] =	wrdreg s16  }
0x17: {  	s18 =	sadd.s32 $0x14, s8;
	s8 =	sadd.s32 s5, s8;
	[dreg:$0xd] =	wrdreg s26  }
0x18: {  	s21 =	sadd.s32 s12, s3;
	s26 =	sadd.s32 $0xA, s11;
	[dreg:$0xa] =	wrdreg s8  }
0x19: {  	s13 =	smul.u32 $0x4E000, s7;
	s12 =	sadd.s32 $0x190, s21;
	[dreg:$0x16] =	wrdreg s26  }
0x1a: {  	p0 =	sne.s32 s7, $0x0;
	s19 =	sadd.s32 $0x230, s21;
	[dreg:$0x1d] =	wrdreg s12  }
0x1b: {  	s13 =	sshrl.u32 s13, $0x2;
	s20 =	sadd.s32 s9, s18;
	[smem:$0x7FA] =	sst s19  }
0x1c: {  	s25 =	smul.u32 $0xA00, s7;
	s24 =	sadd.s32 s5, s18;
	[dreg:$0x7] =	wrdreg s20  }
0x1d: {  	s23 =	sadd.s32 $0x190, s6;
	s18 =	sadd.s32 $0x27000, s15;
	[dreg:$0xc] =	wrdreg s24  }
0x1e: {  	s14 =	sshrl.u32 s23, $0x3;
	s23 =	smax.u32 s10, $0x1;
	[dreg:$0x10] =	wrdreg s18  }
0x1f: {  	s7 =	sshll.u32 s7, $0x6;
	s8 =	sadd.s32 $0x1E, s11;
	[dreg:$0x12] =	wrdreg s23  }
0x20: {  	s6 =	sadd.s32 $0x140, s6;
	s10 =	sadd.s32 $0x28, s11;
	[dreg:$0x1a] =	wrdreg s8  }
0x21: {  	s6 =	sshrl.u32 s6, $0x3;
	s15 =	sadd.s32 $0x1E0, s21;
	[dreg:$0x1c] =	wrdreg s10  }
0x22: {  	s16 =	sadd.s32 s6, s5;
	s6 =	sadd.s32 s13, s2;
	[dreg:$0x1f] =	wrdreg s15  }
0x23: {  	s14 =	sadd.s32 s14, s9;
	s24 =	sadd.s32 $0x138000, s2;
	[dreg:$0xf] =	wrdreg s6  }
0x24: {  	s9 =	sshrl.u32 s25, $0x2;
	s25 =	sadd.s32 $0x50, s21;
	[dreg:$0x14] =	wrdreg s24  }
0x25: {  	s26 =	smov.u32 s22;
	s5 =	sadd.s32 $0xA0, s21;
	[dreg:$0x15] =	wrdreg s25  }
0x26: {  	s20 =	sor.u32 $0x1C06, s7;
	s7 =	sadd.s32 $0xF0, s21;
	[dreg:$0x17] =	wrdreg s5  }
0x27: {  	s18 =	sadd.s32 $0x3C, s11;
	s23 =	sadd.s32 $0x46, s11;
	[dreg:$0x19] =	wrdreg s7  }
0x28: {  	s8 =	simm.s32 $0x3;
	s13 =	sadd.s32 s9, s3;
	[smem:$0x7F9] =	sst s18  }
0x29: {  	s6 =	sadd.s32 $0x14, s11;
	s9 =	sadd.s32 $0x140, s21;
	[smem:$0x7FB] =	sst s23  }
0x2a: {  	s24 =	sadd.s32 $0x2700, s3;
	s25 =	sadd.s32 $0x28, s22;
	[dreg:$0x18] =	wrdreg s6  }
.Ltmp0:
0x2b: {  	s22 =	simm.s32 $0x6;
	[dreg:$0x1b] =	wrdreg s9;
	(pc) =	sbr.rel .LBB2_1-.Ltmp0, $4  }
0x2c: {  	s23 =	simm.s32 $0x13B00;
	s7 =	simm.s32 $0x5;
	[smem:$0x7FC] =	sst s24  }
0x2d: {  	s5 =	simm.s32 $0x2;
	s1 =	sshrl.u32 s13, $0x3;
	[smem:$0x7FD] =	sst s25  }
0x2e: {  	s13 =	sadd.s32 $0x32, s11;
	s6 =	simm.s32 $0x4;
	[dreg:$0x13] =	wrdreg s1  }
0x2f: {  	v0 =	vimm.f32 $1.000000000e+00;
	s9 =	simm.s32 $0x0;
	[dreg:$0x1e] =	wrdreg s13;
	s1 =	simm.s32 $0x1DF00  }
.LBB2_6:
0x30: {  	_ =	swait.ge [sflag:s6], $0x2800  }
0x31: {  	[sflag:s6] =	ssyncset.done $0x0  }
0x32: {  	[sflag:s6] =	ssyncadd.s32 $0xFFFFD800  }
0x33: {  	_ =	swait.ge [sflag:s7], $0x50  }
0x34: {  	[sflag:s7] =	ssyncset.done $0x0  }
0x35: {  	[sflag:s7] =	ssyncadd.s32 $0xFFFFFFB0  }
0x36: {  	[bflag:$0x0] =	sbarrier.arrive $0xFFFF  }
0x37: {  	s13 =	rddreg [dreg:$0x8]  }
0x38: {  	[hbm:s13], [sflag:s20] =	dma.local [spmem:s12], $0x2700  }
0x39: {  	_ =	swait.ge [sflag:s22], $0x2700  }
0x3a: {  	[sflag:s22] =	ssyncset.done $0x0  }
0x3b: {  	[sflag:s22] =	ssyncadd.s32 $0xFFFFD900  }
0x3c: {  	[tilespmem:s1], [sflag:$0x6] =	stream.linear.gather [spmem:s21], $0x50, $0x38;
	[tilespmem:$0x1DF80] =	vst v63  }
0x3d: {  	_ =	swait.ge [sflag:s22], $0x50  }
0x3e: {  	[sflag:s22] =	ssyncset.done $0x0  }
0x3f: {  	[sflag:s22] =	ssyncadd.s32 $0xFFFFFFB0  }
0x40: {  	[hbm4b:s11+s4] =	stream.linear.scatter [tilespmem:s1], [sflag:$0x6], $0x50, $0x38;
	[tilespmem:$0x1DF80] =	vst v63  }
0x41: {  	_ =	swait.ge [sflag:s22], $0x50  }
0x42: {  	[sflag:s22] =	ssyncset.done $0x0  }
0x43: {  	s19 =	rddreg [dreg:$0x15];
	[sflag:s22] =	ssyncadd.s32 $0xFFFFFFB0  }
0x44: {  	[tilespmem:s1], [sflag:$0x6] =	stream.linear.gather [spmem:s19], $0x50, $0x38;
	[tilespmem:$0x1DF80] =	vst v63  }
0x45: {  	_ =	swait.ge [sflag:s22], $0x50  }
0x46: {  	[sflag:s22] =	ssyncset.done $0x0  }
0x47: {  	s24 =	rddreg [dreg:$0x16];
	[sflag:s22] =	ssyncadd.s32 $0xFFFFFFB0  }
0x48: {  	[hbm4b:s24+s4] =	stream.linear.scatter [tilespmem:s1], [sflag:$0x6], $0x50, $0x38;
	[tilespmem:$0x1DF80] =	vst v63  }
0x49: {  	_ =	swait.ge [sflag:s22], $0x50  }
0x4a: {  	[sflag:s22] =	ssyncset.done $0x0  }
0x4b: {  	s25 =	rddreg [dreg:$0x17];
	[sflag:s22] =	ssyncadd.s32 $0xFFFFFFB0  }
0x4c: {  	[tilespmem:s1], [sflag:$0x6] =	stream.linear.gather [spmem:s25], $0x50, $0x38;
	[tilespmem:$0x1DF80] =	vst v63  }
0x4d: {  	_ =	swait.ge [sflag:s22], $0x50  }
0x4e: {  	[sflag:s22] =	ssyncset.done $0x0  }
0x4f: {  	s13 =	rddreg [dreg:$0x18];
	[sflag:s22] =	ssyncadd.s32 $0xFFFFFFB0  }
0x50: {  	[hbm4b:s13+s4] =	stream.linear.scatter [tilespmem:s1], [sflag:$0x6], $0x50, $0x38;
	[tilespmem:$0x1DF80] =	vst v63  }
0x51: {  	_ =	swait.ge [sflag:s22], $0x50  }
0x52: {  	[sflag:s22] =	ssyncset.done $0x0  }
0x53: {  	s15 =	rddreg [dreg:$0x19];
	[sflag:s22] =	ssyncadd.s32 $0xFFFFFFB0  }
0x54: {  	[tilespmem:s1], [sflag:$0x6] =	stream.linear.gather [spmem:s15], $0x50, $0x38;
	[tilespmem:$0x1DF80] =	vst v63  }
0x55: {  	_ =	swait.ge [sflag:s22], $0x50  }
0x56: {  	[sflag:s22] =	ssyncset.done $0x0  }
0x57: {  	s18 =	rddreg [dreg:$0x1a];
	[sflag:s22] =	ssyncadd.s32 $0xFFFFFFB0  }
0x58: {  	[hbm4b:s18+s4] =	stream.linear.scatter [tilespmem:s1], [sflag:$0x6], $0x50, $0x38;
	[tilespmem:$0x1DF80] =	vst v63  }
0x59: {  	_ =	swait.ge [sflag:s22], $0x50  }
0x5a: {  	[sflag:s22] =	ssyncset.done $0x0  }
0x5b: {  	s19 =	rddreg [dreg:$0x1b];
	[sflag:s22] =	ssyncadd.s32 $0xFFFFFFB0  }
0x5c: {  	[tilespmem:s1], [sflag:$0x6] =	stream.linear.gather [spmem:s19], $0x50, $0x38;
	[tilespmem:$0x1DF80] =	vst v63  }
0x5d: {  	_ =	swait.ge [sflag:s22], $0x50  }
0x5e: {  	[sflag:s22] =	ssyncset.done $0x0  }
0x5f: {  	s24 =	rddreg [dreg:$0x1c];
	[sflag:s22] =	ssyncadd.s32 $0xFFFFFFB0  }
0x60: {  	[hbm4b:s24+s4] =	stream.linear.scatter [tilespmem:s1], [sflag:$0x6], $0x50, $0x38;
	[tilespmem:$0x1DF80] =	vst v63  }
0x61: {  	_ =	swait.ge [sflag:s22], $0x50  }
0x62: {  	[sflag:s22] =	ssyncset.done $0x0  }
0x63: {  	s25 =	rddreg [dreg:$0x1d];
	[sflag:s22] =	ssyncadd.s32 $0xFFFFFFB0  }
0x64: {  	[tilespmem:s1], [sflag:$0x6] =	stream.linear.gather [spmem:s25], $0x50, $0x38;
	[tilespmem:$0x1DF80] =	vst v63  }
0x65: {  	_ =	swait.ge [sflag:s22], $0x50  }
0x66: {  	[sflag:s22] =	ssyncset.done $0x0  }
0x67: {  	s13 =	rddreg [dreg:$0x1e];
	[sflag:s22] =	ssyncadd.s32 $0xFFFFFFB0  }
0x68: {  	[hbm4b:s13+s4] =	stream.linear.scatter [tilespmem:s1], [sflag:$0x6], $0x50, $0x38;
	[tilespmem:$0x1DF80] =	vst v63  }
0x69: {  	_ =	swait.ge [sflag:s22], $0x50  }
0x6a: {  	[sflag:s22] =	ssyncset.done $0x0  }
0x6b: {  	s15 =	rddreg [dreg:$0x1f];
	[sflag:s22] =	ssyncadd.s32 $0xFFFFFFB0  }
0x6c: {  	[tilespmem:s1], [sflag:$0x6] =	stream.linear.gather [spmem:s15], $0x50, $0x38;
	[tilespmem:$0x1DF80] =	vst v63  }
0x6d: {  	_ =	swait.ge [sflag:s22], $0x50  }
0x6e: {  	s18 =	sld [smem:$0x7F9]  }
0x6f: {  	[sflag:s22] =	ssyncset.done $0x0  }
0x70: {  	[sflag:s22] =	ssyncadd.s32 $0xFFFFFFB0  }
0x71: {  	[hbm4b:s18+s4] =	stream.linear.scatter [tilespmem:s1], [sflag:$0x6], $0x50, $0x38;
	[tilespmem:$0x1DF80] =	vst v63  }
0x72: {  	_ =	swait.ge [sflag:s22], $0x50  }
0x73: {  	s19 =	sld [smem:$0x7FA]  }
0x74: {  	[sflag:s22] =	ssyncset.done $0x0  }
0x75: {  	[sflag:s22] =	ssyncadd.s32 $0xFFFFFFB0  }
0x76: {  	[tilespmem:s1], [sflag:$0x6] =	stream.linear.gather [spmem:s19], $0x40, $0x38;
	[tilespmem:$0x1DF80] =	vst v63  }
0x77: {  	_ =	swait.ge [sflag:s22], $0x40  }
0x78: {  	s24 =	sld [smem:$0x7FB]  }
0x79: {  	[sflag:s22] =	ssyncset.done $0x0  }
0x7a: {  	[sflag:s22] =	ssyncadd.s32 $0xFFFFFFC0  }
0x7b: {  	[hbm4b:s24+s4] =	stream.linear.scatter [tilespmem:s1], [sflag:$0x6], $0x40, $0x38;
	[tilespmem:$0x1DF80] =	vst v63  }
0x7c: {  	_ =	swait.ge [sflag:s22], $0x40  }
0x7d: {  	[sflag:s22] =	ssyncset.done $0x0  }
0x7e: {  	s12 =	rddreg [dreg:$0x10];
	[sflag:s22] =	ssyncadd.s32 $0xFFFFFFC0  }
0x7f: {  	[hbm:s12], [sflag:s20] =	dma.local @!p0 [spmem:s10], $0x100  }
0x80: {  	s10 =	simm.s32 @!p0 $0x6  }
0x81: {  	_ =	swait.ge @!p0 [sflag:s10], $0x100  }
0x82: {  	s13 =	sld [smem:$0x7FC]  }
0x83: {  	[sflag:s10] =	ssyncset.done @!p0 $0x0  }
0x84: {  	s12 =	simm.s32 @!p0 $0x1DF00;
	[sflag:s10] =	ssyncadd.s32 @!p0 $0xFFFFFF00  }
0x85: {  	[tilespmem:s12], [sflag:$0x6] =	stream.linear.gather @!p0 [spmem:s13], $0x10, $0x38;
	[tilespmem:$0x1DF80] =	vst v63  }
0x86: {  	_ =	swait.ge @!p0 [sflag:s10], $0x10  }
0x87: {  	[sflag:s10] =	ssyncset.done @!p0 $0x0  }
0x88: {  	s13 =	simm.s32 @!p0 $0x0;
	s15 =	rddreg [dreg:$0x11];
	[sflag:s10] =	ssyncadd.s32 @!p0 $0xFFFFFFF0  }
0x89: {  	[hbm4b:s15+s13] =	stream.linear.scatter @!p0 [tilespmem:s12], [sflag:$0x6], $0x10, $0x38;
	[tilespmem:$0x1DF80] =	vst v63  }
0x8a: {  	_ =	swait.ge @!p0 [sflag:s10], $0x10  }
0x8b: {  	s9 =	sadd.s32 $0x1, s9;
	s25 =	rddreg [dreg:$0x12]  }
0x8c: {  	p1 =	sne.s32 s9, s25  }
.Ltmp1:
0x8d: {  	_ = 	snop;
	(pc) =	sbr.rel @!p1 .LBB2_7-.Ltmp1, $3  }
0x8e: {  	_ =	sdelay $0x1  }
0x8f: {  	[sflag:s10] =	ssyncset.done @!p0 $0x0  }
0x90: {  	[sflag:s10] =	ssyncadd.s32 @!p0 $0xFFFFFFF0  }
.LBB2_1:
0x91: {  	s10 =	rddreg [dreg:$0xf]  }
0x92: {  	s12 =	sshrl.u32 s10, $0x3  }
0x93: {  	[spmem:s12], [sflag:s20] =	dma.local [hbm:s17], $0x2700  }
0x94: {  	_ =	swait.ge [sflag:s22], $0x2700  }
0x95: {  	[sflag:s22] =	ssyncset.done $0x0  }
0x96: {  	[sflag:s22] =	ssyncadd.s32 $0xFFFFD900  }
0x97: {  	[tilespmem:s23], [sflag:$0x6] =	stream.linear.gather [hbm4b:s26+s4], $0x50, $0x38;
	[tilespmem:$0x1DF80] =	vst v63  }
0x98: {  	_ =	swait.ge [sflag:s22], $0x50  }
0x99: {  	[sflag:s22] =	ssyncset.done $0x0  }
0x9a: {  	s15 =	simm.s32 $0x13B80;
	s24 =	rddreg [dreg:$0x6];
	[sflag:s22] =	ssyncadd.s32 $0xFFFFFFB0  }
0x9b: {  	[tilespmem:s15], [sflag:$0x6] =	stream.linear.gather [hbm4b:s24+s4], $0x50, $0x38;
	[tilespmem:$0x1DF80] =	vst v63  }
0x9c: {  	_ =	swait.ge [sflag:s22], $0x50  }
0x9d: {  	[sflag:s22] =	ssyncset.done $0x0  }
0x9e: {  	s18 =	simm.s32 $0x13C00;
	s25 =	rddreg [dreg:$0x7];
	[sflag:s22] =	ssyncadd.s32 $0xFFFFFFB0  }
0x9f: {  	[tilespmem:s18], [sflag:$0x6] =	stream.linear.gather [hbm4b:s25+s4], $0x50, $0x38;
	[tilespmem:$0x1DF80] =	vst v63  }
0xa0: {  	_ =	swait.ge [sflag:s22], $0x50  }
0xa1: {  	[sflag:s22] =	ssyncset.done $0x0  }
0xa2: {  	s19 =	simm.s32 $0x13C80;
	s13 =	rddreg [dreg:$0x9];
	[sflag:s22] =	ssyncadd.s32 $0xFFFFFFB0  }
0xa3: {  	[tilespmem:s19], [sflag:$0x6] =	stream.linear.gather [hbm4b:s13+s4], $0x50, $0x38;
	[tilespmem:$0x1DF80] =	vst v63  }
0xa4: {  	_ =	swait.ge [sflag:s22], $0x50  }
0xa5: {  	[sflag:s22] =	ssyncset.done $0x0  }
0xa6: {  	s24 =	rddreg [dreg:$0xa];
	[sflag:s22] =	ssyncadd.s32 $0xFFFFFFB0  }
0xa7: {  	[tilespmem:s28], [sflag:$0x6] =	stream.linear.gather [hbm4b:s24+s4], $0x50, $0x38;
	[tilespmem:$0x1DF80] =	vst v63  }
0xa8: {  	_ =	swait.ge [sflag:s22], $0x50  }
0xa9: {  	[sflag:s22] =	ssyncset.done $0x0  }
0xaa: {  	s13 =	simm.s32 $0x13D80;
	s25 =	rddreg [dreg:$0xb];
	[sflag:s22] =	ssyncadd.s32 $0xFFFFFFB0  }
0xab: {  	[tilespmem:s13], [sflag:$0x6] =	stream.linear.gather [hbm4b:s25+s4], $0x50, $0x38;
	[tilespmem:$0x1DF80] =	vst v63  }
0xac: {  	_ =	swait.ge [sflag:s22], $0x50  }
0xad: {  	[sflag:s22] =	ssyncset.done $0x0  }
0xae: {  	s25 =	simm.s32 $0x13E00;
	s24 =	rddreg [dreg:$0xc];
	[sflag:s22] =	ssyncadd.s32 $0xFFFFFFB0  }
0xaf: {  	[tilespmem:s25], [sflag:$0x6] =	stream.linear.gather [hbm4b:s24+s4], $0x50, $0x38;
	[tilespmem:$0x1DF80] =	vst v63  }
0xb0: {  	_ =	swait.ge [sflag:s22], $0x50  }
0xb1: {  	[sflag:s22] =	ssyncset.done $0x0;
	s13 =	rddreg [dreg:$0xe]  }
0xb2: {  	s24 =	rddreg [dreg:$0x13];
	[sflag:s22] =	ssyncadd.s32 $0xFFFFFFB0  }
0xb3: {  	[spmem:s24], [sflag:s20] =	dma.local [hbm:s13], $0x50  }
0xb4: {  	_ =	swait.ge [sflag:s22], $0x50  }
0xb5: {  	[sflag:s22] =	ssyncset.done $0x0  }
0xb6: {  	[sflag:s22] =	ssyncadd.s32 $0xFFFFFFB0  }
0xb7: {  	[tilespmem:$0x1DF00] =	vst v0  }
0xb8: {  	[tilespmem:$0x1DF10] =	vst v0  }
0xb9: {  	[tilespmem:$0x1DF20] =	vst v0  }
0xba: {  	s10 =	rddreg [dreg:$0x14];
	[tilespmem:$0x1DF30] =	vst v0  }
0xbb: {  	s13 =	simm.s32 @!p0 $0x6;
	s10 =	sshrl.u32 @!p0 s10, $0x3;
	[tilespmem:$0x1DF40] =	vst v0  }
0xbc: {  	[spmem:s10], [sflag:s20] =	dma.local @!p0 [hbm:s17], $0x100  }
0xbd: {  	_ =	swait.ge @!p0 [sflag:s13], $0x100  }
0xbe: {  	[sflag:s13] =	ssyncset.done @!p0 $0x0  }
0xbf: {  	[sflag:s13] =	ssyncadd.s32 @!p0 $0xFFFFFF00  }
0xc0: {  	[bflag:$0x0] =	sbarrier.arrive $0xFFFF  }
0xc1: {  	[tilespmem:s30], [sflag:$0x1] =	stream.indirect.gather [hbm4b:s0+s29], $0x80, s23, s29, $0xb8;
	[tilespmem:$0x1DF80] =	vst v63  }
0xc2: {  	s25 =	simm.s32 $0x16700  }
0xc3: {  	[tilespmem:s25], [sflag:$0x1] =	stream.indirect.gather [hbm4b:s0+s29], $0x80, s15, s29, $0xb8;
	[tilespmem:$0x1DF80] =	vst v63  }
0xc4: {  	s15 =	simm.s32 $0x18F00  }
0xc5: {  	[tilespmem:s15], [sflag:$0x1] =	stream.indirect.gather [hbm4b:s0+s29], $0x80, s18, s29, $0xb8;
	[tilespmem:$0x1DF80] =	vst v63  }
0xc6: {  	_ =	swait.ge [sflag:s31], $0x2800  }
0xc7: {  	[sflag:s31] =	ssyncset.done $0x0  }
0xc8: {  	s18 =	simm.s32 $0x1B700;
	s25 =	sld [smem:$0x7FD];
	[sflag:s31] =	ssyncadd.s32 $0xFFFFD800  }
0xc9: {  	[tilespmem:s18], [sflag:$0x1] =	stream.indirect.gather [hbm4b:s0+s29], $0x80, s19, s29, $0xb8;
	[tilespmem:$0x1DF80] =	vst v63  }
0xca: {  	s24 =	simm.s32 $0x13E80;
	s19 =	rddreg [dreg:$0xd]  }
0xcb: {  	[tilespmem:s24], [sflag:$0x3] =	stream.linear.gather [hbm4b:s19+s4], $0x50, $0x38;
	[tilespmem:$0x1DF80] =	vst v63  }
0xcc: {  	_ = 	snop  }
0xcd: {  	[tilespmem:s23], [sflag:$0x2] =	stream.linear.gather [hbm4b:s25+s4], $0x50, $0x38;
	[tilespmem:$0x1DF80] =	vst v63  }
.Ltmp2:
0xce: {  	_ = 	snop;
	(pc) =	sbr.rel .LBB2_2-.Ltmp2, $4  }
0xcf: {  	_ = 	snop  }
0xd0: {  	[spmem:s2] =	stream.indirect.scatter.add.f32 [tilespmem:s30], [sflag:$0x4], $0x80, s28, s29, $0xb8;
	[tilespmem:$0x1DF80] =	vst v63  }
0xd1: {  	s13 =	simm.s32 $0x4;
	s15 =	simm.s32 $0x0  }
0xd2: {  	[spmem:s3] =	stream.indirect.scatter.add.f32 [tilespmem:s1], [sflag:$0x5], $0x1, s28, s29, $0xb8;
	[tilespmem:$0x1DF80] =	vst v63  }
.LBB2_4:
0xd3: {  	_ =	swait.ge [sflag:s5], $0x50  }
0xd4: {  	s18 =	sand.u32 $0x3, s13;
	[sflag:s5] =	ssyncset.done $0x0  }
0xd5: {  	s25 =	smul.u32 $0xA000, s18;
	[sflag:s5] =	ssyncadd.s32 $0xFFFFFFB0  }
0xd6: {  	_ =	swait.ge [sflag:s8], $0x50  }
0xd7: {  	s18 =	sshll.u32 s18, $0x7;
	s25 =	sshrl.u32 s25, $0x2;
	[sflag:s8] =	ssyncset.done $0x0  }
0xd8: {  	s19 =	sadd.s32 $0x13B00, s18;
	s25 =	sadd.s32 $0x13F00, s25;
	[sflag:s8] =	ssyncadd.s32 $0xFFFFFFB0  }
0xd9: {  	[tilespmem:s25], [sflag:$0x1] =	stream.indirect.gather [hbm4b:s0+s29], $0x80, s19, s29, $0xb8;
	[tilespmem:$0x1DF80] =	vst v63  }
0xda: {  	s18 =	sadd.s32 $0x13D00, s18;
	s25 =	sadd.s32 s15, s16  }
0xdb: {  	[tilespmem:s18], [sflag:$0x3] =	stream.linear.gather [hbm4b:s25+s4], $0x50, $0x38;
	[tilespmem:$0x1DF80] =	vst v63  }
0xdc: {  	p1 =	sne.s32 s15, $0x4B0;
	s18 =	sshll.u32 s24, $0x9  }
0xdd: {  	s19 =	sshrl.u32 @p1 s18, $0x2  }
0xde: {  	s25 =	sadd.s32 @p1 s15, s14;
	s19 =	sadd.s32 @p1 $0x13B00, s19  }
0xdf: {  	[tilespmem:s19], [sflag:$0x2] =	stream.linear.gather @p1 [hbm4b:s25+s4], $0x50, $0x38;
	[tilespmem:$0x1DF80] =	vst v63  }
.LBB2_5:
0xe0: {  	s19 =	smul.u32 $0xA000, s24;
	s15 =	sadd.s32 $0xA, s15  }
0xe1: {  	p1 =	sne.s32 s15, $0x4D8  }
.Ltmp3:
0xe2: {  	s18 =	sshrl.u32 s18, $0x2;
	s19 =	sshrl.u32 s19, $0x2;
	(pc) =	sbr.rel @!p1 .LBB2_6-.Ltmp3, $4  }
0xe3: {  	s18 =	sadd.s32 $0x13D00, s18;
	s19 =	sadd.s32 $0x13F00, s19  }
0xe4: {  	[spmem:s2] =	stream.indirect.scatter.add.f32 [tilespmem:s19], [sflag:$0x4], $0x80, s18, s29, $0xb8;
	[tilespmem:$0x1DF80] =	vst v63  }
0xe5: {  	s13 =	sadd.s32 $0x1, s13  }
0xe6: {  	[spmem:s3] =	stream.indirect.scatter.add.f32 [tilespmem:s1], [sflag:$0x5], $0x1, s18, s29, $0xb8;
	[tilespmem:$0x1DF80] =	vst v63  }
.LBB2_2:
0xe7: {  	_ =	swait.ge [sflag:s31], $0x2800  }
0xe8: {  	[sflag:s31] =	ssyncset.done $0x0  }
0xe9: {  	s18 =	sadd.s32 $0xFFFFFFFD, s13;
	[sflag:s31] =	ssyncadd.s32 $0xFFFFD800  }
0xea: {  	p1 =	slt.u32 s18, $0x7A;
	_ =	swait.ge [sflag:s6], $0x2800  }
.Ltmp4:
0xeb: {  	[sflag:s6] =	ssyncset.done $0x0;
	(pc) =	sbr.rel @p1 .LBB2_4-.Ltmp4, $4  }
0xec: {  	[sflag:s6] =	ssyncadd.s32 $0xFFFFD800  }
0xed: {  	_ =	swait.ge [sflag:s7], $0x50  }
0xee: {  	[sflag:s7] =	ssyncset.done $0x0  }
0xef: {  	s24 =	sand.u32 $0x3, s18;
	[sflag:s7] =	ssyncadd.s32 $0xFFFFFFB0  }
.Ltmp5:
0xf0: {  	p1 =	sne.s32 s15, $0x4BA;
	(pc) =	sbr.rel .LBB2_5-.Ltmp5, $4  }
0xf1: {  	s18 =	simm.s32 @!p1 $0x3  }
0xf2: {  	_ =	swait.ge @!p1 [sflag:s18], $0x50  }
0xf3: {  	[sflag:s18] =	ssyncset.done @!p1 $0x0  }
0xf4: {  	[sflag:s18] =	ssyncadd.s32 @!p1 $0xFFFFFFB0;
	s18 =	sshll.u32 s24, $0x9  }
.LBB2_7:
0xf5: {  	_ =	sfence.sel $0x180000  }
0xf6: {  	[bflag:$0x0] =	sbarrier.arrive $0xFFFF  }
0xf7: {  	_ =	strace $0x90000047  }
0xf8: {  	[bflag:$0x2] =	sbarrier.arrive $0xFFFF  }
0xf9: {  	s0 =	rddreg [dreg:$0x5]  }
0xfa: {  	s0 =	sadd.s32 @!p0 $0x100000, s0  }
0xfb: {  	[sflag:s0] =	ssyncadd.tile.s32 @!p0 $0x1;
	_ =	shalt  }
.Lfunc_end2:
_tile_overlayer_lowered:
.L_overlay_start_2:
0xfc: {  	(tag) =	ssettag $0x2  }
0xfd: {  	s0 =	rddreg [dreg:$0x0];
	s2 =	stileid.u32  }
0xfe: {  	s1 =	rddreg [dreg:$0x1];
	p0 =	sne.s32 s2, $0x0  }
0xff: {  	s3 =	rddreg [dreg:$0x2];
	[bflag:$0x3] =	sbarrier.arrive $0xFFFF;
	s2 =	simm.s32 @!p0 $0x1C06  }
0x100: {  	[timem:s3], [sflag:s2] =	dma.local @!p0 [hbm:s0], s1  }
0x101: {  	s0 =	simm.s32 @!p0 $0x6  }
0x102: {  	_ =	swait.ge @!p0 [sflag:s0], s1  }
0x103: {  	s1 =	ssub.s32 @!p0 $0x0, s1;
	[sflag:s0] =	ssyncset.done @!p0 $0x0  }
0x104: {  	[sflag:s0] =	ssyncadd.s32 @!p0 s1  }
0x105: {  	[bflag:$0x3] =	sbarrier.arrive $0xFFFF  }
0x106: {  	_ =	shalt  }

// kernel: kernel.9.cloned.1.call-start
scs
__scs_entry_jumppad:
0x0: {  	(pc) =	sbr.rel $0x88, $3  }
0x1: {  	(tag) =	ssettag $0x0;
	lr =	simm.s32 $0x1  }
0x2: {  	[smem:$0x3F97] =	sst lr;
	_ =	strace $0xD0000000  }
0x3: {  	_ = 	snop  }
0x4: {  	_ = 	snop  }
0x5: {  	_ = 	snop  }
0x6: {  	_ = 	snop  }
0x7: {  	_ = 	snop  }
__scs_overlays_trampoline_lowered:
0x8: {  	[smem:$0x3FA6] =	sst s0  }
0x9: {  	[smem:$0x3FA7] =	sst s1  }
0xa: {  	[smem:$0x3FA8] =	sst s2  }
0xb: {  	[smem:$0x3FA9] =	sst s3  }
0xc: {  	[smem:$0x3FAA] =	sst s4  }
0xd: {  	[smem:$0x3FAB] =	sst s5  }
0xe: {  	[smem:$0x3FAC] =	sst s6  }
0xf: {  	[smem:$0x3FAD] =	sst s7  }
0x10: {  	[smem:$0x3FAE] =	sst s8  }
0x11: {  	[smem:$0x3FAF] =	sst s9;
	s0 =	simm.s32 @!p0 $0x0  }
0x12: {  	s1 =	sld [smem:$0x3F95];
	s0 =	simm.s32 @p0 $0x1  }
0x13: {  	[smem:$0x3FB0] =	sst s0;
	s0 =	simm.s32 @!p1 $0x0  }
0x14: {  	s2 =	sld [smem:$0x3F94];
	s0 =	simm.s32 @p1 $0x1  }
0x15: {  	[smem:$0x3FB1] =	sst s0;
	s0 =	simm.s32 @!p2 $0x0  }
0x16: {  	s3 =	sld [smem:$0x3FDB];
	s0 =	simm.s32 @p2 $0x1  }
0x17: {  	s4 =	simm.s32 $0x1BF5;
	[smem:$0x3FB3] =	sst s0  }
0x18: {  	s0 =	sld [smem:$0x3F96];
	_ =	swait.ge [sflag:s4], $0x0  }
0x19: {  	s7 =	sld [smem:$0x3F97]  }
0x1a: {  	s8 =	sadd.s32 $0xFFFFE003, lr  }
0x1b: {  	s9 =	sadd.s32 $0xFFFFFEF7, lr;
	s5 =	simm.s32 $0xFFFFFFFF;
	p2 =	slt.u32 s8, $0xFFFFF086  }
0x1c: {  	p1 =	slt.u32 s9, $0xF7A;
	s5 =	simm.s32 @!p2 $0x0  }
0x1d: {  	s5 =	simm.s32 @p1 $0x1;
	p0 =	seq.s32 s7, s2  }
0x1e: {  	s7 =	smul.u32 @!p0 $0xF7A, s2;
	p2 =	seq.s32 @!p0 s5, $0x0  }
0x1f: {  	s9 =	smul.u32 $0xF7A, s1;
	s8 =	simm.s32 @!p0 $0x1BF5;
	p2 =	por !p2, p0  }
0x20: {  	[sflag:s8] =	ssyncset.s32 @!p0 $0xFFFFF086;
	s6 =	sadd.s32 @!p0 s3, s7;
	s7 =	simm.s32 @!p0 $0x108  }
0x21: {  	s3 =	sadd.s32 s3, s9;
	s6 =	sadd.s32 @!p0 $0x88, s6;
	s7 =	simm.s32 @p2 $0x1082  }
0x22: {  	[simem:s7], [sflag:s8] =	dma.local @!p0 [hbm:s6], $0xF7A  }
0x23: {  	s9 =	sor.u32 $0xD0000000, s2;
	s6 =	simm.s32 $0x108;
	_ =	swait.ge @!p0 [sflag:s8], $0x0  }
0x24: {  	s3 =	sadd.s32 $0x88, s3;
	s6 =	simm.s32 @!p1 $0x1082;
	[sflag:s4] =	ssyncset.s32 $0xFFFFF086  }
0x25: {  	[simem:s6], [sflag:s4] =	dma.local [hbm:s3], $0xF7A  }
0x26: {  	[smem:$0x3F97] =	sst s1;
	(tag) =	ssettag s2;
	_ =	strace s9  }
0x27: {  	s1 =	sld [smem:$0x3FA7]  }
0x28: {  	s2 =	sld [smem:$0x3FA8]  }
0x29: {  	s4 =	sld [smem:$0x3FAA]  }
0x2a: {  	p0 =	seq.s32 s5, $0x0;
	s5 =	sld [smem:$0x3FAB]  }
0x2b: {  	s6 =	sld [smem:$0x3FAC]  }
0x2c: {  	s7 =	sld [smem:$0x3FAD]  }
0x2d: {  	s3 =	simm.s32 $0x108;
	s8 =	sld [smem:$0x3FAE]  }
0x2e: {  	s3 =	simm.s32 @!p0 $0x1082;
	s9 =	sld [smem:$0x3FAF]  }
0x2f: {  	lr =	sadd.s32 s0, s3;
	s0 =	sld [smem:$0x3FA6]  }
0x30: {  	s3 =	sld [smem:$0x3FA9]  }
0x31: {  	[smem:$0x3FB2] =	sst s10  }
0x32: {  	s10 =	sld [smem:$0x3FB0];
	_ =	sdelay $0x3  }
0x33: {  	p0 =	seq.s32 s10, $0x1;
	s10 =	sld [smem:$0x3FB2];
	_ =	sdelay $0x3  }
0x34: {  	[smem:$0x3FB2] =	sst s10  }
0x35: {  	s10 =	sld [smem:$0x3FB1];
	_ =	sdelay $0x3  }
0x36: {  	p1 =	seq.s32 s10, $0x1;
	s10 =	sld [smem:$0x3FB2];
	_ =	sdelay $0x3  }
0x37: {  	[smem:$0x3FB2] =	sst s10  }
0x38: {  	s10 =	sld [smem:$0x3FB3]  }
0x39: {  	_ = 	snop;
	(pc) =	sbr.ind lr, $3  }
0x3a: {  	_ = 	snop  }
0x3b: {  	_ = 	snop  }
0x3c: {  	p2 =	seq.s32 s10, $0x1;
	s10 =	sld [smem:$0x3FB2]  }
0x3d: {  	_ =	shalt  }
0x3e: {  	_ =	shalt  }
0x3f: {  	_ =	shalt  }
0x40: {  	_ =	shalt  }
0x41: {  	_ =	shalt  }
0x42: {  	_ =	shalt  }
0x43: {  	_ =	shalt  }
0x44: {  	_ =	shalt  }
0x45: {  	_ =	shalt  }
0x46: {  	_ =	shalt  }
0x47: {  	_ =	shalt  }
0x48: {  	_ =	shalt  }
0x49: {  	_ =	shalt  }
0x4a: {  	_ =	shalt  }
0x4b: {  	_ =	shalt  }
0x4c: {  	_ =	shalt  }
0x4d: {  	_ =	shalt  }
0x4e: {  	_ =	shalt  }
0x4f: {  	_ =	shalt  }
0x50: {  	_ =	shalt  }
0x51: {  	_ =	shalt  }
0x52: {  	_ =	shalt  }
0x53: {  	_ =	shalt  }
0x54: {  	_ =	shalt  }
0x55: {  	_ =	shalt  }
0x56: {  	_ =	shalt  }
0x57: {  	_ =	shalt  }
0x58: {  	_ =	shalt  }
0x59: {  	_ =	shalt  }
0x5a: {  	_ =	shalt  }
0x5b: {  	_ =	shalt  }
0x5c: {  	_ =	shalt  }
0x5d: {  	_ =	shalt  }
0x5e: {  	_ =	shalt  }
0x5f: {  	_ =	shalt  }
0x60: {  	_ =	shalt  }
0x61: {  	_ =	shalt  }
0x62: {  	_ =	shalt  }
0x63: {  	_ =	shalt  }
0x64: {  	_ =	shalt  }
0x65: {  	_ =	shalt  }
0x66: {  	_ =	shalt  }
0x67: {  	_ =	shalt  }
0x68: {  	_ =	shalt  }
0x69: {  	_ =	shalt  }
0x6a: {  	_ =	shalt  }
0x6b: {  	_ =	shalt  }
0x6c: {  	_ =	shalt  }
0x6d: {  	_ =	shalt  }
0x6e: {  	_ =	shalt  }
0x6f: {  	_ =	shalt  }
0x70: {  	_ =	shalt  }
0x71: {  	_ =	shalt  }
0x72: {  	_ =	shalt  }
0x73: {  	_ =	shalt  }
0x74: {  	_ =	shalt  }
0x75: {  	_ =	shalt  }
0x76: {  	_ =	shalt  }
0x77: {  	_ =	shalt  }
0x78: {  	_ =	shalt  }
0x79: {  	_ =	shalt  }
0x7a: {  	_ =	shalt  }
0x7b: {  	_ =	shalt  }
0x7c: {  	_ =	shalt  }
0x7d: {  	_ =	shalt  }
0x7e: {  	_ =	shalt  }
0x7f: {  	_ =	shalt  }
0x80: {  	_ =	shalt  }
0x81: {  	_ =	shalt  }
0x82: {  	_ =	shalt  }
0x83: {  	_ =	shalt  }
0x84: {  	_ =	shalt  }
0x85: {  	_ =	shalt  }
0x86: {  	_ =	shalt  }
0x87: {  	_ =	shalt  }
.Lfunc_end0:
.L_simem_size_0:
called_computation.1_lowered:
.L_overlay_start_0:
0x88: {  	s2 =	sld [smem:$0x3FD9]  }
0x89: {  	s3 =	sld [smem:$0x3FFE];
	_ =	sdelay $0x1  }
0x8a: {  	s1 =	srdreg.scid  }
0x8b: {  	s0 =	sand.u32 $0x1, s1  }
0x8c: {  	s17 =	sshll.u32 s0, $0xA;
	s2 =	sadd.s32 s3, s2  }
0x8d: {  	s2 =	sadd.s32 s2, s17  }
0x8e: {  	[smem:$0x3FBE] =	sst s2  }
0x8f: {  	_ = 	snop  }
0x90: {  	s2 =	sld [smem:$0x3FD0];
	(tm) =	ssettm $0x1  }
0x91: {  	s18 =	sld [smem:$0x3FFB];
	_ =	sdelay $0x3  }
0x92: {  	_ =	strace s18  }
0x93: {  	s3 =	sld [smem:$0x3FFC];
	_ =	sdelay $0x3  }
0x94: {  	_ =	strace s3  }
0x95: {  	s3 =	sld [smem:$0x3FFD];
	_ =	sdelay $0x3  }
0x96: {  	_ =	strace s3  }
0x97: {  	_ =	strace $0x8FFFFFFF  }
0x98: {  	s19 =	sld [smem:$0x3FDB];
	_ =	sdelay $0x1  }
0x99: {  	s4 =	simm.s32 $_scs_section_size  }
0x9a: {  	s5 =	simm.s32 $_size__tile_overlayer_lowered;
	s6 =	simm.s32 $_tile_overlayer_lowered  }
0x9b: {  	s22 =	simm.s32 $0x1BFF;
	s21 =	sshll.u32 s6, $0x1;
	s3 =	sadd.s32 s4, s19  }
0x9c: {  	s7 =	simm.s32 $0x0;
	s20 =	sshll.u32 s5, $0x1;
	s5 =	sadd.s32 s21, s3  }
0x9d: {  	[timem:s7], [sflag:s22] =	dma.local [hbm:s5], s20  }
0x9e: {  	_ =	swait.ge [sflag:s22], s20  }
0x9f: {  	s4 =	ssub.s32 $0x0, s20;
	[sflag:s22] =	ssyncset.done $0x0  }
0xa0: {  	[sflag:s22] =	ssyncadd.s32 s4;
	_ =	sdelay $0x1  }
0xa1: {  	s23 =	simm.s32 $0x1B8B  }
0xa2: {  	_ =	swait.ge [sflag:s23], $0x1  }
0xa3: {  	[sflag:s23] =	ssyncset.done $0x0  }
0xa4: {  	s25 =	simm.s32 $0x1B8E;
	s24 =	sld [smem:$0x3FFE];
	[sflag:s23] =	ssyncadd.s32 $0xFFFFFFFF  }
0xa5: {  	s26 =	simm.s32 $execute0_lowered;
	[smem:$0x3FD2] =	sst s25  }
0xa6: {  	s5 =	sshll.u32 s26, $0x1;
	_ =	strace $0x80000049;
	[dreg:$0x1] =	wrdreg $0xFFFFFFFF  }
0xa7: {  	s28 =	simm.s32 $_size_execute0_lowered;
	s3 =	sadd.s32 s3, s5;
	[dreg:$0x0] =	wrdreg $0x0  }
0xa8: {  	s5 =	sshll.u32 s28, $0x1;
	[dreg:$0x2] =	wrdreg s3  }
0xa9: {  	[dreg:$0x3] =	wrdreg s5  }
0xaa: {  	[dreg:$0x4] =	wrdreg $0xC0  }
0xab: {  	_ =	task [dreg:s7], $0x5FFFF  }
0xac: {  	[dreg:$0x1] =	wrdreg $0xFFFFFFFF  }
0xad: {  	[dreg:$0x0] =	wrdreg $0x60  }
0xae: {  	[dreg:$0x2] =	wrdreg s24  }
0xaf: {  	[dreg:$0x3] =	wrdreg s2  }
0xb0: {  	[dreg:$0x4] =	wrdreg $0x0  }
0xb1: {  	[dreg:$0x5] =	wrdreg $0x9  }
0xb2: {  	_ =	task.clear_ibuf [dreg:s7], $0x6FFFF;
	_ =	strace $0x90000049  }
0xb3: {  	s29 =	simm.s32 $0x9;
	_ =	strace $0x8000004B  }
0xb4: {  	_ =	swait.ge [sflag:s29], $0x1  }
0xb5: {  	[sflag:s29] =	ssyncadd.s32 $0xFFFFFFFF  }
0xb6: {  	_ =	strace $0x9000004B  }
0xb7: {  	_ =	sfence  }
0xb8: {  	s30 =	sld [smem:$0x0];
	_ =	sdelay $0x2  }
0xb9: {  	s31 =	sshll.u32 s1, $0xD;
	s1 =	sshrl.u32 s1, $0x2  }
0xba: {  	s3 =	sand.u32 $0x4000, s31;
	s1 =	sadd.s32 s1, s30  }
0xbb: {  	s0 =	sor.u32 s3, s0;
	s1 =	sshll.u32 s1, $0x11  }
0xbc: {  	s0 =	sor.u32 s1, s0  }
0xbd: {  	s0 =	sadd.s32 $0x8F2B, s0  }
0xbe: {  	[sflag:s0] =	ssyncadd.remote.s32 $0x1  }
0xbf: {  	_ =	sfence.sel $0xFFFF  }
0xc0: {  	[dreg:$0x0] =	wrdreg $0xFFFFFFFF;
	(pc) =	sbr.abs _section_cstart, $3  }
0xc1: {  	[dreg:$0x1] =	wrdreg $0xFFFFFFFF  }
0xc2: {  	_ =	task.clear_ibuf [dreg:s7], $0x2FFFF;
	_ =	strace $0x9FFFFFFF  }
0xc3: {  	(tm) =	ssettm $0x7FFFFFFF  }
tec
execute0_lowered:
.L_overlay_start_1:
0x0: {  	(tag) =	ssettag $0x1  }
0x1: {  	s0 =	rddreg [dreg:$0x0]  }
0x2: {  	s5 =	rddreg [dreg:$0x1]  }
0x3: {  	s1 =	rddreg [dreg:$0x2]  }
0x4: {  	s2 =	srdreg.scid;
	s8 =	stileid.u32  }
0x5: {  	s28 =	simm.s32 $0x13A80;
	s31 =	simm.s32 $0x50;
	s29 =	simm.s32 $0x1  }
0x6: {  	s30 =	simm.s32 $0x4;
	s7 =	sand.u32 $0x1, s2;
	s2 =	simm.s32 $0x0  }
0x7: {  	s9 =	sadd.s32 $0x2000, s0;
	s11 =	smul.u32 $0x4E000, s8;
	s23 =	sshll.u32 s8, $0x6  }
0x8: {  	s17 =	smul.u32 $0x13800, s8;
	p0 =	sne.s32 s8, $0x0;
	s3 =	sshll.u32 s7, $0x4  }
0x9: {  	[smem:$0x7FF] =	sst s2;
	s10 =	ssub.s32 $0x2, s7;
	s15 =	smul.u32 $0x138800, s7  }
0xa: {  	s7 =	smul.u32 $0x27100, s7;
	s4 =	sor.u32 s8, s3;
	_ =	strace $0x8000004A  }
0xb: {  	s3 =	sadd.s32 $0xE800, s0;
	s12 =	sshrl.u32 s10, $0x1;
	s11 =	sshrl.u32 s11, $0x2  }
0xc: {  	s6 =	smul.u32 $0x2710, s4;
	s4 =	sadd.s32 $0xC000, s0;
	s0 =	sadd.s32 $0x35A00, s0  }
0xd: {  	s10 =	ssub.s32 s10, s12;
	s22 =	sadd.s32 s11, s1;
	s20 =	sadd.s32 s17, s15  }
0xe: {  	[dreg:$0x4] =	wrdreg s22;
	s22 =	sadd.s32 $0x138000, s1;
	s21 =	sshrl.u32 s6, $0x3  }
0xf: {  	s6 =	sor.u32 $0x1C05, s23;
	[dreg:$0xb] =	wrdreg s22;
	s23 =	sshrl.u32 s15, $0x3  }
0x10: {  	s22 =	simm.s32 $0x5;
	s24 =	sadd.s32 $0xA, s21;
	s19 =	sadd.s32 s9, s21  }
0x11: {  	s25 =	sadd.s32 $0x14, s21;
	s14 =	sadd.s32 $0x1E, s21;
	s12 =	sadd.s32 s5, s21  }
0x12: {  	s21 =	smul.u32 $0x2710, s8;
	s13 =	sadd.s32 s9, s24;
	[dreg:$0x8] =	wrdreg s12  }
0x13: {  	s8 =	simm.s32 $0x3;
	s16 =	sadd.s32 s9, s25;
	[dreg:$0x5] =	wrdreg s13  }
0x14: {  	s26 =	sadd.s32 s9, s14;
	s11 =	sadd.s32 s5, s24;
	[dreg:$0x6] =	wrdreg s16  }
0x15: {  	s18 =	sadd.s32 s5, s25;
	s24 =	smax.u32 s10, $0x1;
	[dreg:$0x7] =	wrdreg s26  }
0x16: {  	s17 =	smov.u32 s19;
	s19 =	sadd.s32 $0x28, s19;
	[dreg:$0x9] =	wrdreg s11  }
0x17: {  	[dreg:$0xa] =	wrdreg s18;
	s11 =	sshrl.u32 s20, $0x3;
	s7 =	sadd.s32 s21, s7  }
0x18: {  	[dreg:$0xe] =	wrdreg s24;
	s18 =	sadd.s32 s5, s14;
	s24 =	simm.s32 $0x13900  }
0x19: {  	s11 =	sadd.s32 s0, s11;
	s0 =	sadd.s32 s0, s23;
	s25 =	sadd.s32 $0x190, s7  }
.Ltmp0:
0x1a: {  	s7 =	sadd.s32 $0x140, s7;
	s23 =	simm.s32 $0x13880;
	(pc) =	sbr.rel .LBB2_1-.Ltmp0, $4  }
0x1b: {  	[dreg:$0xc] =	wrdreg s11;
	s0 =	sadd.s32 $0x27000, s0;
	s26 =	sshrl.u32 s7, $0x3  }
0x1c: {  	[dreg:$0xd] =	wrdreg s0;
	s0 =	sshrl.u32 s25, $0x3;
	s21 =	sadd.s32 s26, s5  }
0x1d: {  	s25 =	simm.s32 $0x13980;
	s26 =	simm.s32 $0x13A00;
	s5 =	simm.s32 $0x2  }
0x1e: {  	s20 =	sadd.s32 s0, s9;
	s0 =	simm.s32 $0x13C80;
	s9 =	simm.s32 $0x0  }
.LBB2_6:
0x1f: {  	_ =	swait.ge [sflag:s30], $0x2800  }
0x20: {  	[sflag:s30] =	ssyncset.done $0x0  }
0x21: {  	[sflag:s30] =	ssyncadd.s32 $0xFFFFD800  }
0x22: {  	[bflag:$0x0] =	sbarrier.arrive $0xFFFF  }
0x23: {  	s11 =	rddreg [dreg:$0xc]  }
0x24: {  	[hbm:s11], [sflag:s6] =	dma.local [spmem:s10], $0x2700  }
0x25: {  	_ =	swait.ge [sflag:s22], $0x2700  }
0x26: {  	[sflag:s22] =	ssyncset.done $0x0  }
0x27: {  	s10 =	rddreg [dreg:$0xd];
	[sflag:s22] =	ssyncadd.s32 $0xFFFFD900  }
0x28: {  	[hbm:s10], [sflag:s6] =	dma.local @!p0 [spmem:s7], $0x100  }
0x29: {  	s7 =	simm.s32 @!p0 $0x5  }
0x2a: {  	_ =	swait.ge @!p0 [sflag:s7], $0x100  }
0x2b: {  	s9 =	sadd.s32 $0x1, s9;
	s16 =	rddreg [dreg:$0xe]  }
0x2c: {  	p1 =	sne.s32 s9, s16  }
.Ltmp1:
0x2d: {  	_ = 	snop;
	(pc) =	sbr.rel @!p1 .LBB2_7-.Ltmp1, $3  }
0x2e: {  	_ =	sdelay $0x1  }
0x2f: {  	[sflag:s7] =	ssyncset.done @!p0 $0x0  }
0x30: {  	[sflag:s7] =	ssyncadd.s32 @!p0 $0xFFFFFF00  }
.LBB2_1:
0x31: {  	s7 =	rddreg [dreg:$0x4]  }
0x32: {  	s10 =	sshrl.u32 s7, $0x3  }
0x33: {  	[spmem:s10], [sflag:s6] =	dma.local [hbm:s4], $0x2700  }
0x34: {  	_ =	swait.ge [sflag:s22], $0x2700  }
0x35: {  	[sflag:s22] =	ssyncset.done $0x0  }
0x36: {  	[sflag:s22] =	ssyncadd.s32 $0xFFFFD900  }
0x37: {  	[tilespmem:s23], [sflag:$0x5] =	stream.linear.gather [hbm4b:s17+s2], $0x50, $0x38;
	[tilespmem:$0x1DC80] =	vst v63  }
0x38: {  	_ =	swait.ge [sflag:s22], $0x50  }
0x39: {  	[sflag:s22] =	ssyncset.done $0x0  }
0x3a: {  	s12 =	rddreg [dreg:$0x5];
	[sflag:s22] =	ssyncadd.s32 $0xFFFFFFB0  }
0x3b: {  	[tilespmem:s24], [sflag:$0x5] =	stream.linear.gather [hbm4b:s12+s2], $0x50, $0x38;
	[tilespmem:$0x1DC80] =	vst v63  }
0x3c: {  	_ =	swait.ge [sflag:s22], $0x50  }
0x3d: {  	[sflag:s22] =	ssyncset.done $0x0  }
0x3e: {  	s13 =	rddreg [dreg:$0x6];
	[sflag:s22] =	ssyncadd.s32 $0xFFFFFFB0  }
0x3f: {  	[tilespmem:s25], [sflag:$0x5] =	stream.linear.gather [hbm4b:s13+s2], $0x50, $0x38;
	[tilespmem:$0x1DC80] =	vst v63  }
0x40: {  	_ =	swait.ge [sflag:s22], $0x50  }
0x41: {  	[sflag:s22] =	ssyncset.done $0x0  }
0x42: {  	s14 =	rddreg [dreg:$0x7];
	[sflag:s22] =	ssyncadd.s32 $0xFFFFFFB0  }
0x43: {  	[tilespmem:s26], [sflag:$0x5] =	stream.linear.gather [hbm4b:s14+s2], $0x50, $0x38;
	[tilespmem:$0x1DC80] =	vst v63  }
0x44: {  	_ =	swait.ge [sflag:s22], $0x50  }
0x45: {  	[sflag:s22] =	ssyncset.done $0x0  }
0x46: {  	s15 =	rddreg [dreg:$0x8];
	[sflag:s22] =	ssyncadd.s32 $0xFFFFFFB0  }
0x47: {  	[tilespmem:s28], [sflag:$0x5] =	stream.linear.gather [hbm4b:s15+s2], $0x50, $0x38;
	[tilespmem:$0x1DC80] =	vst v63  }
0x48: {  	_ =	swait.ge [sflag:s22], $0x50  }
0x49: {  	[sflag:s22] =	ssyncset.done $0x0  }
0x4a: {  	s11 =	simm.s32 $0x13B00;
	s16 =	rddreg [dreg:$0x9];
	[sflag:s22] =	ssyncadd.s32 $0xFFFFFFB0  }
0x4b: {  	[tilespmem:s11], [sflag:$0x5] =	stream.linear.gather [hbm4b:s16+s2], $0x50, $0x38;
	[tilespmem:$0x1DC80] =	vst v63  }
0x4c: {  	_ =	swait.ge [sflag:s22], $0x50  }
0x4d: {  	[sflag:s22] =	ssyncset.done $0x0  }
0x4e: {  	s12 =	simm.s32 $0x13B80;
	s11 =	rddreg [dreg:$0xa];
	[sflag:s22] =	ssyncadd.s32 $0xFFFFFFB0  }
0x4f: {  	[tilespmem:s12], [sflag:$0x5] =	stream.linear.gather [hbm4b:s11+s2], $0x50, $0x38;
	[tilespmem:$0x1DC80] =	vst v63  }
0x50: {  	_ =	swait.ge [sflag:s22], $0x50  }
0x51: {  	[sflag:s22] =	ssyncset.done $0x0;
	s7 =	rddreg [dreg:$0xb]  }
0x52: {  	s11 =	simm.s32 @!p0 $0x5;
	[sflag:s22] =	ssyncadd.s32 $0xFFFFFFB0;
	s7 =	sshrl.u32 @!p0 s7, $0x3  }
0x53: {  	[spmem:s7], [sflag:s6] =	dma.local @!p0 [hbm:s4], $0x100  }
0x54: {  	_ =	swait.ge @!p0 [sflag:s11], $0x100  }
0x55: {  	[sflag:s11] =	ssyncset.done @!p0 $0x0  }
0x56: {  	[sflag:s11] =	ssyncadd.s32 @!p0 $0xFFFFFF00  }
0x57: {  	[bflag:$0x0] =	sbarrier.arrive $0xFFFF  }
0x58: {  	[tilespmem:s0], [sflag:$0x1] =	stream.indirect.gather [hbm4b:s3+s31], $0x80, s23, s31, $0xb8;
	[tilespmem:$0x1DC80] =	vst v63  }
0x59: {  	s13 =	simm.s32 $0x16480  }
0x5a: {  	[tilespmem:s13], [sflag:$0x1] =	stream.indirect.gather [hbm4b:s3+s31], $0x80, s24, s31, $0xb8;
	[tilespmem:$0x1DC80] =	vst v63  }
0x5b: {  	s14 =	simm.s32 $0x18C80  }
0x5c: {  	[tilespmem:s14], [sflag:$0x1] =	stream.indirect.gather [hbm4b:s3+s31], $0x80, s25, s31, $0xb8;
	[tilespmem:$0x1DC80] =	vst v63  }
0x5d: {  	_ =	swait.ge [sflag:s29], $0x2800  }
0x5e: {  	[sflag:s29] =	ssyncset.done $0x0  }
0x5f: {  	s15 =	simm.s32 $0x1B480;
	[sflag:s29] =	ssyncadd.s32 $0xFFFFD800  }
0x60: {  	[tilespmem:s15], [sflag:$0x1] =	stream.indirect.gather [hbm4b:s3+s31], $0x80, s26, s31, $0xb8;
	[tilespmem:$0x1DC80] =	vst v63  }
0x61: {  	s16 =	simm.s32 $0x13C00  }
0x62: {  	[tilespmem:s16], [sflag:$0x3] =	stream.linear.gather [hbm4b:s18+s2], $0x50, $0x38;
	[tilespmem:$0x1DC80] =	vst v63  }
.Ltmp2:
0x63: {  	_ = 	snop;
	(pc) =	sbr.rel .LBB2_2-.Ltmp2, $4  }
0x64: {  	_ = 	snop  }
0x65: {  	[tilespmem:s23], [sflag:$0x2] =	stream.linear.gather [hbm4b:s19+s2], $0x50, $0x38;
	[tilespmem:$0x1DC80] =	vst v63  }
0x66: {  	s12 =	simm.s32 $0x0;
	s11 =	simm.s32 $0x4  }
0x67: {  	[spmem:s1] =	stream.indirect.scatter.add.f32 [tilespmem:s0], [sflag:$0x4], $0x80, s28, s31, $0xb8;
	[tilespmem:$0x1DC80] =	vst v63  }
.LBB2_4:
0x68: {  	_ =	swait.ge [sflag:s5], $0x50  }
0x69: {  	s14 =	sand.u32 $0x3, s11;
	[sflag:s5] =	ssyncset.done $0x0  }
0x6a: {  	s15 =	smul.u32 $0xA000, s14;
	[sflag:s5] =	ssyncadd.s32 $0xFFFFFFB0  }
0x6b: {  	_ =	swait.ge [sflag:s8], $0x50  }
0x6c: {  	s14 =	sshll.u32 s14, $0x7;
	s15 =	sshrl.u32 s15, $0x2;
	[sflag:s8] =	ssyncset.done $0x0  }
0x6d: {  	s16 =	sadd.s32 $0x13880, s14;
	s15 =	sadd.s32 $0x13C80, s15;
	[sflag:s8] =	ssyncadd.s32 $0xFFFFFFB0  }
0x6e: {  	[tilespmem:s15], [sflag:$0x1] =	stream.indirect.gather [hbm4b:s3+s31], $0x80, s16, s31, $0xb8;
	[tilespmem:$0x1DC80] =	vst v63  }
0x6f: {  	s14 =	sadd.s32 $0x13A80, s14;
	s16 =	sadd.s32 s12, s21  }
0x70: {  	[tilespmem:s14], [sflag:$0x3] =	stream.linear.gather [hbm4b:s16+s2], $0x50, $0x38;
	[tilespmem:$0x1DC80] =	vst v63  }
0x71: {  	p1 =	sne.s32 s12, $0x4B0;
	s14 =	sshll.u32 s13, $0x9  }
0x72: {  	s15 =	sshrl.u32 @p1 s14, $0x2  }
0x73: {  	s16 =	sadd.s32 @p1 s12, s20;
	s15 =	sadd.s32 @p1 $0x13880, s15  }
0x74: {  	[tilespmem:s15], [sflag:$0x2] =	stream.linear.gather @p1 [hbm4b:s16+s2], $0x50, $0x38;
	[tilespmem:$0x1DC80] =	vst v63  }
.LBB2_5:
0x75: {  	s12 =	sadd.s32 $0xA, s12  }
0x76: {  	s13 =	smul.u32 $0xA000, s13;
	p1 =	sne.s32 s12, $0x4D8  }
.Ltmp3:
0x77: {  	_ = 	snop;
	(pc) =	sbr.rel @!p1 .LBB2_6-.Ltmp3, $4  }
0x78: {  	_ = 	snop  }
0x79: {  	s14 =	sshrl.u32 s14, $0x2;
	s13 =	sshrl.u32 s13, $0x2  }
0x7a: {  	s11 =	sadd.s32 $0x1, s11;
	s14 =	sadd.s32 $0x13A80, s14;
	s13 =	sadd.s32 $0x13C80, s13  }
0x7b: {  	[spmem:s1] =	stream.indirect.scatter.add.f32 [tilespmem:s13], [sflag:$0x4], $0x80, s14, s31, $0xb8;
	[tilespmem:$0x1DC80] =	vst v63  }
.LBB2_2:
0x7c: {  	s13 =	sadd.s32 $0xFFFFFFFD, s11  }
0x7d: {  	_ =	swait.ge [sflag:s29], $0x2800;
	p1 =	slt.u32 s13, $0x7A  }
.Ltmp4:
0x7e: {  	[sflag:s29] =	ssyncset.done $0x0;
	(pc) =	sbr.rel @p1 .LBB2_4-.Ltmp4, $4  }
0x7f: {  	[sflag:s29] =	ssyncadd.s32 $0xFFFFD800  }
0x80: {  	_ =	swait.ge [sflag:s30], $0x2800  }
0x81: {  	[sflag:s30] =	ssyncset.done $0x0  }
0x82: {  	s13 =	sand.u32 $0x3, s13;
	[sflag:s30] =	ssyncadd.s32 $0xFFFFD800  }
.Ltmp5:
0x83: {  	p1 =	sne.s32 s12, $0x4BA;
	(pc) =	sbr.rel .LBB2_5-.Ltmp5, $4  }
0x84: {  	s14 =	simm.s32 @!p1 $0x3  }
0x85: {  	_ =	swait.ge @!p1 [sflag:s14], $0x50  }
0x86: {  	[sflag:s14] =	ssyncset.done @!p1 $0x0  }
0x87: {  	[sflag:s14] =	ssyncadd.s32 @!p1 $0xFFFFFFB0;
	s14 =	sshll.u32 s13, $0x9  }
.LBB2_7:
0x88: {  	_ =	sfence.sel $0x180000  }
0x89: {  	[bflag:$0x0] =	sbarrier.arrive $0xFFFF  }
0x8a: {  	_ =	strace $0x9000004A  }
0x8b: {  	[bflag:$0x2] =	sbarrier.arrive $0xFFFF  }
0x8c: {  	s0 =	rddreg [dreg:$0x3]  }
0x8d: {  	s0 =	sadd.s32 @!p0 $0x100000, s0  }
0x8e: {  	[sflag:s0] =	ssyncadd.tile.s32 @!p0 $0x1;
	_ =	shalt  }
.Lfunc_end2:
_tile_overlayer_lowered:
.L_overlay_start_2:
0x8f: {  	(tag) =	ssettag $0x2  }
0x90: {  	s0 =	rddreg [dreg:$0x0];
	s2 =	stileid.u32  }
0x91: {  	s1 =	rddreg [dreg:$0x1];
	p0 =	sne.s32 s2, $0x0  }
0x92: {  	s3 =	rddreg [dreg:$0x2];
	[bflag:$0x3] =	sbarrier.arrive $0xFFFF;
	s2 =	simm.s32 @!p0 $0x1C05  }
0x93: {  	[timem:s3], [sflag:s2] =	dma.local @!p0 [hbm:s0], s1  }
0x94: {  	s0 =	simm.s32 @!p0 $0x5  }
0x95: {  	_ =	swait.ge @!p0 [sflag:s0], s1  }
0x96: {  	s1 =	ssub.s32 @!p0 $0x0, s1;
	[sflag:s0] =	ssyncset.done @!p0 $0x0  }
0x97: {  	[sflag:s0] =	ssyncadd.s32 @!p0 s1  }
0x98: {  	[bflag:$0x3] =	sbarrier.arrive $0xFFFF  }
0x99: {  	_ =	shalt  }

</sc_bundles>
